<compile_context>
chip_gen: v7x
topology: tpu7x:2x2x1
jax: 0.10.2.dev20260603
libtpu: 0.0.44.dev20260713+nightly
codegen_flags: <defaults>
</compile_context>

<pallas_src>
import functools

import jax
import jax.numpy as jnp
from jax import lax
from jax.experimental import pallas as pl
from jax.experimental.pallas import tpu as pltpu
from jax.experimental.pallas import tpu_sc as plsc

BATCH = 8
SEQ = 4096
DIM = 64
N_HASHES = 8
BUCKET_SIZE = 64
N_BUCKETS = SEQ // BUCKET_SIZE
N_CHUNKS = SEQ // BUCKET_SIZE
TASKS = BATCH * N_HASHES
NEG_SELF = -10000.0
GCHUNK = 128
NG = 2
GB = BATCH // NG
GT = TASKS // NG


def _hash_sort_body(qk_ref, rot_ref, pos_ref, off_ref, cnt_ref):
    qk = qk_ref[0]
    rot = rot_ref[0]
    r = lax.dot_general(qk, rot, (((1,), (0,)), ((), ())),
                        preferred_element_type=jnp.float32)
    r2 = jnp.concatenate([r, -r], axis=-1)
    m = jnp.max(r2, axis=-1, keepdims=True)
    col = lax.broadcasted_iota(jnp.int32, r2.shape, 1)
    bucket = jnp.min(jnp.where(r2 == m, col, N_BUCKETS), axis=-1,
                     keepdims=True)

    onehot = (bucket == lax.broadcasted_iota(
        jnp.int32, (SEQ, N_BUCKETS), 1)).astype(jnp.float32)

    cum = onehot
    k = 1
    while k < SEQ:
        cum = cum + jnp.concatenate(
            [jnp.zeros((k, N_BUCKETS), jnp.float32), cum[:-k]], axis=0)
        k *= 2

    counts = jnp.sum(onehot, axis=0, keepdims=True)
    ci = counts.astype(jnp.int32)
    hi = (ci >> 8).astype(jnp.float32)
    lo = (ci & 255).astype(jnp.float32)
    tri = (lax.broadcasted_iota(jnp.int32, (N_BUCKETS, N_BUCKETS), 0)
           < lax.broadcasted_iota(
               jnp.int32, (N_BUCKETS, N_BUCKETS), 1)).astype(jnp.float32)
    off = (lax.dot_general(hi, tri, (((1,), (0,)), ((), ()))) * 256.0
           + lax.dot_general(lo, tri, (((1,), (0,)), ((), ()))))

    pos = jnp.sum(onehot * (cum - 1.0 + off), axis=-1, keepdims=True)
    pos_ref[0] = pos.astype(jnp.int32).reshape(SEQ // 128, 128)
    off_ref[0] = off.astype(jnp.int32)
    cnt_ref[0] = ci


def _hash_sort(qk, rot_t):
    return pl.pallas_call(
        _hash_sort_body,
        grid=(GB, N_HASHES),
        in_specs=[
            pl.BlockSpec((1, SEQ, DIM), lambda b, h: (b, 0, 0)),
            pl.BlockSpec((1, DIM, N_BUCKETS // 2), lambda b, h: (h, 0, 0)),
        ],
        out_specs=[
            pl.BlockSpec((1, SEQ // 128, 128),
                         lambda b, h: (b * N_HASHES + h, 0, 0)),
            pl.BlockSpec((1, 1, N_BUCKETS),
                         lambda b, h: (b * N_HASHES + h, 0, 0)),
            pl.BlockSpec((1, 1, N_BUCKETS),
                         lambda b, h: (b * N_HASHES + h, 0, 0)),
        ],
        out_shape=[
            jax.ShapeDtypeStruct((GT, SEQ // 128, 128), jnp.int32),
            jax.ShapeDtypeStruct((GT, 1, N_BUCKETS), jnp.int32),
            jax.ShapeDtypeStruct((GT, 1, N_BUCKETS), jnp.int32),
        ],
    )(qk, rot_t)


def _permute_body(g, qk_hbm, v_hbm, pos_hbm, sqk_hbm, sv_hbm,
                  pos_v, idxg_v, bufq, bufv, sem):
    nc = 2
    wid = lax.axis_index("s") * nc + lax.axis_index("c")
    tl = wid // 2
    half = wid % 2
    b = GB * g + tl // N_HASHES
    toff = pl.multiple_of(tl * SEQ, SEQ)
    pltpu.sync_copy(pos_hbm.at[pl.ds(toff, SEQ)], pos_v)

    boff = b * SEQ

    def scat(j, _):
        base = pl.multiple_of(j * 16, 16)
        idx = pos_v[pl.ds(base, 16)]
        tok = lax.iota(jnp.int32, 16) + base
        plsc.store_scatter(idxg_v, [idx], tok + boff)
        return 0

    lax.fori_loop(0, SEQ // 16, scat, 0)

    def gat(gg, _):
        goff = pl.multiple_of((half * 4 + gg) * (4 * GCHUNK), 4 * GCHUNK)
        waits = []
        for j in range(4):
            idxs = idxg_v.at[pl.ds(goff + j * GCHUNK, GCHUNK)]
            dq = bufq.at[pl.ds(j * GCHUNK, GCHUNK)]
            dv = bufv.at[pl.ds(j * GCHUNK, GCHUNK)]
            waits.append(pltpu.async_copy(qk_hbm.at[idxs], dq, sem))
            waits.append(pltpu.async_copy(v_hbm.at[idxs], dv, sem))
        for w in waits:
            w.wait()
        pltpu.sync_copy(bufq, sqk_hbm.at[pl.ds(toff + goff, 4 * GCHUNK)])
        pltpu.sync_copy(bufv, sv_hbm.at[pl.ds(toff + goff, 4 * GCHUNK)])
        return 0

    lax.fori_loop(0, SEQ // (8 * GCHUNK), gat, 0)


def _permute(qk_flat, v_flat, pos_flat, g):
    tot = GT * SEQ
    mesh = plsc.VectorSubcoreMesh(core_axis_name="c", subcore_axis_name="s")
    fn = functools.partial(
        pl.kernel,
        out_type=[
            jax.ShapeDtypeStruct((tot, DIM), jnp.float32),
            jax.ShapeDtypeStruct((tot, DIM), jnp.float32),
        ],
        mesh=mesh,
        compiler_params=pltpu.CompilerParams(
            needs_layout_passes=False, use_tc_tiling_on_sc=False),
        scratch_types=[
            pltpu.VMEM((SEQ,), jnp.int32),
            pltpu.VMEM((SEQ,), jnp.int32),
            pltpu.VMEM((4 * GCHUNK, DIM), jnp.float32),
            pltpu.VMEM((4 * GCHUNK, DIM), jnp.float32),
            pltpu.SemaphoreType.DMA,
        ],
    )(functools.partial(_permute_body, g))
    return fn(qk_flat, v_flat, pos_flat)


def _attend_body(sqk_ref, sv_ref, off_ref, cnt_ref, so_ref, slse_ref):
    sqk = sqk_ref[0]
    sv = sv_ref[0]
    off = off_ref[0]
    cnt = cnt_ref[0]

    norms = jnp.sqrt(jnp.sum(sqk * sqk, axis=-1, keepdims=True))
    kn = sqk / jnp.maximum(norms, 1e-12)

    q = sqk.reshape(N_CHUNKS, BUCKET_SIZE, DIM)
    kc = kn.reshape(N_CHUNKS, BUCKET_SIZE, DIM)
    kwin = jnp.concatenate(
        [kc, jnp.concatenate([kc[-1:], kc[:-1]], axis=0)], axis=1)
    vc = sv.reshape(N_CHUNKS, BUCKET_SIZE, DIM)
    vwin = jnp.concatenate(
        [vc, jnp.concatenate([vc[-1:], vc[:-1]], axis=0)], axis=1)

    ji = lax.broadcasted_iota(jnp.int32, (SEQ, N_BUCKETS), 0)
    ohs = ((ji >= off) & (ji < off + cnt)).astype(jnp.float32)
    oq = ohs.reshape(N_CHUNKS, BUCKET_SIZE, N_BUCKETS)
    okw = jnp.concatenate(
        [oq, jnp.concatenate(
            [jnp.zeros((1, BUCKET_SIZE, N_BUCKETS), jnp.float32), oq[:-1]],
            axis=0)], axis=1)
    same = lax.dot_general(oq, okw, (((2,), (2,)), ((0,), (0,))))

    dots = lax.dot_general(q, kwin, (((2,), (2,)), ((0,), (0,))))
    dots = dots * (DIM ** -0.5)
    qi = lax.broadcasted_iota(jnp.int32, dots.shape, 1)
    zi = lax.broadcasted_iota(jnp.int32, dots.shape, 2)
    dots = jnp.where(qi == zi, NEG_SELF, dots)
    dots = jnp.where(same < 0.5, -jnp.finfo(jnp.float32).max, dots)

    m = jnp.max(dots, axis=-1, keepdims=True)
    e = jnp.exp(dots - m)
    s = jnp.sum(e, axis=-1, keepdims=True)
    lse = m + jnp.log(s)
    p = e * (1.0 / s)
    bo = lax.dot_general(p, vwin, (((2,), (1,)), ((0,), (0,))))
    so_ref[0] = bo.reshape(SEQ, DIM)
    slse_ref[0] = lse.reshape(SEQ, 1).reshape(SEQ // 128, 128)


def _attend(sqk, sv, offs, cnts):
    return pl.pallas_call(
        _attend_body,
        grid=(GT,),
        in_specs=[
            pl.BlockSpec((1, SEQ, DIM), lambda t: (t, 0, 0)),
            pl.BlockSpec((1, SEQ, DIM), lambda t: (t, 0, 0)),
            pl.BlockSpec((1, 1, N_BUCKETS), lambda t: (t, 0, 0)),
            pl.BlockSpec((1, 1, N_BUCKETS), lambda t: (t, 0, 0)),
        ],
        out_specs=[
            pl.BlockSpec((1, SEQ, DIM), lambda t: (t, 0, 0)),
            pl.BlockSpec((1, SEQ // 128, 128), lambda t: (t, 0, 0)),
        ],
        out_shape=[
            jax.ShapeDtypeStruct((GT, SEQ, DIM), jnp.float32),
            jax.ShapeDtypeStruct((GT, SEQ // 128, 128), jnp.float32),
        ],
    )(sqk, sv, offs, cnts)


def _unpermute_body(so_hbm, slse_hbm, pos_hbm, o_hbm, lg_hbm,
                    pos_v, gidx_v, lse_v, lgo_v, bufo, sem):
    nc = 2
    wid = lax.axis_index("s") * nc + lax.axis_index("c")
    tl = wid // 2
    half = wid % 2
    toff = pl.multiple_of(tl * SEQ, SEQ)
    pltpu.sync_copy(pos_hbm.at[pl.ds(toff, SEQ)], pos_v)
    pltpu.sync_copy(slse_hbm.at[pl.ds(toff, SEQ)], lse_v)

    hoff = half * (SEQ // 2)

    def addoff(j, _):
        base = pl.multiple_of(hoff + j * 16, 16)
        idx = pos_v[pl.ds(base, 16)]
        gidx_v[pl.ds(base, 16)] = idx + toff
        lgo_v[pl.ds(base, 16)] = plsc.load_gather(lse_v, [idx])
        return 0

    lax.fori_loop(0, SEQ // 32, addoff, 0)
    pltpu.sync_copy(lgo_v.at[pl.ds(hoff, SEQ // 2)],
                    lg_hbm.at[pl.ds(toff + hoff, SEQ // 2)])

    def gat(gg, _):
        goff = pl.multiple_of((half * 4 + gg) * (4 * GCHUNK), 4 * GCHUNK)
        waits = []
        for j in range(4):
            idxs = gidx_v.at[pl.ds(goff + j * GCHUNK, GCHUNK)]
            do = bufo.at[pl.ds(j * GCHUNK, GCHUNK)]
            waits.append(pltpu.async_copy(so_hbm.at[idxs], do, sem))
        for w in waits:
            w.wait()
        pltpu.sync_copy(bufo, o_hbm.at[pl.ds(toff + goff, 4 * GCHUNK)])
        return 0

    lax.fori_loop(0, SEQ // (8 * GCHUNK), gat, 0)


def _unpermute(so_flat, slse_flat, pos_flat):
    tot = GT * SEQ
    mesh = plsc.VectorSubcoreMesh(core_axis_name="c", subcore_axis_name="s")
    fn = functools.partial(
        pl.kernel,
        out_type=[
            jax.ShapeDtypeStruct((tot, DIM), jnp.float32),
            jax.ShapeDtypeStruct((tot,), jnp.float32),
        ],
        mesh=mesh,
        compiler_params=pltpu.CompilerParams(
            needs_layout_passes=False, use_tc_tiling_on_sc=False),
        scratch_types=[
            pltpu.VMEM((SEQ,), jnp.int32),
            pltpu.VMEM((SEQ,), jnp.int32),
            pltpu.VMEM((SEQ,), jnp.float32),
            pltpu.VMEM((SEQ,), jnp.float32),
            pltpu.VMEM((4 * GCHUNK, DIM), jnp.float32),
            pltpu.SemaphoreType.DMA,
        ],
    )(_unpermute_body)
    return fn(so_flat, slse_flat, pos_flat)


_CSEQ = 512


def _combine_body(o_ref, lg_ref, out_ref):
    o = o_ref[0]
    lg = lg_ref[0]
    m = jnp.max(lg, axis=-1, keepdims=True)
    e = jnp.exp(lg - m)
    s = jnp.sum(e, axis=-1, keepdims=True)
    p = e / s
    acc = o[0] * p[:, 0:1]
    for h in range(1, N_HASHES):
        acc = acc + o[h] * p[:, h:h + 1]
    out_ref[0] = acc


def _combine(o4, lg3t):
    return pl.pallas_call(
        _combine_body,
        grid=(GB, SEQ // _CSEQ),
        in_specs=[
            pl.BlockSpec((1, N_HASHES, _CSEQ, DIM), lambda b, s: (b, 0, s, 0)),
            pl.BlockSpec((1, _CSEQ, N_HASHES), lambda b, s: (b, s, 0)),
        ],
        out_specs=pl.BlockSpec((1, _CSEQ, DIM), lambda b, s: (b, s, 0)),
        out_shape=jax.ShapeDtypeStruct((GB, SEQ, DIM), jnp.float32),
    )(o4, lg3t)


def kernel(qk, v):
    rot = jax.random.normal(jax.random.key(42),
                            (DIM, N_HASHES, N_BUCKETS // 2), dtype=qk.dtype)
    rot_t = jnp.transpose(rot, (1, 0, 2))

    qk_flat = qk.reshape(BATCH * SEQ, DIM)
    v_flat = v.reshape(BATCH * SEQ, DIM)

    outs = []
    for g in range(NG):
        pos, offs, cnts = _hash_sort(qk[g * GB:(g + 1) * GB], rot_t)
        pos_flat = pos.reshape(GT * SEQ)
        sqk_flat, sv_flat = _permute(qk_flat, v_flat, pos_flat, g)
        so, slse = _attend(sqk_flat.reshape(GT, SEQ, DIM),
                           sv_flat.reshape(GT, SEQ, DIM),
                           offs, cnts)
        o_flat, lg_flat = _unpermute(so.reshape(GT * SEQ, DIM),
                                     slse.reshape(GT * SEQ),
                                     pos_flat)
        lg3t = jnp.transpose(lg_flat.reshape(GB, N_HASHES, SEQ), (0, 2, 1))
        outs.append(_combine(o_flat.reshape(GB, N_HASHES, SEQ, DIM), lg3t))
    return jnp.concatenate(outs, axis=0)

# --- scband reference (transcript-rebuilt; emitter-appended) ---
"""Pipeline reference for scband-lshattention-163208757699 (READ-ONLY COPY).

The authoritative reference and input builder live on the scoring server;
editing this copy changes nothing except your own understanding.
"""

import jax, jax.numpy as jnp
import numpy as np
from jax.scipy.special import logsumexp

BUCKET_SIZE = 64
N_HASHES = 8
TOKEN_SELF_ATTN_VALUE = -10000.0


def look_one_back(x):
    x_extra = jnp.concatenate([x[:, -1:, ...], x[:, :-1, ...]], axis=1)
    return jnp.concatenate([x, x_extra], axis=2)


def setup_inputs(seed: int = 0) -> dict:
    key = jax.random.key(seed)
    k1, k2 = jax.random.split(key)
    qk = jax.random.normal(k1, (8, 4096, 64), dtype=jnp.float32)
    v = jax.random.normal(k2, (8, 4096, 64), dtype=jnp.float32)
    return {"qk": qk, "v": v}


def _lsh_attention(qk, v):
    batch, seqlen, dim = qk.shape
    n_buckets = seqlen // BUCKET_SIZE
    assert n_buckets % 2 == 0 and seqlen % (BUCKET_SIZE * 2) == 0

    # hash_vectors: random rotations (fixed seed; dropout_for_hash is identity at rate 0)
    rot = jax.random.normal(jax.random.key(42), (dim, N_HASHES, n_buckets // 2), dtype=qk.dtype)
    rotated = jnp.einsum('bsd,dhn->bhsn', qk, rot)
    rotated = jnp.concatenate([rotated, -rotated], axis=-1)
    buckets = jnp.argmax(rotated, axis=-1)  # [b, nh, s]
    offsets = (jnp.arange(N_HASHES) * n_buckets).reshape(1, N_HASHES, 1)
    buckets = (buckets + offsets).reshape(batch, N_HASHES * seqlen)

    total = N_HASHES * seqlen
    ticker = jnp.broadcast_to(jnp.arange(total), (batch, total))
    buckets_and_t = seqlen * buckets + (ticker % seqlen)
    buckets_and_t = jax.lax.stop_gradient(buckets_and_t)

    # sort_key_val: values are unique so ordering matches torch
    sticker = jnp.argsort(buckets_and_t, axis=-1)
    sbuckets_and_t = jnp.take_along_axis(buckets_and_t, sticker, axis=-1)
    undo_sort = jnp.argsort(sticker, axis=-1)

    st = sticker % seqlen
    sqk = jnp.take_along_axis(qk, st[:, :, None], axis=1)
    sv = jnp.take_along_axis(v, st[:, :, None], axis=1)

    n_chunks = N_HASHES * n_buckets
    bq_t = st.reshape(batch, n_chunks, -1)
    bqk = sqk.reshape(batch, n_chunks, -1, dim)
    bv = sv.reshape(batch, n_chunks, -1, dim)
    bq = bqk
    # F.normalize(p=2, dim=-1, eps=1e-12)
    norms = jnp.sqrt(jnp.sum(bqk * bqk, axis=-1, keepdims=True))
    bk = bqk / jnp.maximum(norms, 1e-12)

    bk = look_one_back(bk)
    bv = look_one_back(bv)
    bkv_t = look_one_back(bq_t)

    dots = jnp.einsum('bnsd,bnzd->bnsz', bq, bk) * (dim ** -0.5)
    masked_value = -jnp.finfo(dots.dtype).max

    # causal=False, input_mask=None -> skip those masks
    self_mask = bq_t[:, :, :, None] == bkv_t[:, :, None, :]
    dots = jnp.where(self_mask, TOKEN_SELF_ATTN_VALUE, dots)

    # attend_across_buckets=False -> mask cross-bucket attention
    bq_buckets = (sbuckets_and_t // seqlen).reshape(batch, n_chunks, -1)
    bkv_buckets = look_one_back(bq_buckets)
    bucket_mask = bq_buckets[:, :, :, None] != bkv_buckets[:, :, None, :]
    dots = jnp.where(bucket_mask, masked_value, dots)

    # allow_duplicate_attention=True -> duplicate-count correction branch skipped

    dots_logsumexp = logsumexp(dots, axis=-1, keepdims=True)
    dots = jnp.exp(dots - dots_logsumexp).astype(dots.dtype)
    # dropout rate 0 -> identity
    bo = jnp.einsum('bnsz,bnzd->bnsd', dots, bv)
    so = bo.reshape(batch, -1, dim)
    o = jnp.take_along_axis(so, undo_sort[:, :, None], axis=1)
    o = o.reshape(batch, N_HASHES, seqlen, dim)

    slogits = dots_logsumexp.reshape(batch, -1)
    logits = jnp.take_along_axis(slogits, undo_sort, axis=1)
    logits = logits.reshape(batch, N_HASHES, seqlen, 1)
    probs = jnp.exp(logits - logsumexp(logits, axis=1, keepdims=True))
    out = jnp.sum(o * probs, axis=1)
    return out


def reference(qk, v):
    return _lsh_attention(qk, v)

if __name__ == "__main__":
    import jax
    _d = setup_inputs()
    print(jax.jit(kernel)(*tuple(_d.values())))

</pallas_src>

<mosaic_0001>
#map = affine_map<(d0, d1) -> (0, 0)>
#map1 = affine_map<(d0, d1) -> (0)>
module attributes {stable_mosaic.version = 14 : i64} {
  func.func @_unpermute_body(%arg0: i32, %arg1: i32, %arg2: memref<131072x64xf32, #tpu.memory_space<hbm>>, %arg3: memref<131072xf32, #tpu.memory_space<hbm>>, %arg4: memref<131072xi32, #tpu.memory_space<hbm>>, %arg5: memref<131072x64xf32, #tpu.memory_space<hbm>>, %arg6: memref<131072xf32, #tpu.memory_space<hbm>>, %arg7: memref<4096xi32, #tpu.memory_space<vmem>>, %arg8: memref<4096xi32, #tpu.memory_space<vmem>>, %arg9: memref<4096xf32, #tpu.memory_space<vmem>>, %arg10: memref<4096xf32, #tpu.memory_space<vmem>>, %arg11: memref<512x64xf32, #tpu.memory_space<vmem>>, %arg12: memref<!tpu.dma_semaphore, #tpu.memory_space<semaphore_mem>>) attributes {dimension_semantics = [#tpu.dimension_semantics<core_parallel>, #tpu.dimension_semantics<subcore_parallel>], iteration_bounds = array<i64: 2, 16>, scalar_prefetch = 0 : i64, scratch_operands = 6 : i64, tpu.core_type = #tpu.core_type<sc_vector_subcore>, window_params = [{transform_indices = #map}, {transform_indices = #map1}, {transform_indices = #map1}, {transform_indices = #map}, {transform_indices = #map1}]} {
    %mul3A = arith.constant 2 : i32
    %mul3A_0 = arith.muli %arg1, %mul3A : i32
    %add3A = arith.addi %mul3A_0, %arg0 : i32
    %jit3A = arith.constant 2 : i32
    %div3A = arith.divsi %add3A, %jit3A : i32
    %sign3A = arith.constant 0 : i32
    %sign3A_1 = arith.cmpi sgt, %add3A, %sign3A : i32
    %sign3A_2 = arith.extui %sign3A_1 : i1 to i32
    %sign3A_3 = arith.constant 0 : i32
    %sign3A_4 = arith.cmpi slt, %add3A, %sign3A_3 : i32
    %sign3A_5 = arith.extui %sign3A_4 : i1 to i32
    %sign3A_6 = arith.subi %sign3A_2, %sign3A_5 : i32
    %sign3A_7 = arith.constant 0 : i32
    %sign3A_8 = arith.cmpi sgt, %jit3A, %sign3A_7 : i32
    %sign3A_9 = arith.extui %sign3A_8 : i1 to i32
    %sign3A_10 = arith.constant 0 : i32
    %sign3A_11 = arith.cmpi slt, %jit3A, %sign3A_10 : i32
    %sign3A_12 = arith.extui %sign3A_11 : i1 to i32
    %sign3A_13 = arith.subi %sign3A_9, %sign3A_12 : i32
    %ne3A = arith.cmpi ne, %sign3A_6, %sign3A_13 : i32
    %rem3A = arith.remsi %add3A, %jit3A : i32
    %ne3A_14 = arith.constant 0 : i32
    %ne3A_15 = arith.cmpi ne, %rem3A, %ne3A_14 : i32
    %and3A = arith.andi %ne3A, %ne3A_15 : i1
    %sub3A = arith.constant 1 : i32
    %sub3A_16 = arith.subi %div3A, %sub3A : i32
    %select_n3A = arith.select %and3A, %sub3A_16, %div3A : i32
    %jit3A_17 = arith.constant 2 : i32
    %eq3A = arith.constant 0 : i32
    %eq3A_18 = arith.cmpi eq, %jit3A_17, %eq3A : i32
    %jit3A_19 = arith.constant 1 : i32
    %select_n3A_20 = arith.select %eq3A_18, %jit3A_19, %jit3A_17 : i32
    %rem3A_21 = arith.remsi %add3A, %select_n3A_20 : i32
    %ne3A_22 = arith.constant 0 : i32
    %ne3A_23 = arith.cmpi ne, %rem3A_21, %ne3A_22 : i32
    %lt3A = arith.constant 0 : i32
    %lt3A_24 = arith.cmpi slt, %rem3A_21, %lt3A : i32
    %lt3A_25 = arith.constant 0 : i32
    %lt3A_26 = arith.cmpi slt, %select_n3A_20, %lt3A_25 : i32
    %ne3A_27 = arith.xori %lt3A_24, %lt3A_26 : i1
    %and3A_28 = arith.andi %ne3A_27, %ne3A_23 : i1
    %add3A_29 = arith.addi %rem3A_21, %select_n3A_20 : i32
    %select_n3A_30 = arith.select %and3A_28, %add3A_29, %rem3A_21 : i32
    %mul3A_31 = arith.constant 4096 : i32
    %mul3A_32 = arith.muli %select_n3A, %mul3A_31 : i32
    %multiple_of3A = tpu.assume_multiple %mul3A_32, 4096 : i32
    "tpu.region"() ({
      %run_scoped3A = tpu.sem_alloc : memref<!tpu.dma_semaphore, #tpu.memory_space<semaphore_mem>>
      %dma_start3A = tpu.memref_slice %arg4[%multiple_of3A] : memref<131072xi32, #tpu.memory_space<hbm>> -> memref<4096xi32, #tpu.memory_space<hbm>>
      %dma_start3A_49 = tpu.memref_slice %arg4[%multiple_of3A] : memref<131072xi32, #tpu.memory_space<hbm>> -> memref<4096xi32, #tpu.memory_space<hbm>>
      tpu.enqueue_dma source(%dma_start3A_49 : memref<4096xi32, #tpu.memory_space<hbm>>) target(%arg7 : memref<4096xi32, #tpu.memory_space<vmem>>) target_semaphore(%run_scoped3A : memref<!tpu.dma_semaphore, #tpu.memory_space<semaphore_mem>>)
      %dma_wait3A = tpu.memref_slice %arg4[%multiple_of3A] : memref<131072xi32, #tpu.memory_space<hbm>> -> memref<4096xi32, #tpu.memory_space<hbm>>
      %dma_wait3A_50 = tpu.memref_slice %arg4[%multiple_of3A] : memref<131072xi32, #tpu.memory_space<hbm>> -> memref<4096xi32, #tpu.memory_space<hbm>>
      tpu.wait_dma2 semaphore(%run_scoped3A : memref<!tpu.dma_semaphore, #tpu.memory_space<semaphore_mem>>) src(%dma_wait3A_50 : memref<4096xi32, #tpu.memory_space<hbm>>) dst(%arg7 : memref<4096xi32, #tpu.memory_space<vmem>>)
      tpu.yield
    }) : () -> ()
    "tpu.region"() ({
      %run_scoped3A = tpu.sem_alloc : memref<!tpu.dma_semaphore, #tpu.memory_space<semaphore_mem>>
      %dma_start3A = tpu.memref_slice %arg3[%multiple_of3A] : memref<131072xf32, #tpu.memory_space<hbm>> -> memref<4096xf32, #tpu.memory_space<hbm>>
      %dma_start3A_49 = tpu.memref_slice %arg3[%multiple_of3A] : memref<131072xf32, #tpu.memory_space<hbm>> -> memref<4096xf32, #tpu.memory_space<hbm>>
      tpu.enqueue_dma source(%dma_start3A_49 : memref<4096xf32, #tpu.memory_space<hbm>>) target(%arg9 : memref<4096xf32, #tpu.memory_space<vmem>>) target_semaphore(%run_scoped3A : memref<!tpu.dma_semaphore, #tpu.memory_space<semaphore_mem>>)
      %dma_wait3A = tpu.memref_slice %arg3[%multiple_of3A] : memref<131072xf32, #tpu.memory_space<hbm>> -> memref<4096xf32, #tpu.memory_space<hbm>>
      %dma_wait3A_50 = tpu.memref_slice %arg3[%multiple_of3A] : memref<131072xf32, #tpu.memory_space<hbm>> -> memref<4096xf32, #tpu.memory_space<hbm>>
      tpu.wait_dma2 semaphore(%run_scoped3A : memref<!tpu.dma_semaphore, #tpu.memory_space<semaphore_mem>>) src(%dma_wait3A_50 : memref<4096xf32, #tpu.memory_space<hbm>>) dst(%arg9 : memref<4096xf32, #tpu.memory_space<vmem>>)
      tpu.yield
    }) : () -> ()
    %mul3A_33 = arith.constant 2048 : i32
    %mul3A_34 = arith.muli %select_n3A_30, %mul3A_33 : i32
    %scan3A = arith.constant 0 : i32
    %scan3A_35 = arith.constant 0 : i32
    %scan3A_36 = arith.constant 128 : i32
    %scan3A_37 = arith.addi %scan3A_35, %scan3A_36 : i32
    %scan3A_38 = arith.constant 1 : i32
    %scan3A_39 = scf.for %scan3A_49 = %scan3A_35 to %scan3A_37 step %scan3A_38 iter_args(%scan3A_50 = %scan3A) -> (i32)  : i32 {
      %mul3A_51 = arith.constant 16 : i32
      %mul3A_52 = arith.muli %scan3A_49, %mul3A_51 : i32
      %add3A_53 = arith.addi %mul3A_34, %mul3A_52 : i32
      %multiple_of3A_54 = tpu.assume_multiple %add3A_53, 16 : i32
      %get3A = arith.index_cast %multiple_of3A_54 : i32 to index
      %get3A_55 = tpu.vector_load %arg7[%get3A] {strides = array<i32>} : memref<4096xi32, #tpu.memory_space<vmem>>, vector<16xi32>,
      %add3A_56 = vector.broadcast %multiple_of3A : i32 to vector<16xi32>
      %add3A_57 = arith.addi %get3A_55, %add3A_56 : vector<16xi32>
      %swap3A = arith.index_cast %multiple_of3A_54 : i32 to index
      %swap3A_58 = tpu.vector_load %arg8[%swap3A] {strides = array<i32>} : memref<4096xi32, #tpu.memory_space<vmem>>, vector<16xi32>,
      tpu.vector_store %arg8[%swap3A], %add3A_57 {strides = array<i32>} : memref<4096xi32, #tpu.memory_space<vmem>>, vector<16xi32>,
      %gather3A = tpu.vector_load_idx %arg9[%get3A_55] : memref<4096xf32, #tpu.memory_space<vmem>>[vector<16xi32>], vector<16xf32>,
      %swap3A_59 = arith.index_cast %multiple_of3A_54 : i32 to index
      %swap3A_60 = tpu.vector_load %arg10[%swap3A_59] {strides = array<i32>} : memref<4096xf32, #tpu.memory_space<vmem>>, vector<16xf32>,
      tpu.vector_store %arg10[%swap3A_59], %gather3A {strides = array<i32>} : memref<4096xf32, #tpu.memory_space<vmem>>, vector<16xf32>,
      %scan3A_61 = arith.constant 0 : i32
      scf.yield %scan3A_61 : i32
    }
    %scan3A_40 = arith.constant 128 : i32
    %add3A_41 = arith.addi %multiple_of3A, %mul3A_34 : i32
    "tpu.region"() ({
      %run_scoped3A = tpu.sem_alloc : memref<!tpu.dma_semaphore, #tpu.memory_space<semaphore_mem>>
      %dma_start3A = tpu.memref_slice %arg10[%mul3A_34] : memref<4096xf32, #tpu.memory_space<vmem>> -> memref<2048xf32, #tpu.memory_space<vmem>>
      %dma_start3A_49 = tpu.memref_slice %arg6[%add3A_41] : memref<131072xf32, #tpu.memory_space<hbm>> -> memref<2048xf32, #tpu.memory_space<hbm>>
      %dma_start3A_50 = tpu.memref_slice %arg6[%add3A_41] : memref<131072xf32, #tpu.memory_space<hbm>> -> memref<2048xf32, #tpu.memory_space<hbm>>
      %dma_start3A_51 = tpu.memref_slice %arg10[%mul3A_34] : memref<4096xf32, #tpu.memory_space<vmem>> -> memref<2048xf32, #tpu.memory_space<vmem>>
      tpu.enqueue_dma source(%dma_start3A_51 : memref<2048xf32, #tpu.memory_space<vmem>>) target(%dma_start3A_50 : memref<2048xf32, #tpu.memory_space<hbm>>) target_semaphore(%run_scoped3A : memref<!tpu.dma_semaphore, #tpu.memory_space<semaphore_mem>>)
      %dma_wait3A = tpu.memref_slice %arg10[%mul3A_34] : memref<4096xf32, #tpu.memory_space<vmem>> -> memref<2048xf32, #tpu.memory_space<vmem>>
      %dma_wait3A_52 = tpu.memref_slice %arg6[%add3A_41] : memref<131072xf32, #tpu.memory_space<hbm>> -> memref<2048xf32, #tpu.memory_space<hbm>>
      %dma_wait3A_53 = tpu.memref_slice %arg6[%add3A_41] : memref<131072xf32, #tpu.memory_space<hbm>> -> memref<2048xf32, #tpu.memory_space<hbm>>
      %dma_wait3A_54 = tpu.memref_slice %arg10[%mul3A_34] : memref<4096xf32, #tpu.memory_space<vmem>> -> memref<2048xf32, #tpu.memory_space<vmem>>
      tpu.wait_dma2 semaphore(%run_scoped3A : memref<!tpu.dma_semaphore, #tpu.memory_space<semaphore_mem>>) src(%dma_wait3A_54 : memref<2048xf32, #tpu.memory_space<vmem>>) dst(%dma_wait3A_53 : memref<2048xf32, #tpu.memory_space<hbm>>)
      tpu.yield
    }) : () -> ()
    %scan3A_42 = arith.constant 0 : i32
    %scan3A_43 = arith.constant 0 : i32
    %scan3A_44 = arith.constant 4 : i32
    %scan3A_45 = arith.addi %scan3A_43, %scan3A_44 : i32
    %scan3A_46 = arith.constant 1 : i32
    %scan3A_47 = scf.for %scan3A_49 = %scan3A_43 to %scan3A_45 step %scan3A_46 iter_args(%scan3A_50 = %scan3A_42) -> (i32)  : i32 {
      %mul3A_51 = arith.constant 4 : i32
      %mul3A_52 = arith.muli %select_n3A_30, %mul3A_51 : i32
      %add3A_53 = arith.addi %mul3A_52, %scan3A_49 : i32
      %mul3A_54 = arith.constant 512 : i32
      %mul3A_55 = arith.muli %add3A_53, %mul3A_54 : i32
      %multiple_of3A_56 = tpu.assume_multiple %mul3A_55, 512 : i32
      %add3A_57 = arith.constant 0 : i32
      %add3A_58 = arith.addi %multiple_of3A_56, %add3A_57 : i32
      %dma_start3A = arith.constant 0 : i32
      %dma_start3A_59 = arith.constant 0 : i32
      %dma_start3A_60 = tpu.memref_slice %arg11[%dma_start3A, %dma_start3A_59] : memref<512x64xf32, #tpu.memory_space<vmem>> -> memref<128x64xf32, #tpu.memory_space<vmem>>
      %dma_start3A_61 = tpu.memref_slice %arg8[%add3A_58] : memref<4096xi32, #tpu.memory_space<vmem>> -> memref<128xi32, #tpu.memory_space<vmem>>
      %dma_start3A_62 = arith.constant 0 : i32
      %dma_start3A_63 = arith.constant 0 : i32
      %dma_start3A_64 = tpu.memref_slice %arg2[%dma_start3A_62, %dma_start3A_63] : memref<131072x64xf32, #tpu.memory_space<hbm>> -> memref<131072x64xf32, #tpu.memory_space<hbm>>
      tpu.enqueue_indirect_dma source(%dma_start3A_64 : memref<131072x64xf32, #tpu.memory_space<hbm>>) target(%dma_start3A_60 : memref<128x64xf32, #tpu.memory_space<vmem>>) offsets(%dma_start3A_61 : memref<128xi32, #tpu.memory_space<vmem>>) semaphore(%arg12 : memref<!tpu.dma_semaphore, #tpu.memory_space<semaphore_mem>>)
      %add3A_65 = arith.constant 128 : i32
      %add3A_66 = arith.addi %multiple_of3A_56, %add3A_65 : i32
      %dma_start3A_67 = arith.constant 128 : i32
      %dma_start3A_68 = arith.constant 0 : i32
      %dma_start3A_69 = tpu.memref_slice %arg11[%dma_start3A_67, %dma_start3A_68] : memref<512x64xf32, #tpu.memory_space<vmem>> -> memref<128x64xf32, #tpu.memory_space<vmem>>
      %dma_start3A_70 = tpu.memref_slice %arg8[%add3A_66] : memref<4096xi32, #tpu.memory_space<vmem>> -> memref<128xi32, #tpu.memory_space<vmem>>
      %dma_start3A_71 = arith.constant 0 : i32
      %dma_start3A_72 = arith.constant 0 : i32
      %dma_start3A_73 = tpu.memref_slice %arg2[%dma_start3A_71, %dma_start3A_72] : memref<131072x64xf32, #tpu.memory_space<hbm>> -> memref<131072x64xf32, #tpu.memory_space<hbm>>
      tpu.enqueue_indirect_dma source(%dma_start3A_73 : memref<131072x64xf32, #tpu.memory_space<hbm>>) target(%dma_start3A_69 : memref<128x64xf32, #tpu.memory_space<vmem>>) offsets(%dma_start3A_70 : memref<128xi32, #tpu.memory_space<vmem>>) semaphore(%arg12 : memref<!tpu.dma_semaphore, #tpu.memory_space<semaphore_mem>>)
      %add3A_74 = arith.constant 256 : i32
      %add3A_75 = arith.addi %multiple_of3A_56, %add3A_74 : i32
      %dma_start3A_76 = arith.constant 256 : i32
      %dma_start3A_77 = arith.constant 0 : i32
      %dma_start3A_78 = tpu.memref_slice %arg11[%dma_start3A_76, %dma_start3A_77] : memref<512x64xf32, #tpu.memory_space<vmem>> -> memref<128x64xf32, #tpu.memory_space<vmem>>
      %dma_start3A_79 = tpu.memref_slice %arg8[%add3A_75] : memref<4096xi32, #tpu.memory_space<vmem>> -> memref<128xi32, #tpu.memory_space<vmem>>
      %dma_start3A_80 = arith.constant 0 : i32
      %dma_start3A_81 = arith.constant 0 : i32
      %dma_start3A_82 = tpu.memref_slice %arg2[%dma_start3A_80, %dma_start3A_81] : memref<131072x64xf32, #tpu.memory_space<hbm>> -> memref<131072x64xf32, #tpu.memory_space<hbm>>
      tpu.enqueue_indirect_dma source(%dma_start3A_82 : memref<131072x64xf32, #tpu.memory_space<hbm>>) target(%dma_start3A_78 : memref<128x64xf32, #tpu.memory_space<vmem>>) offsets(%dma_start3A_79 : memref<128xi32, #tpu.memory_space<vmem>>) semaphore(%arg12 : memref<!tpu.dma_semaphore, #tpu.memory_space<semaphore_mem>>)
      %add3A_83 = arith.constant 384 : i32
      %add3A_84 = arith.addi %multiple_of3A_56, %add3A_83 : i32
      %dma_start3A_85 = arith.constant 384 : i32
      %dma_start3A_86 = arith.constant 0 : i32
      %dma_start3A_87 = tpu.memref_slice %arg11[%dma_start3A_85, %dma_start3A_86] : memref<512x64xf32, #tpu.memory_space<vmem>> -> memref<128x64xf32, #tpu.memory_space<vmem>>
      %dma_start3A_88 = tpu.memref_slice %arg8[%add3A_84] : memref<4096xi32, #tpu.memory_space<vmem>> -> memref<128xi32, #tpu.memory_space<vmem>>
      %dma_start3A_89 = arith.constant 0 : i32
      %dma_start3A_90 = arith.constant 0 : i32
      %dma_start3A_91 = tpu.memref_slice %arg2[%dma_start3A_89, %dma_start3A_90] : memref<131072x64xf32, #tpu.memory_space<hbm>> -> memref<131072x64xf32, #tpu.memory_space<hbm>>
      tpu.enqueue_indirect_dma source(%dma_start3A_91 : memref<131072x64xf32, #tpu.memory_space<hbm>>) target(%dma_start3A_87 : memref<128x64xf32, #tpu.memory_space<vmem>>) offsets(%dma_start3A_88 : memref<128xi32, #tpu.memory_space<vmem>>) semaphore(%arg12 : memref<!tpu.dma_semaphore, #tpu.memory_space<semaphore_mem>>)
      %dma_wait3A = arith.constant 0 : i32
      %dma_wait3A_92 = arith.constant 0 : i32
      %dma_wait3A_93 = tpu.memref_slice %arg11[%dma_wait3A, %dma_wait3A_92] : memref<512x64xf32, #tpu.memory_space<vmem>> -> memref<128x64xf32, #tpu.memory_space<vmem>>
      %dma_wait3A_94 = tpu.memref_slice %arg8[%add3A_58] : memref<4096xi32, #tpu.memory_space<vmem>> -> memref<128xi32, #tpu.memory_space<vmem>>
      %dma_wait3A_95 = arith.constant 0 : i32
      %dma_wait3A_96 = arith.constant 0 : i32
      %dma_wait3A_97 = tpu.memref_slice %arg2[%dma_wait3A_95, %dma_wait3A_96] : memref<131072x64xf32, #tpu.memory_space<hbm>> -> memref<131072x64xf32, #tpu.memory_space<hbm>>
      tpu.wait_indirect_dma semaphore(%arg12 : memref<!tpu.dma_semaphore, #tpu.memory_space<semaphore_mem>>) src(%dma_wait3A_97 : memref<131072x64xf32, #tpu.memory_space<hbm>>) dst(%dma_wait3A_93 : memref<128x64xf32, #tpu.memory_space<vmem>>)
      %dma_wait3A_98 = arith.constant 128 : i32
      %dma_wait3A_99 = arith.constant 0 : i32
      %dma_wait3A_100 = tpu.memref_slice %arg11[%dma_wait3A_98, %dma_wait3A_99] : memref<512x64xf32, #tpu.memory_space<vmem>> -> memref<128x64xf32, #tpu.memory_space<vmem>>
      %dma_wait3A_101 = tpu.memref_slice %arg8[%add3A_66] : memref<4096xi32, #tpu.memory_space<vmem>> -> memref<128xi32, #tpu.memory_space<vmem>>
      %dma_wait3A_102 = arith.constant 0 : i32
      %dma_wait3A_103 = arith.constant 0 : i32
      %dma_wait3A_104 = tpu.memref_slice %arg2[%dma_wait3A_102, %dma_wait3A_103] : memref<131072x64xf32, #tpu.memory_space<hbm>> -> memref<131072x64xf32, #tpu.memory_space<hbm>>
      tpu.wait_indirect_dma semaphore(%arg12 : memref<!tpu.dma_semaphore, #tpu.memory_space<semaphore_mem>>) src(%dma_wait3A_104 : memref<131072x64xf32, #tpu.memory_space<hbm>>) dst(%dma_wait3A_100 : memref<128x64xf32, #tpu.memory_space<vmem>>)
      %dma_wait3A_105 = arith.constant 256 : i32
      %dma_wait3A_106 = arith.constant 0 : i32
      %dma_wait3A_107 = tpu.memref_slice %arg11[%dma_wait3A_105, %dma_wait3A_106] : memref<512x64xf32, #tpu.memory_space<vmem>> -> memref<128x64xf32, #tpu.memory_space<vmem>>
      %dma_wait3A_108 = tpu.memref_slice %arg8[%add3A_75] : memref<4096xi32, #tpu.memory_space<vmem>> -> memref<128xi32, #tpu.memory_space<vmem>>
      %dma_wait3A_109 = arith.constant 0 : i32
      %dma_wait3A_110 = arith.constant 0 : i32
      %dma_wait3A_111 = tpu.memref_slice %arg2[%dma_wait3A_109, %dma_wait3A_110] : memref<131072x64xf32, #tpu.memory_space<hbm>> -> memref<131072x64xf32, #tpu.memory_space<hbm>>
      tpu.wait_indirect_dma semaphore(%arg12 : memref<!tpu.dma_semaphore, #tpu.memory_space<semaphore_mem>>) src(%dma_wait3A_111 : memref<131072x64xf32, #tpu.memory_space<hbm>>) dst(%dma_wait3A_107 : memref<128x64xf32, #tpu.memory_space<vmem>>)
      %dma_wait3A_112 = arith.constant 384 : i32
      %dma_wait3A_113 = arith.constant 0 : i32
      %dma_wait3A_114 = tpu.memref_slice %arg11[%dma_wait3A_112, %dma_wait3A_113] : memref<512x64xf32, #tpu.memory_space<vmem>> -> memref<128x64xf32, #tpu.memory_space<vmem>>
      %dma_wait3A_115 = tpu.memref_slice %arg8[%add3A_84] : memref<4096xi32, #tpu.memory_space<vmem>> -> memref<128xi32, #tpu.memory_space<vmem>>
      %dma_wait3A_116 = arith.constant 0 : i32
      %dma_wait3A_117 = arith.constant 0 : i32
      %dma_wait3A_118 = tpu.memref_slice %arg2[%dma_wait3A_116, %dma_wait3A_117] : memref<131072x64xf32, #tpu.memory_space<hbm>> -> memref<131072x64xf32, #tpu.memory_space<hbm>>
      tpu.wait_indirect_dma semaphore(%arg12 : memref<!tpu.dma_semaphore, #tpu.memory_space<semaphore_mem>>) src(%dma_wait3A_118 : memref<131072x64xf32, #tpu.memory_space<hbm>>) dst(%dma_wait3A_114 : memref<128x64xf32, #tpu.memory_space<vmem>>)
      %add3A_119 = arith.addi %multiple_of3A, %multiple_of3A_56 : i32
      "tpu.region"() ({
        %run_scoped3A = tpu.sem_alloc : memref<!tpu.dma_semaphore, #tpu.memory_space<semaphore_mem>>
        %dma_start3A_121 = arith.constant 0 : i32
        %dma_start3A_122 = tpu.memref_slice %arg5[%add3A_119, %dma_start3A_121] : memref<131072x64xf32, #tpu.memory_space<hbm>> -> memref<512x64xf32, #tpu.memory_space<hbm>>
        %dma_start3A_123 = arith.constant 0 : i32
        %dma_start3A_124 = tpu.memref_slice %arg5[%add3A_119, %dma_start3A_123] : memref<131072x64xf32, #tpu.memory_space<hbm>> -> memref<512x64xf32, #tpu.memory_space<hbm>>
        tpu.enqueue_dma source(%arg11 : memref<512x64xf32, #tpu.memory_space<vmem>>) target(%dma_start3A_124 : memref<512x64xf32, #tpu.memory_space<hbm>>) target_semaphore(%run_scoped3A : memref<!tpu.dma_semaphore, #tpu.memory_space<semaphore_mem>>)
        %dma_wait3A_125 = arith.constant 0 : i32
        %dma_wait3A_126 = tpu.memref_slice %arg5[%add3A_119, %dma_wait3A_125] : memref<131072x64xf32, #tpu.memory_space<hbm>> -> memref<512x64xf32, #tpu.memory_space<hbm>>
        %dma_wait3A_127 = arith.constant 0 : i32
        %dma_wait3A_128 = tpu.memref_slice %arg5[%add3A_119, %dma_wait3A_127] : memref<131072x64xf32, #tpu.memory_space<hbm>> -> memref<512x64xf32, #tpu.memory_space<hbm>>
        tpu.wait_dma2 semaphore(%run_scoped3A : memref<!tpu.dma_semaphore, #tpu.memory_space<semaphore_mem>>) src(%arg11 : memref<512x64xf32, #tpu.memory_space<vmem>>) dst(%dma_wait3A_128 : memref<512x64xf32, #tpu.memory_space<hbm>>)
        tpu.yield
      }) : () -> ()
      %scan3A_120 = arith.constant 0 : i32
      scf.yield %scan3A_120 : i32
    }
    %scan3A_48 = arith.constant 4 : i32
    return
  }
}

#map = affine_map<(d0, d1) -> (0, 0)>
#map1 = affine_map<(d0, d1) -> (0)>
module attributes {stable_mosaic.version = 14 : i64} {
  func.func @_permute_body(%arg0: i32, %arg1: i32, %arg2: memref<32768x64xf32, #tpu.memory_space<hbm>>, %arg3: memref<32768x64xf32, #tpu.memory_space<hbm>>, %arg4: memref<131072xi32, #tpu.memory_space<hbm>>, %arg5: memref<131072x64xf32, #tpu.memory_space<hbm>>, %arg6: memref<131072x64xf32, #tpu.memory_space<hbm>>, %arg7: memref<4096xi32, #tpu.memory_space<vmem>>, %arg8: memref<4096xi32, #tpu.memory_space<vmem>>, %arg9: memref<512x64xf32, #tpu.memory_space<vmem>>, %arg10: memref<512x64xf32, #tpu.memory_space<vmem>>, %arg11: memref<!tpu.dma_semaphore, #tpu.memory_space<semaphore_mem>>) attributes {dimension_semantics = [#tpu.dimension_semantics<core_parallel>, #tpu.dimension_semantics<subcore_parallel>], iteration_bounds = array<i64: 2, 16>, scalar_prefetch = 0 : i64, scratch_operands = 5 : i64, tpu.core_type = #tpu.core_type<sc_vector_subcore>, window_params = [{transform_indices = #map}, {transform_indices = #map}, {transform_indices = #map1}, {transform_indices = #map}, {transform_indices = #map}]} {
    %mul3A = arith.constant 2 : i32
    %mul3A_0 = arith.muli %arg1, %mul3A : i32
    %add3A = arith.addi %mul3A_0, %arg0 : i32
    %jit3A = arith.constant 2 : i32
    %div3A = arith.divsi %add3A, %jit3A : i32
    %sign3A = arith.constant 0 : i32
    %sign3A_1 = arith.cmpi sgt, %add3A, %sign3A : i32
    %sign3A_2 = arith.extui %sign3A_1 : i1 to i32
    %sign3A_3 = arith.constant 0 : i32
    %sign3A_4 = arith.cmpi slt, %add3A, %sign3A_3 : i32
    %sign3A_5 = arith.extui %sign3A_4 : i1 to i32
    %sign3A_6 = arith.subi %sign3A_2, %sign3A_5 : i32
    %sign3A_7 = arith.constant 0 : i32
    %sign3A_8 = arith.cmpi sgt, %jit3A, %sign3A_7 : i32
    %sign3A_9 = arith.extui %sign3A_8 : i1 to i32
    %sign3A_10 = arith.constant 0 : i32
    %sign3A_11 = arith.cmpi slt, %jit3A, %sign3A_10 : i32
    %sign3A_12 = arith.extui %sign3A_11 : i1 to i32
    %sign3A_13 = arith.subi %sign3A_9, %sign3A_12 : i32
    %ne3A = arith.cmpi ne, %sign3A_6, %sign3A_13 : i32
    %rem3A = arith.remsi %add3A, %jit3A : i32
    %ne3A_14 = arith.constant 0 : i32
    %ne3A_15 = arith.cmpi ne, %rem3A, %ne3A_14 : i32
    %and3A = arith.andi %ne3A, %ne3A_15 : i1
    %sub3A = arith.constant 1 : i32
    %sub3A_16 = arith.subi %div3A, %sub3A : i32
    %select_n3A = arith.select %and3A, %sub3A_16, %div3A : i32
    %jit3A_17 = arith.constant 2 : i32
    %eq3A = arith.constant 0 : i32
    %eq3A_18 = arith.cmpi eq, %jit3A_17, %eq3A : i32
    %jit3A_19 = arith.constant 1 : i32
    %select_n3A_20 = arith.select %eq3A_18, %jit3A_19, %jit3A_17 : i32
    %rem3A_21 = arith.remsi %add3A, %select_n3A_20 : i32
    %ne3A_22 = arith.constant 0 : i32
    %ne3A_23 = arith.cmpi ne, %rem3A_21, %ne3A_22 : i32
    %lt3A = arith.constant 0 : i32
    %lt3A_24 = arith.cmpi slt, %rem3A_21, %lt3A : i32
    %lt3A_25 = arith.constant 0 : i32
    %lt3A_26 = arith.cmpi slt, %select_n3A_20, %lt3A_25 : i32
    %ne3A_27 = arith.xori %lt3A_24, %lt3A_26 : i1
    %and3A_28 = arith.andi %ne3A_27, %ne3A_23 : i1
    %add3A_29 = arith.addi %rem3A_21, %select_n3A_20 : i32
    %select_n3A_30 = arith.select %and3A_28, %add3A_29, %rem3A_21 : i32
    %jit3A_31 = arith.constant 8 : i32
    %div3A_32 = arith.divsi %select_n3A, %jit3A_31 : i32
    %sign3A_33 = arith.constant 0 : i32
    %sign3A_34 = arith.cmpi sgt, %select_n3A, %sign3A_33 : i32
    %sign3A_35 = arith.extui %sign3A_34 : i1 to i32
    %sign3A_36 = arith.constant 0 : i32
    %sign3A_37 = arith.cmpi slt, %select_n3A, %sign3A_36 : i32
    %sign3A_38 = arith.extui %sign3A_37 : i1 to i32
    %sign3A_39 = arith.subi %sign3A_35, %sign3A_38 : i32
    %sign3A_40 = arith.constant 0 : i32
    %sign3A_41 = arith.cmpi sgt, %jit3A_31, %sign3A_40 : i32
    %sign3A_42 = arith.extui %sign3A_41 : i1 to i32
    %sign3A_43 = arith.constant 0 : i32
    %sign3A_44 = arith.cmpi slt, %jit3A_31, %sign3A_43 : i32
    %sign3A_45 = arith.extui %sign3A_44 : i1 to i32
    %sign3A_46 = arith.subi %sign3A_42, %sign3A_45 : i32
    %ne3A_47 = arith.cmpi ne, %sign3A_39, %sign3A_46 : i32
    %rem3A_48 = arith.remsi %select_n3A, %jit3A_31 : i32
    %ne3A_49 = arith.constant 0 : i32
    %ne3A_50 = arith.cmpi ne, %rem3A_48, %ne3A_49 : i32
    %and3A_51 = arith.andi %ne3A_47, %ne3A_50 : i1
    %sub3A_52 = arith.constant 1 : i32
    %sub3A_53 = arith.subi %div3A_32, %sub3A_52 : i32
    %select_n3A_54 = arith.select %and3A_51, %sub3A_53, %div3A_32 : i32
    %add3A_55 = arith.constant 0 : i32
    %add3A_56 = arith.addi %add3A_55, %select_n3A_54 : i32
    %mul3A_57 = arith.constant 4096 : i32
    %mul3A_58 = arith.muli %select_n3A, %mul3A_57 : i32
    %multiple_of3A = tpu.assume_multiple %mul3A_58, 4096 : i32
    "tpu.region"() ({
      %run_scoped3A = tpu.sem_alloc : memref<!tpu.dma_semaphore, #tpu.memory_space<semaphore_mem>>
      %dma_start3A = tpu.memref_slice %arg4[%multiple_of3A] : memref<131072xi32, #tpu.memory_space<hbm>> -> memref<4096xi32, #tpu.memory_space<hbm>>
      %dma_start3A_74 = tpu.memref_slice %arg4[%multiple_of3A] : memref<131072xi32, #tpu.memory_space<hbm>> -> memref<4096xi32, #tpu.memory_space<hbm>>
      tpu.enqueue_dma source(%dma_start3A_74 : memref<4096xi32, #tpu.memory_space<hbm>>) target(%arg7 : memref<4096xi32, #tpu.memory_space<vmem>>) target_semaphore(%run_scoped3A : memref<!tpu.dma_semaphore, #tpu.memory_space<semaphore_mem>>)
      %dma_wait3A = tpu.memref_slice %arg4[%multiple_of3A] : memref<131072xi32, #tpu.memory_space<hbm>> -> memref<4096xi32, #tpu.memory_space<hbm>>
      %dma_wait3A_75 = tpu.memref_slice %arg4[%multiple_of3A] : memref<131072xi32, #tpu.memory_space<hbm>> -> memref<4096xi32, #tpu.memory_space<hbm>>
      tpu.wait_dma2 semaphore(%run_scoped3A : memref<!tpu.dma_semaphore, #tpu.memory_space<semaphore_mem>>) src(%dma_wait3A_75 : memref<4096xi32, #tpu.memory_space<hbm>>) dst(%arg7 : memref<4096xi32, #tpu.memory_space<vmem>>)
      tpu.yield
    }) : () -> ()
    %mul3A_59 = arith.constant 4096 : i32
    %mul3A_60 = arith.muli %add3A_56, %mul3A_59 : i32
    %scan3A = arith.constant 0 : i32
    %scan3A_61 = arith.constant 0 : i32
    %scan3A_62 = arith.constant 256 : i32
    %scan3A_63 = arith.addi %scan3A_61, %scan3A_62 : i32
    %scan3A_64 = arith.constant 1 : i32
    %scan3A_65 = scf.for %scan3A_74 = %scan3A_61 to %scan3A_63 step %scan3A_64 iter_args(%scan3A_75 = %scan3A) -> (i32)  : i32 {
      %mul3A_76 = arith.constant 16 : i32
      %mul3A_77 = arith.muli %scan3A_74, %mul3A_76 : i32
      %multiple_of3A_78 = tpu.assume_multiple %mul3A_77, 16 : i32
      %get3A = arith.index_cast %multiple_of3A_78 : i32 to index
      %get3A_79 = tpu.vector_load %arg7[%get3A] {strides = array<i32>} : memref<4096xi32, #tpu.memory_space<vmem>>, vector<16xi32>,
      %iota3A = tpu.iota {dimensions = array<i32: 0>} : vector<16xi32>
      %add3A_80 = vector.broadcast %multiple_of3A_78 : i32 to vector<16xi32>
      %add3A_81 = arith.addi %iota3A, %add3A_80 : vector<16xi32>
      %add3A_82 = vector.broadcast %mul3A_60 : i32 to vector<16xi32>
      %add3A_83 = arith.addi %add3A_81, %add3A_82 : vector<16xi32>
      tpu.vector_store_idx %arg8[%get3A_79], %add3A_83 : memref<4096xi32, #tpu.memory_space<vmem>>[vector<16xi32>], vector<16xi32>,
      %scan3A_84 = arith.constant 0 : i32
      scf.yield %scan3A_84 : i32
    }
    %scan3A_66 = arith.constant 256 : i32
    %scan3A_67 = arith.constant 0 : i32
    %scan3A_68 = arith.constant 0 : i32
    %scan3A_69 = arith.constant 4 : i32
    %scan3A_70 = arith.addi %scan3A_68, %scan3A_69 : i32
    %scan3A_71 = arith.constant 1 : i32
    %scan3A_72 = scf.for %scan3A_74 = %scan3A_68 to %scan3A_70 step %scan3A_71 iter_args(%scan3A_75 = %scan3A_67) -> (i32)  : i32 {
      %mul3A_76 = arith.constant 4 : i32
      %mul3A_77 = arith.muli %select_n3A_30, %mul3A_76 : i32
      %add3A_78 = arith.addi %mul3A_77, %scan3A_74 : i32
      %mul3A_79 = arith.constant 512 : i32
      %mul3A_80 = arith.muli %add3A_78, %mul3A_79 : i32
      %multiple_of3A_81 = tpu.assume_multiple %mul3A_80, 512 : i32
      %add3A_82 = arith.constant 0 : i32
      %add3A_83 = arith.addi %multiple_of3A_81, %add3A_82 : i32
      %dma_start3A = arith.constant 0 : i32
      %dma_start3A_84 = arith.constant 0 : i32
      %dma_start3A_85 = tpu.memref_slice %arg9[%dma_start3A, %dma_start3A_84] : memref<512x64xf32, #tpu.memory_space<vmem>> -> memref<128x64xf32, #tpu.memory_space<vmem>>
      %dma_start3A_86 = tpu.memref_slice %arg8[%add3A_83] : memref<4096xi32, #tpu.memory_space<vmem>> -> memref<128xi32, #tpu.memory_space<vmem>>
      %dma_start3A_87 = arith.constant 0 : i32
      %dma_start3A_88 = arith.constant 0 : i32
      %dma_start3A_89 = tpu.memref_slice %arg2[%dma_start3A_87, %dma_start3A_88] : memref<32768x64xf32, #tpu.memory_space<hbm>> -> memref<32768x64xf32, #tpu.memory_space<hbm>>
      tpu.enqueue_indirect_dma source(%dma_start3A_89 : memref<32768x64xf32, #tpu.memory_space<hbm>>) target(%dma_start3A_85 : memref<128x64xf32, #tpu.memory_space<vmem>>) offsets(%dma_start3A_86 : memref<128xi32, #tpu.memory_space<vmem>>) semaphore(%arg11 : memref<!tpu.dma_semaphore, #tpu.memory_space<semaphore_mem>>)
      %dma_start3A_90 = arith.constant 0 : i32
      %dma_start3A_91 = arith.constant 0 : i32
      %dma_start3A_92 = tpu.memref_slice %arg10[%dma_start3A_90, %dma_start3A_91] : memref<512x64xf32, #tpu.memory_space<vmem>> -> memref<128x64xf32, #tpu.memory_space<vmem>>
      %dma_start3A_93 = tpu.memref_slice %arg8[%add3A_83] : memref<4096xi32, #tpu.memory_space<vmem>> -> memref<128xi32, #tpu.memory_space<vmem>>
      %dma_start3A_94 = arith.constant 0 : i32
      %dma_start3A_95 = arith.constant 0 : i32
      %dma_start3A_96 = tpu.memref_slice %arg3[%dma_start3A_94, %dma_start3A_95] : memref<32768x64xf32, #tpu.memory_space<hbm>> -> memref<32768x64xf32, #tpu.memory_space<hbm>>
      tpu.enqueue_indirect_dma source(%dma_start3A_96 : memref<32768x64xf32, #tpu.memory_space<hbm>>) target(%dma_start3A_92 : memref<128x64xf32, #tpu.memory_space<vmem>>) offsets(%dma_start3A_93 : memref<128xi32, #tpu.memory_space<vmem>>) semaphore(%arg11 : memref<!tpu.dma_semaphore, #tpu.memory_space<semaphore_mem>>)
      %add3A_97 = arith.constant 128 : i32
      %add3A_98 = arith.addi %multiple_of3A_81, %add3A_97 : i32
      %dma_start3A_99 = arith.constant 128 : i32
      %dma_start3A_100 = arith.constant 0 : i32
      %dma_start3A_101 = tpu.memref_slice %arg9[%dma_start3A_99, %dma_start3A_100] : memref<512x64xf32, #tpu.memory_space<vmem>> -> memref<128x64xf32, #tpu.memory_space<vmem>>
      %dma_start3A_102 = tpu.memref_slice %arg8[%add3A_98] : memref<4096xi32, #tpu.memory_space<vmem>> -> memref<128xi32, #tpu.memory_space<vmem>>
      %dma_start3A_103 = arith.constant 0 : i32
      %dma_start3A_104 = arith.constant 0 : i32
      %dma_start3A_105 = tpu.memref_slice %arg2[%dma_start3A_103, %dma_start3A_104] : memref<32768x64xf32, #tpu.memory_space<hbm>> -> memref<32768x64xf32, #tpu.memory_space<hbm>>
      tpu.enqueue_indirect_dma source(%dma_start3A_105 : memref<32768x64xf32, #tpu.memory_space<hbm>>) target(%dma_start3A_101 : memref<128x64xf32, #tpu.memory_space<vmem>>) offsets(%dma_start3A_102 : memref<128xi32, #tpu.memory_space<vmem>>) semaphore(%arg11 : memref<!tpu.dma_semaphore, #tpu.memory_space<semaphore_mem>>)
      %dma_start3A_106 = arith.constant 128 : i32
      %dma_start3A_107 = arith.constant 0 : i32
      %dma_start3A_108 = tpu.memref_slice %arg10[%dma_start3A_106, %dma_start3A_107] : memref<512x64xf32, #tpu.memory_space<vmem>> -> memref<128x64xf32, #tpu.memory_space<vmem>>
      %dma_start3A_109 = tpu.memref_slice %arg8[%add3A_98] : memref<4096xi32, #tpu.memory_space<vmem>> -> memref<128xi32, #tpu.memory_space<vmem>>
      %dma_start3A_110 = arith.constant 0 : i32
      %dma_start3A_111 = arith.constant 0 : i32
      %dma_start3A_112 = tpu.memref_slice %arg3[%dma_start3A_110, %dma_start3A_111] : memref<32768x64xf32, #tpu.memory_space<hbm>> -> memref<32768x64xf32, #tpu.memory_space<hbm>>
      tpu.enqueue_indirect_dma source(%dma_start3A_112 : memref<32768x64xf32, #tpu.memory_space<hbm>>) target(%dma_start3A_108 : memref<128x64xf32, #tpu.memory_space<vmem>>) offsets(%dma_start3A_109 : memref<128xi32, #tpu.memory_space<vmem>>) semaphore(%arg11 : memref<!tpu.dma_semaphore, #tpu.memory_space<semaphore_mem>>)
      %add3A_113 = arith.constant 256 : i32
      %add3A_114 = arith.addi %multiple_of3A_81, %add3A_113 : i32
      %dma_start3A_115 = arith.constant 256 : i32
      %dma_start3A_116 = arith.constant 0 : i32
      %dma_start3A_117 = tpu.memref_slice %arg9[%dma_start3A_115, %dma_start3A_116] : memref<512x64xf32, #tpu.memory_space<vmem>> -> memref<128x64xf32, #tpu.memory_space<vmem>>
      %dma_start3A_118 = tpu.memref_slice %arg8[%add3A_114] : memref<4096xi32, #tpu.memory_space<vmem>> -> memref<128xi32, #tpu.memory_space<vmem>>
      %dma_start3A_119 = arith.constant 0 : i32
      %dma_start3A_120 = arith.constant 0 : i32
      %dma_start3A_121 = tpu.memref_slice %arg2[%dma_start3A_119, %dma_start3A_120] : memref<32768x64xf32, #tpu.memory_space<hbm>> -> memref<32768x64xf32, #tpu.memory_space<hbm>>
      tpu.enqueue_indirect_dma source(%dma_start3A_121 : memref<32768x64xf32, #tpu.memory_space<hbm>>) target(%dma_start3A_117 : memref<128x64xf32, #tpu.memory_space<vmem>>) offsets(%dma_start3A_118 : memref<128xi32, #tpu.memory_space<vmem>>) semaphore(%arg11 : memref<!tpu.dma_semaphore, #tpu.memory_space<semaphore_mem>>)
      %dma_start3A_122 = arith.constant 256 : i32
      %dma_start3A_123 = arith.constant 0 : i32
      %dma_start3A_124 = tpu.memref_slice %arg10[%dma_start3A_122, %dma_start3A_123] : memref<512x64xf32, #tpu.memory_space<vmem>> -> memref<128x64xf32, #tpu.memory_space<vmem>>
      %dma_start3A_125 = tpu.memref_slice %arg8[%add3A_114] : memref<4096xi32, #tpu.memory_space<vmem>> -> memref<128xi32, #tpu.memory_space<vmem>>
      %dma_start3A_126 = arith.constant 0 : i32
      %dma_start3A_127 = arith.constant 0 : i32
      %dma_start3A_128 = tpu.memref_slice %arg3[%dma_start3A_126, %dma_start3A_127] : memref<32768x64xf32, #tpu.memory_space<hbm>> -> memref<32768x64xf32, #tpu.memory_space<hbm>>
      tpu.enqueue_indirect_dma source(%dma_start3A_128 : memref<32768x64xf32, #tpu.memory_space<hbm>>) target(%dma_start3A_124 : memref<128x64xf32, #tpu.memory_space<vmem>>) offsets(%dma_start3A_125 : memref<128xi32, #tpu.memory_space<vmem>>) semaphore(%arg11 : memref<!tpu.dma_semaphore, #tpu.memory_space<semaphore_mem>>)
      %add3A_129 = arith.constant 384 : i32
      %add3A_130 = arith.addi %multiple_of3A_81, %add3A_129 : i32
      %dma_start3A_131 = arith.constant 384 : i32
      %dma_start3A_132 = arith.constant 0 : i32
      %dma_start3A_133 = tpu.memref_slice %arg9[%dma_start3A_131, %dma_start3A_132] : memref<512x64xf32, #tpu.memory_space<vmem>> -> memref<128x64xf32, #tpu.memory_space<vmem>>
      %dma_start3A_134 = tpu.memref_slice %arg8[%add3A_130] : memref<4096xi32, #tpu.memory_space<vmem>> -> memref<128xi32, #tpu.memory_space<vmem>>
      %dma_start3A_135 = arith.constant 0 : i32
      %dma_start3A_136 = arith.constant 0 : i32
      %dma_start3A_137 = tpu.memref_slice %arg2[%dma_start3A_135, %dma_start3A_136] : memref<32768x64xf32, #tpu.memory_space<hbm>> -> memref<32768x64xf32, #tpu.memory_space<hbm>>
      tpu.enqueue_indirect_dma source(%dma_start3A_137 : memref<32768x64xf32, #tpu.memory_space<hbm>>) target(%dma_start3A_133 : memref<128x64xf32, #tpu.memory_space<vmem>>) offsets(%dma_start3A_134 : memref<128xi32, #tpu.memory_space<vmem>>) semaphore(%arg11 : memref<!tpu.dma_semaphore, #tpu.memory_space<semaphore_mem>>)
      %dma_start3A_138 = arith.constant 384 : i32
      %dma_start3A_139 = arith.constant 0 : i32
      %dma_start3A_140 = tpu.memref_slice %arg10[%dma_start3A_138, %dma_start3A_139] : memref<512x64xf32, #tpu.memory_space<vmem>> -> memref<128x64xf32, #tpu.memory_space<vmem>>
      %dma_start3A_141 = tpu.memref_slice %arg8[%add3A_130] : memref<4096xi32, #tpu.memory_space<vmem>> -> memref<128xi32, #tpu.memory_space<vmem>>
      %dma_start3A_142 = arith.constant 0 : i32
      %dma_start3A_143 = arith.constant 0 : i32
      %dma_start3A_144 = tpu.memref_slice %arg3[%dma_start3A_142, %dma_start3A_143] : memref<32768x64xf32, #tpu.memory_space<hbm>> -> memref<32768x64xf32, #tpu.memory_space<hbm>>
      tpu.enqueue_indirect_dma source(%dma_start3A_144 : memref<32768x64xf32, #tpu.memory_space<hbm>>) target(%dma_start3A_140 : memref<128x64xf32, #tpu.memory_space<vmem>>) offsets(%dma_start3A_141 : memref<128xi32, #tpu.memory_space<vmem>>) semaphore(%arg11 : memref<!tpu.dma_semaphore, #tpu.memory_space<semaphore_mem>>)
      %dma_wait3A = arith.constant 0 : i32
      %dma_wait3A_145 = arith.constant 0 : i32
      %dma_wait3A_146 = tpu.memref_slice %arg9[%dma_wait3A, %dma_wait3A_145] : memref<512x64xf32, #tpu.memory_space<vmem>> -> memref<128x64xf32, #tpu.memory_space<vmem>>
      %dma_wait3A_147 = tpu.memref_slice %arg8[%add3A_83] : memref<4096xi32, #tpu.memory_space<vmem>> -> memref<128xi32, #tpu.memory_space<vmem>>
      %dma_wait3A_148 = arith.constant 0 : i32
      %dma_wait3A_149 = arith.constant 0 : i32
      %dma_wait3A_150 = tpu.memref_slice %arg2[%dma_wait3A_148, %dma_wait3A_149] : memref<32768x64xf32, #tpu.memory_space<hbm>> -> memref<32768x64xf32, #tpu.memory_space<hbm>>
      tpu.wait_indirect_dma semaphore(%arg11 : memref<!tpu.dma_semaphore, #tpu.memory_space<semaphore_mem>>) src(%dma_wait3A_150 : memref<32768x64xf32, #tpu.memory_space<hbm>>) dst(%dma_wait3A_146 : memref<128x64xf32, #tpu.memory_space<vmem>>)
      %dma_wait3A_151 = arith.constant 0 : i32
      %dma_wait3A_152 = arith.constant 0 : i32
      %dma_wait3A_153 = tpu.memref_slice %arg10[%dma_wait3A_151, %dma_wait3A_152] : memref<512x64xf32, #tpu.memory_space<vmem>> -> memref<128x64xf32, #tpu.memory_space<vmem>>
      %dma_wait3A_154 = tpu.memref_slice %arg8[%add3A_83] : memref<4096xi32, #tpu.memory_space<vmem>> -> memref<128xi32, #tpu.memory_space<vmem>>
      %dma_wait3A_155 = arith.constant 0 : i32
      %dma_wait3A_156 = arith.constant 0 : i32
      %dma_wait3A_157 = tpu.memref_slice %arg3[%dma_wait3A_155, %dma_wait3A_156] : memref<32768x64xf32, #tpu.memory_space<hbm>> -> memref<32768x64xf32, #tpu.memory_space<hbm>>
      tpu.wait_indirect_dma semaphore(%arg11 : memref<!tpu.dma_semaphore, #tpu.memory_space<semaphore_mem>>) src(%dma_wait3A_157 : memref<32768x64xf32, #tpu.memory_space<hbm>>) dst(%dma_wait3A_153 : memref<128x64xf32, #tpu.memory_space<vmem>>)
      %dma_wait3A_158 = arith.constant 128 : i32
      %dma_wait3A_159 = arith.constant 0 : i32
      %dma_wait3A_160 = tpu.memref_slice %arg9[%dma_wait3A_158, %dma_wait3A_159] : memref<512x64xf32, #tpu.memory_space<vmem>> -> memref<128x64xf32, #tpu.memory_space<vmem>>
      %dma_wait3A_161 = tpu.memref_slice %arg8[%add3A_98] : memref<4096xi32, #tpu.memory_space<vmem>> -> memref<128xi32, #tpu.memory_space<vmem>>
      %dma_wait3A_162 = arith.constant 0 : i32
      %dma_wait3A_163 = arith.constant 0 : i32
      %dma_wait3A_164 = tpu.memref_slice %arg2[%dma_wait3A_162, %dma_wait3A_163] : memref<32768x64xf32, #tpu.memory_space<hbm>> -> memref<32768x64xf32, #tpu.memory_space<hbm>>
      tpu.wait_indirect_dma semaphore(%arg11 : memref<!tpu.dma_semaphore, #tpu.memory_space<semaphore_mem>>) src(%dma_wait3A_164 : memref<32768x64xf32, #tpu.memory_space<hbm>>) dst(%dma_wait3A_160 : memref<128x64xf32, #tpu.memory_space<vmem>>)
      %dma_wait3A_165 = arith.constant 128 : i32
      %dma_wait3A_166 = arith.constant 0 : i32
      %dma_wait3A_167 = tpu.memref_slice %arg10[%dma_wait3A_165, %dma_wait3A_166] : memref<512x64xf32, #tpu.memory_space<vmem>> -> memref<128x64xf32, #tpu.memory_space<vmem>>
      %dma_wait3A_168 = tpu.memref_slice %arg8[%add3A_98] : memref<4096xi32, #tpu.memory_space<vmem>> -> memref<128xi32, #tpu.memory_space<vmem>>
      %dma_wait3A_169 = arith.constant 0 : i32
      %dma_wait3A_170 = arith.constant 0 : i32
      %dma_wait3A_171 = tpu.memref_slice %arg3[%dma_wait3A_169, %dma_wait3A_170] : memref<32768x64xf32, #tpu.memory_space<hbm>> -> memref<32768x64xf32, #tpu.memory_space<hbm>>
      tpu.wait_indirect_dma semaphore(%arg11 : memref<!tpu.dma_semaphore, #tpu.memory_space<semaphore_mem>>) src(%dma_wait3A_171 : memref<32768x64xf32, #tpu.memory_space<hbm>>) dst(%dma_wait3A_167 : memref<128x64xf32, #tpu.memory_space<vmem>>)
      %dma_wait3A_172 = arith.constant 256 : i32
      %dma_wait3A_173 = arith.constant 0 : i32
      %dma_wait3A_174 = tpu.memref_slice %arg9[%dma_wait3A_172, %dma_wait3A_173] : memref<512x64xf32, #tpu.memory_space<vmem>> -> memref<128x64xf32, #tpu.memory_space<vmem>>
      %dma_wait3A_175 = tpu.memref_slice %arg8[%add3A_114] : memref<4096xi32, #tpu.memory_space<vmem>> -> memref<128xi32, #tpu.memory_space<vmem>>
      %dma_wait3A_176 = arith.constant 0 : i32
      %dma_wait3A_177 = arith.constant 0 : i32
      %dma_wait3A_178 = tpu.memref_slice %arg2[%dma_wait3A_176, %dma_wait3A_177] : memref<32768x64xf32, #tpu.memory_space<hbm>> -> memref<32768x64xf32, #tpu.memory_space<hbm>>
      tpu.wait_indirect_dma semaphore(%arg11 : memref<!tpu.dma_semaphore, #tpu.memory_space<semaphore_mem>>) src(%dma_wait3A_178 : memref<32768x64xf32, #tpu.memory_space<hbm>>) dst(%dma_wait3A_174 : memref<128x64xf32, #tpu.memory_space<vmem>>)
      %dma_wait3A_179 = arith.constant 256 : i32
      %dma_wait3A_180 = arith.constant 0 : i32
      %dma_wait3A_181 = tpu.memref_slice %arg10[%dma_wait3A_179, %dma_wait3A_180] : memref<512x64xf32, #tpu.memory_space<vmem>> -> memref<128x64xf32, #tpu.memory_space<vmem>>
      %dma_wait3A_182 = tpu.memref_slice %arg8[%add3A_114] : memref<4096xi32, #tpu.memory_space<vmem>> -> memref<128xi32, #tpu.memory_space<vmem>>
      %dma_wait3A_183 = arith.constant 0 : i32
      %dma_wait3A_184 = arith.constant 0 : i32
      %dma_wait3A_185 = tpu.memref_slice %arg3[%dma_wait3A_183, %dma_wait3A_184] : memref<32768x64xf32, #tpu.memory_space<hbm>> -> memref<32768x64xf32, #tpu.memory_space<hbm>>
      tpu.wait_indirect_dma semaphore(%arg11 : memref<!tpu.dma_semaphore, #tpu.memory_space<semaphore_mem>>) src(%dma_wait3A_185 : memref<32768x64xf32, #tpu.memory_space<hbm>>) dst(%dma_wait3A_181 : memref<128x64xf32, #tpu.memory_space<vmem>>)
      %dma_wait3A_186 = arith.constant 384 : i32
      %dma_wait3A_187 = arith.constant 0 : i32
      %dma_wait3A_188 = tpu.memref_slice %arg9[%dma_wait3A_186, %dma_wait3A_187] : memref<512x64xf32, #tpu.memory_space<vmem>> -> memref<128x64xf32, #tpu.memory_space<vmem>>
      %dma_wait3A_189 = tpu.memref_slice %arg8[%add3A_130] : memref<4096xi32, #tpu.memory_space<vmem>> -> memref<128xi32, #tpu.memory_space<vmem>>
      %dma_wait3A_190 = arith.constant 0 : i32
      %dma_wait3A_191 = arith.constant 0 : i32
      %dma_wait3A_192 = tpu.memref_slice %arg2[%dma_wait3A_190, %dma_wait3A_191] : memref<32768x64xf32, #tpu.memory_space<hbm>> -> memref<32768x64xf32, #tpu.memory_space<hbm>>
      tpu.wait_indirect_dma semaphore(%arg11 : memref<!tpu.dma_semaphore, #tpu.memory_space<semaphore_mem>>) src(%dma_wait3A_192 : memref<32768x64xf32, #tpu.memory_space<hbm>>) dst(%dma_wait3A_188 : memref<128x64xf32, #tpu.memory_space<vmem>>)
      %dma_wait3A_193 = arith.constant 384 : i32
      %dma_wait3A_194 = arith.constant 0 : i32
      %dma_wait3A_195 = tpu.memref_slice %arg10[%dma_wait3A_193, %dma_wait3A_194] : memref<512x64xf32, #tpu.memory_space<vmem>> -> memref<128x64xf32, #tpu.memory_space<vmem>>
      %dma_wait3A_196 = tpu.memref_slice %arg8[%add3A_130] : memref<4096xi32, #tpu.memory_space<vmem>> -> memref<128xi32, #tpu.memory_space<vmem>>
      %dma_wait3A_197 = arith.constant 0 : i32
      %dma_wait3A_198 = arith.constant 0 : i32
      %dma_wait3A_199 = tpu.memref_slice %arg3[%dma_wait3A_197, %dma_wait3A_198] : memref<32768x64xf32, #tpu.memory_space<hbm>> -> memref<32768x64xf32, #tpu.memory_space<hbm>>
      tpu.wait_indirect_dma semaphore(%arg11 : memref<!tpu.dma_semaphore, #tpu.memory_space<semaphore_mem>>) src(%dma_wait3A_199 : memref<32768x64xf32, #tpu.memory_space<hbm>>) dst(%dma_wait3A_195 : memref<128x64xf32, #tpu.memory_space<vmem>>)
      %add3A_200 = arith.addi %multiple_of3A, %multiple_of3A_81 : i32
      "tpu.region"() ({
        %run_scoped3A = tpu.sem_alloc : memref<!tpu.dma_semaphore, #tpu.memory_space<semaphore_mem>>
        %dma_start3A_203 = arith.constant 0 : i32
        %dma_start3A_204 = tpu.memref_slice %arg5[%add3A_200, %dma_start3A_203] : memref<131072x64xf32, #tpu.memory_space<hbm>> -> memref<512x64xf32, #tpu.memory_space<hbm>>
        %dma_start3A_205 = arith.constant 0 : i32
        %dma_start3A_206 = tpu.memref_slice %arg5[%add3A_200, %dma_start3A_205] : memref<131072x64xf32, #tpu.memory_space<hbm>> -> memref<512x64xf32, #tpu.memory_space<hbm>>
        tpu.enqueue_dma source(%arg9 : memref<512x64xf32, #tpu.memory_space<vmem>>) target(%dma_start3A_206 : memref<512x64xf32, #tpu.memory_space<hbm>>) target_semaphore(%run_scoped3A : memref<!tpu.dma_semaphore, #tpu.memory_space<semaphore_mem>>)
        %dma_wait3A_207 = arith.constant 0 : i32
        %dma_wait3A_208 = tpu.memref_slice %arg5[%add3A_200, %dma_wait3A_207] : memref<131072x64xf32, #tpu.memory_space<hbm>> -> memref<512x64xf32, #tpu.memory_space<hbm>>
        %dma_wait3A_209 = arith.constant 0 : i32
        %dma_wait3A_210 = tpu.memref_slice %arg5[%add3A_200, %dma_wait3A_209] : memref<131072x64xf32, #tpu.memory_space<hbm>> -> memref<512x64xf32, #tpu.memory_space<hbm>>
        tpu.wait_dma2 semaphore(%run_scoped3A : memref<!tpu.dma_semaphore, #tpu.memory_space<semaphore_mem>>) src(%arg9 : memref<512x64xf32, #tpu.memory_space<vmem>>) dst(%dma_wait3A_210 : memref<512x64xf32, #tpu.memory_space<hbm>>)
        tpu.yield
      }) : () -> ()
      %add3A_201 = arith.addi %multiple_of3A, %multiple_of3A_81 : i32
      "tpu.region"() ({
        %run_scoped3A = tpu.sem_alloc : memref<!tpu.dma_semaphore, #tpu.memory_space<semaphore_mem>>
        %dma_start3A_203 = arith.constant 0 : i32
        %dma_start3A_204 = tpu.memref_slice %arg6[%add3A_201, %dma_start3A_203] : memref<131072x64xf32, #tpu.memory_space<hbm>> -> memref<512x64xf32, #tpu.memory_space<hbm>>
        %dma_start3A_205 = arith.constant 0 : i32
        %dma_start3A_206 = tpu.memref_slice %arg6[%add3A_201, %dma_start3A_205] : memref<131072x64xf32, #tpu.memory_space<hbm>> -> memref<512x64xf32, #tpu.memory_space<hbm>>
        tpu.enqueue_dma source(%arg10 : memref<512x64xf32, #tpu.memory_space<vmem>>) target(%dma_start3A_206 : memref<512x64xf32, #tpu.memory_space<hbm>>) target_semaphore(%run_scoped3A : memref<!tpu.dma_semaphore, #tpu.memory_space<semaphore_mem>>)
        %dma_wait3A_207 = arith.constant 0 : i32
        %dma_wait3A_208 = tpu.memref_slice %arg6[%add3A_201, %dma_wait3A_207] : memref<131072x64xf32, #tpu.memory_space<hbm>> -> memref<512x64xf32, #tpu.memory_space<hbm>>
        %dma_wait3A_209 = arith.constant 0 : i32
        %dma_wait3A_210 = tpu.memref_slice %arg6[%add3A_201, %dma_wait3A_209] : memref<131072x64xf32, #tpu.memory_space<hbm>> -> memref<512x64xf32, #tpu.memory_space<hbm>>
        tpu.wait_dma2 semaphore(%run_scoped3A : memref<!tpu.dma_semaphore, #tpu.memory_space<semaphore_mem>>) src(%arg10 : memref<512x64xf32, #tpu.memory_space<vmem>>) dst(%dma_wait3A_210 : memref<512x64xf32, #tpu.memory_space<hbm>>)
        tpu.yield
      }) : () -> ()
      %scan3A_202 = arith.constant 0 : i32
      scf.yield %scan3A_202 : i32
    }
    %scan3A_73 = arith.constant 4 : i32
    return
  }
}

#map = affine_map<(d0, d1) -> (0, 0)>
#map1 = affine_map<(d0, d1) -> (0)>
module attributes {stable_mosaic.version = 14 : i64} {
  func.func @_permute_body(%arg0: i32, %arg1: i32, %arg2: memref<32768x64xf32, #tpu.memory_space<hbm>>, %arg3: memref<32768x64xf32, #tpu.memory_space<hbm>>, %arg4: memref<131072xi32, #tpu.memory_space<hbm>>, %arg5: memref<131072x64xf32, #tpu.memory_space<hbm>>, %arg6: memref<131072x64xf32, #tpu.memory_space<hbm>>, %arg7: memref<4096xi32, #tpu.memory_space<vmem>>, %arg8: memref<4096xi32, #tpu.memory_space<vmem>>, %arg9: memref<512x64xf32, #tpu.memory_space<vmem>>, %arg10: memref<512x64xf32, #tpu.memory_space<vmem>>, %arg11: memref<!tpu.dma_semaphore, #tpu.memory_space<semaphore_mem>>) attributes {dimension_semantics = [#tpu.dimension_semantics<core_parallel>, #tpu.dimension_semantics<subcore_parallel>], iteration_bounds = array<i64: 2, 16>, scalar_prefetch = 0 : i64, scratch_operands = 5 : i64, tpu.core_type = #tpu.core_type<sc_vector_subcore>, window_params = [{transform_indices = #map}, {transform_indices = #map}, {transform_indices = #map1}, {transform_indices = #map}, {transform_indices = #map}]} {
    %mul3A = arith.constant 2 : i32
    %mul3A_0 = arith.muli %arg1, %mul3A : i32
    %add3A = arith.addi %mul3A_0, %arg0 : i32
    %jit3A = arith.constant 2 : i32
    %div3A = arith.divsi %add3A, %jit3A : i32
    %sign3A = arith.constant 0 : i32
    %sign3A_1 = arith.cmpi sgt, %add3A, %sign3A : i32
    %sign3A_2 = arith.extui %sign3A_1 : i1 to i32
    %sign3A_3 = arith.constant 0 : i32
    %sign3A_4 = arith.cmpi slt, %add3A, %sign3A_3 : i32
    %sign3A_5 = arith.extui %sign3A_4 : i1 to i32
    %sign3A_6 = arith.subi %sign3A_2, %sign3A_5 : i32
    %sign3A_7 = arith.constant 0 : i32
    %sign3A_8 = arith.cmpi sgt, %jit3A, %sign3A_7 : i32
    %sign3A_9 = arith.extui %sign3A_8 : i1 to i32
    %sign3A_10 = arith.constant 0 : i32
    %sign3A_11 = arith.cmpi slt, %jit3A, %sign3A_10 : i32
    %sign3A_12 = arith.extui %sign3A_11 : i1 to i32
    %sign3A_13 = arith.subi %sign3A_9, %sign3A_12 : i32
    %ne3A = arith.cmpi ne, %sign3A_6, %sign3A_13 : i32
    %rem3A = arith.remsi %add3A, %jit3A : i32
    %ne3A_14 = arith.constant 0 : i32
    %ne3A_15 = arith.cmpi ne, %rem3A, %ne3A_14 : i32
    %and3A = arith.andi %ne3A, %ne3A_15 : i1
    %sub3A = arith.constant 1 : i32
    %sub3A_16 = arith.subi %div3A, %sub3A : i32
    %select_n3A = arith.select %and3A, %sub3A_16, %div3A : i32
    %jit3A_17 = arith.constant 2 : i32
    %eq3A = arith.constant 0 : i32
    %eq3A_18 = arith.cmpi eq, %jit3A_17, %eq3A : i32
    %jit3A_19 = arith.constant 1 : i32
    %select_n3A_20 = arith.select %eq3A_18, %jit3A_19, %jit3A_17 : i32
    %rem3A_21 = arith.remsi %add3A, %select_n3A_20 : i32
    %ne3A_22 = arith.constant 0 : i32
    %ne3A_23 = arith.cmpi ne, %rem3A_21, %ne3A_22 : i32
    %lt3A = arith.constant 0 : i32
    %lt3A_24 = arith.cmpi slt, %rem3A_21, %lt3A : i32
    %lt3A_25 = arith.constant 0 : i32
    %lt3A_26 = arith.cmpi slt, %select_n3A_20, %lt3A_25 : i32
    %ne3A_27 = arith.xori %lt3A_24, %lt3A_26 : i1
    %and3A_28 = arith.andi %ne3A_27, %ne3A_23 : i1
    %add3A_29 = arith.addi %rem3A_21, %select_n3A_20 : i32
    %select_n3A_30 = arith.select %and3A_28, %add3A_29, %rem3A_21 : i32
    %jit3A_31 = arith.constant 8 : i32
    %div3A_32 = arith.divsi %select_n3A, %jit3A_31 : i32
    %sign3A_33 = arith.constant 0 : i32
    %sign3A_34 = arith.cmpi sgt, %select_n3A, %sign3A_33 : i32
    %sign3A_35 = arith.extui %sign3A_34 : i1 to i32
    %sign3A_36 = arith.constant 0 : i32
    %sign3A_37 = arith.cmpi slt, %select_n3A, %sign3A_36 : i32
    %sign3A_38 = arith.extui %sign3A_37 : i1 to i32
    %sign3A_39 = arith.subi %sign3A_35, %sign3A_38 : i32
    %sign3A_40 = arith.constant 0 : i32
    %sign3A_41 = arith.cmpi sgt, %jit3A_31, %sign3A_40 : i32
    %sign3A_42 = arith.extui %sign3A_41 : i1 to i32
    %sign3A_43 = arith.constant 0 : i32
    %sign3A_44 = arith.cmpi slt, %jit3A_31, %sign3A_43 : i32
    %sign3A_45 = arith.extui %sign3A_44 : i1 to i32
    %sign3A_46 = arith.subi %sign3A_42, %sign3A_45 : i32
    %ne3A_47 = arith.cmpi ne, %sign3A_39, %sign3A_46 : i32
    %rem3A_48 = arith.remsi %select_n3A, %jit3A_31 : i32
    %ne3A_49 = arith.constant 0 : i32
    %ne3A_50 = arith.cmpi ne, %rem3A_48, %ne3A_49 : i32
    %and3A_51 = arith.andi %ne3A_47, %ne3A_50 : i1
    %sub3A_52 = arith.constant 1 : i32
    %sub3A_53 = arith.subi %div3A_32, %sub3A_52 : i32
    %select_n3A_54 = arith.select %and3A_51, %sub3A_53, %div3A_32 : i32
    %add3A_55 = arith.constant 4 : i32
    %add3A_56 = arith.addi %add3A_55, %select_n3A_54 : i32
    %mul3A_57 = arith.constant 4096 : i32
    %mul3A_58 = arith.muli %select_n3A, %mul3A_57 : i32
    %multiple_of3A = tpu.assume_multiple %mul3A_58, 4096 : i32
    "tpu.region"() ({
      %run_scoped3A = tpu.sem_alloc : memref<!tpu.dma_semaphore, #tpu.memory_space<semaphore_mem>>
      %dma_start3A = tpu.memref_slice %arg4[%multiple_of3A] : memref<131072xi32, #tpu.memory_space<hbm>> -> memref<4096xi32, #tpu.memory_space<hbm>>
      %dma_start3A_74 = tpu.memref_slice %arg4[%multiple_of3A] : memref<131072xi32, #tpu.memory_space<hbm>> -> memref<4096xi32, #tpu.memory_space<hbm>>
      tpu.enqueue_dma source(%dma_start3A_74 : memref<4096xi32, #tpu.memory_space<hbm>>) target(%arg7 : memref<4096xi32, #tpu.memory_space<vmem>>) target_semaphore(%run_scoped3A : memref<!tpu.dma_semaphore, #tpu.memory_space<semaphore_mem>>)
      %dma_wait3A = tpu.memref_slice %arg4[%multiple_of3A] : memref<131072xi32, #tpu.memory_space<hbm>> -> memref<4096xi32, #tpu.memory_space<hbm>>
      %dma_wait3A_75 = tpu.memref_slice %arg4[%multiple_of3A] : memref<131072xi32, #tpu.memory_space<hbm>> -> memref<4096xi32, #tpu.memory_space<hbm>>
      tpu.wait_dma2 semaphore(%run_scoped3A : memref<!tpu.dma_semaphore, #tpu.memory_space<semaphore_mem>>) src(%dma_wait3A_75 : memref<4096xi32, #tpu.memory_space<hbm>>) dst(%arg7 : memref<4096xi32, #tpu.memory_space<vmem>>)
      tpu.yield
    }) : () -> ()
    %mul3A_59 = arith.constant 4096 : i32
    %mul3A_60 = arith.muli %add3A_56, %mul3A_59 : i32
    %scan3A = arith.constant 0 : i32
    %scan3A_61 = arith.constant 0 : i32
    %scan3A_62 = arith.constant 256 : i32
    %scan3A_63 = arith.addi %scan3A_61, %scan3A_62 : i32
    %scan3A_64 = arith.constant 1 : i32
    %scan3A_65 = scf.for %scan3A_74 = %scan3A_61 to %scan3A_63 step %scan3A_64 iter_args(%scan3A_75 = %scan3A) -> (i32)  : i32 {
      %mul3A_76 = arith.constant 16 : i32
      %mul3A_77 = arith.muli %scan3A_74, %mul3A_76 : i32
      %multiple_of3A_78 = tpu.assume_multiple %mul3A_77, 16 : i32
      %get3A = arith.index_cast %multiple_of3A_78 : i32 to index
      %get3A_79 = tpu.vector_load %arg7[%get3A] {strides = array<i32>} : memref<4096xi32, #tpu.memory_space<vmem>>, vector<16xi32>,
      %iota3A = tpu.iota {dimensions = array<i32: 0>} : vector<16xi32>
      %add3A_80 = vector.broadcast %multiple_of3A_78 : i32 to vector<16xi32>
      %add3A_81 = arith.addi %iota3A, %add3A_80 : vector<16xi32>
      %add3A_82 = vector.broadcast %mul3A_60 : i32 to vector<16xi32>
      %add3A_83 = arith.addi %add3A_81, %add3A_82 : vector<16xi32>
      tpu.vector_store_idx %arg8[%get3A_79], %add3A_83 : memref<4096xi32, #tpu.memory_space<vmem>>[vector<16xi32>], vector<16xi32>,
      %scan3A_84 = arith.constant 0 : i32
      scf.yield %scan3A_84 : i32
    }
    %scan3A_66 = arith.constant 256 : i32
    %scan3A_67 = arith.constant 0 : i32
    %scan3A_68 = arith.constant 0 : i32
    %scan3A_69 = arith.constant 4 : i32
    %scan3A_70 = arith.addi %scan3A_68, %scan3A_69 : i32
    %scan3A_71 = arith.constant 1 : i32
    %scan3A_72 = scf.for %scan3A_74 = %scan3A_68 to %scan3A_70 step %scan3A_71 iter_args(%scan3A_75 = %scan3A_67) -> (i32)  : i32 {
      %mul3A_76 = arith.constant 4 : i32
      %mul3A_77 = arith.muli %select_n3A_30, %mul3A_76 : i32
      %add3A_78 = arith.addi %mul3A_77, %scan3A_74 : i32
      %mul3A_79 = arith.constant 512 : i32
      %mul3A_80 = arith.muli %add3A_78, %mul3A_79 : i32
      %multiple_of3A_81 = tpu.assume_multiple %mul3A_80, 512 : i32
      %add3A_82 = arith.constant 0 : i32
      %add3A_83 = arith.addi %multiple_of3A_81, %add3A_82 : i32
      %dma_start3A = arith.constant 0 : i32
      %dma_start3A_84 = arith.constant 0 : i32
      %dma_start3A_85 = tpu.memref_slice %arg9[%dma_start3A, %dma_start3A_84] : memref<512x64xf32, #tpu.memory_space<vmem>> -> memref<128x64xf32, #tpu.memory_space<vmem>>
      %dma_start3A_86 = tpu.memref_slice %arg8[%add3A_83] : memref<4096xi32, #tpu.memory_space<vmem>> -> memref<128xi32, #tpu.memory_space<vmem>>
      %dma_start3A_87 = arith.constant 0 : i32
      %dma_start3A_88 = arith.constant 0 : i32
      %dma_start3A_89 = tpu.memref_slice %arg2[%dma_start3A_87, %dma_start3A_88] : memref<32768x64xf32, #tpu.memory_space<hbm>> -> memref<32768x64xf32, #tpu.memory_space<hbm>>
      tpu.enqueue_indirect_dma source(%dma_start3A_89 : memref<32768x64xf32, #tpu.memory_space<hbm>>) target(%dma_start3A_85 : memref<128x64xf32, #tpu.memory_space<vmem>>) offsets(%dma_start3A_86 : memref<128xi32, #tpu.memory_space<vmem>>) semaphore(%arg11 : memref<!tpu.dma_semaphore, #tpu.memory_space<semaphore_mem>>)
      %dma_start3A_90 = arith.constant 0 : i32
      %dma_start3A_91 = arith.constant 0 : i32
      %dma_start3A_92 = tpu.memref_slice %arg10[%dma_start3A_90, %dma_start3A_91] : memref<512x64xf32, #tpu.memory_space<vmem>> -> memref<128x64xf32, #tpu.memory_space<vmem>>
      %dma_start3A_93 = tpu.memref_slice %arg8[%add3A_83] : memref<4096xi32, #tpu.memory_space<vmem>> -> memref<128xi32, #tpu.memory_space<vmem>>
      %dma_start3A_94 = arith.constant 0 : i32
      %dma_start3A_95 = arith.constant 0 : i32
      %dma_start3A_96 = tpu.memref_slice %arg3[%dma_start3A_94, %dma_start3A_95] : memref<32768x64xf32, #tpu.memory_space<hbm>> -> memref<32768x64xf32, #tpu.memory_space<hbm>>
      tpu.enqueue_indirect_dma source(%dma_start3A_96 : memref<32768x64xf32, #tpu.memory_space<hbm>>) target(%dma_start3A_92 : memref<128x64xf32, #tpu.memory_space<vmem>>) offsets(%dma_start3A_93 : memref<128xi32, #tpu.memory_space<vmem>>) semaphore(%arg11 : memref<!tpu.dma_semaphore, #tpu.memory_space<semaphore_mem>>)
      %add3A_97 = arith.constant 128 : i32
      %add3A_98 = arith.addi %multiple_of3A_81, %add3A_97 : i32
      %dma_start3A_99 = arith.constant 128 : i32
      %dma_start3A_100 = arith.constant 0 : i32
      %dma_start3A_101 = tpu.memref_slice %arg9[%dma_start3A_99, %dma_start3A_100] : memref<512x64xf32, #tpu.memory_space<vmem>> -> memref<128x64xf32, #tpu.memory_space<vmem>>
      %dma_start3A_102 = tpu.memref_slice %arg8[%add3A_98] : memref<4096xi32, #tpu.memory_space<vmem>> -> memref<128xi32, #tpu.memory_space<vmem>>
      %dma_start3A_103 = arith.constant 0 : i32
      %dma_start3A_104 = arith.constant 0 : i32
      %dma_start3A_105 = tpu.memref_slice %arg2[%dma_start3A_103, %dma_start3A_104] : memref<32768x64xf32, #tpu.memory_space<hbm>> -> memref<32768x64xf32, #tpu.memory_space<hbm>>
      tpu.enqueue_indirect_dma source(%dma_start3A_105 : memref<32768x64xf32, #tpu.memory_space<hbm>>) target(%dma_start3A_101 : memref<128x64xf32, #tpu.memory_space<vmem>>) offsets(%dma_start3A_102 : memref<128xi32, #tpu.memory_space<vmem>>) semaphore(%arg11 : memref<!tpu.dma_semaphore, #tpu.memory_space<semaphore_mem>>)
      %dma_start3A_106 = arith.constant 128 : i32
      %dma_start3A_107 = arith.constant 0 : i32
      %dma_start3A_108 = tpu.memref_slice %arg10[%dma_start3A_106, %dma_start3A_107] : memref<512x64xf32, #tpu.memory_space<vmem>> -> memref<128x64xf32, #tpu.memory_space<vmem>>
      %dma_start3A_109 = tpu.memref_slice %arg8[%add3A_98] : memref<4096xi32, #tpu.memory_space<vmem>> -> memref<128xi32, #tpu.memory_space<vmem>>
      %dma_start3A_110 = arith.constant 0 : i32
      %dma_start3A_111 = arith.constant 0 : i32
      %dma_start3A_112 = tpu.memref_slice %arg3[%dma_start3A_110, %dma_start3A_111] : memref<32768x64xf32, #tpu.memory_space<hbm>> -> memref<32768x64xf32, #tpu.memory_space<hbm>>
      tpu.enqueue_indirect_dma source(%dma_start3A_112 : memref<32768x64xf32, #tpu.memory_space<hbm>>) target(%dma_start3A_108 : memref<128x64xf32, #tpu.memory_space<vmem>>) offsets(%dma_start3A_109 : memref<128xi32, #tpu.memory_space<vmem>>) semaphore(%arg11 : memref<!tpu.dma_semaphore, #tpu.memory_space<semaphore_mem>>)
      %add3A_113 = arith.constant 256 : i32
      %add3A_114 = arith.addi %multiple_of3A_81, %add3A_113 : i32
      %dma_start3A_115 = arith.constant 256 : i32
      %dma_start3A_116 = arith.constant 0 : i32
      %dma_start3A_117 = tpu.memref_slice %arg9[%dma_start3A_115, %dma_start3A_116] : memref<512x64xf32, #tpu.memory_space<vmem>> -> memref<128x64xf32, #tpu.memory_space<vmem>>
      %dma_start3A_118 = tpu.memref_slice %arg8[%add3A_114] : memref<4096xi32, #tpu.memory_space<vmem>> -> memref<128xi32, #tpu.memory_space<vmem>>
      %dma_start3A_119 = arith.constant 0 : i32
      %dma_start3A_120 = arith.constant 0 : i32
      %dma_start3A_121 = tpu.memref_slice %arg2[%dma_start3A_119, %dma_start3A_120] : memref<32768x64xf32, #tpu.memory_space<hbm>> -> memref<32768x64xf32, #tpu.memory_space<hbm>>
      tpu.enqueue_indirect_dma source(%dma_start3A_121 : memref<32768x64xf32, #tpu.memory_space<hbm>>) target(%dma_start3A_117 : memref<128x64xf32, #tpu.memory_space<vmem>>) offsets(%dma_start3A_118 : memref<128xi32, #tpu.memory_space<vmem>>) semaphore(%arg11 : memref<!tpu.dma_semaphore, #tpu.memory_space<semaphore_mem>>)
      %dma_start3A_122 = arith.constant 256 : i32
      %dma_start3A_123 = arith.constant 0 : i32
      %dma_start3A_124 = tpu.memref_slice %arg10[%dma_start3A_122, %dma_start3A_123] : memref<512x64xf32, #tpu.memory_space<vmem>> -> memref<128x64xf32, #tpu.memory_space<vmem>>
      %dma_start3A_125 = tpu.memref_slice %arg8[%add3A_114] : memref<4096xi32, #tpu.memory_space<vmem>> -> memref<128xi32, #tpu.memory_space<vmem>>
      %dma_start3A_126 = arith.constant 0 : i32
      %dma_start3A_127 = arith.constant 0 : i32
      %dma_start3A_128 = tpu.memref_slice %arg3[%dma_start3A_126, %dma_start3A_127] : memref<32768x64xf32, #tpu.memory_space<hbm>> -> memref<32768x64xf32, #tpu.memory_space<hbm>>
      tpu.enqueue_indirect_dma source(%dma_start3A_128 : memref<32768x64xf32, #tpu.memory_space<hbm>>) target(%dma_start3A_124 : memref<128x64xf32, #tpu.memory_space<vmem>>) offsets(%dma_start3A_125 : memref<128xi32, #tpu.memory_space<vmem>>) semaphore(%arg11 : memref<!tpu.dma_semaphore, #tpu.memory_space<semaphore_mem>>)
      %add3A_129 = arith.constant 384 : i32
      %add3A_130 = arith.addi %multiple_of3A_81, %add3A_129 : i32
      %dma_start3A_131 = arith.constant 384 : i32
      %dma_start3A_132 = arith.constant 0 : i32
      %dma_start3A_133 = tpu.memref_slice %arg9[%dma_start3A_131, %dma_start3A_132] : memref<512x64xf32, #tpu.memory_space<vmem>> -> memref<128x64xf32, #tpu.memory_space<vmem>>
      %dma_start3A_134 = tpu.memref_slice %arg8[%add3A_130] : memref<4096xi32, #tpu.memory_space<vmem>> -> memref<128xi32, #tpu.memory_space<vmem>>
      %dma_start3A_135 = arith.constant 0 : i32
      %dma_start3A_136 = arith.constant 0 : i32
      %dma_start3A_137 = tpu.memref_slice %arg2[%dma_start3A_135, %dma_start3A_136] : memref<32768x64xf32, #tpu.memory_space<hbm>> -> memref<32768x64xf32, #tpu.memory_space<hbm>>
      tpu.enqueue_indirect_dma source(%dma_start3A_137 : memref<32768x64xf32, #tpu.memory_space<hbm>>) target(%dma_start3A_133 : memref<128x64xf32, #tpu.memory_space<vmem>>) offsets(%dma_start3A_134 : memref<128xi32, #tpu.memory_space<vmem>>) semaphore(%arg11 : memref<!tpu.dma_semaphore, #tpu.memory_space<semaphore_mem>>)
      %dma_start3A_138 = arith.constant 384 : i32
      %dma_start3A_139 = arith.constant 0 : i32
      %dma_start3A_140 = tpu.memref_slice %arg10[%dma_start3A_138, %dma_start3A_139] : memref<512x64xf32, #tpu.memory_space<vmem>> -> memref<128x64xf32, #tpu.memory_space<vmem>>
      %dma_start3A_141 = tpu.memref_slice %arg8[%add3A_130] : memref<4096xi32, #tpu.memory_space<vmem>> -> memref<128xi32, #tpu.memory_space<vmem>>
      %dma_start3A_142 = arith.constant 0 : i32
      %dma_start3A_143 = arith.constant 0 : i32
      %dma_start3A_144 = tpu.memref_slice %arg3[%dma_start3A_142, %dma_start3A_143] : memref<32768x64xf32, #tpu.memory_space<hbm>> -> memref<32768x64xf32, #tpu.memory_space<hbm>>
      tpu.enqueue_indirect_dma source(%dma_start3A_144 : memref<32768x64xf32, #tpu.memory_space<hbm>>) target(%dma_start3A_140 : memref<128x64xf32, #tpu.memory_space<vmem>>) offsets(%dma_start3A_141 : memref<128xi32, #tpu.memory_space<vmem>>) semaphore(%arg11 : memref<!tpu.dma_semaphore, #tpu.memory_space<semaphore_mem>>)
      %dma_wait3A = arith.constant 0 : i32
      %dma_wait3A_145 = arith.constant 0 : i32
      %dma_wait3A_146 = tpu.memref_slice %arg9[%dma_wait3A, %dma_wait3A_145] : memref<512x64xf32, #tpu.memory_space<vmem>> -> memref<128x64xf32, #tpu.memory_space<vmem>>
      %dma_wait3A_147 = tpu.memref_slice %arg8[%add3A_83] : memref<4096xi32, #tpu.memory_space<vmem>> -> memref<128xi32, #tpu.memory_space<vmem>>
      %dma_wait3A_148 = arith.constant 0 : i32
      %dma_wait3A_149 = arith.constant 0 : i32
      %dma_wait3A_150 = tpu.memref_slice %arg2[%dma_wait3A_148, %dma_wait3A_149] : memref<32768x64xf32, #tpu.memory_space<hbm>> -> memref<32768x64xf32, #tpu.memory_space<hbm>>
      tpu.wait_indirect_dma semaphore(%arg11 : memref<!tpu.dma_semaphore, #tpu.memory_space<semaphore_mem>>) src(%dma_wait3A_150 : memref<32768x64xf32, #tpu.memory_space<hbm>>) dst(%dma_wait3A_146 : memref<128x64xf32, #tpu.memory_space<vmem>>)
      %dma_wait3A_151 = arith.constant 0 : i32
      %dma_wait3A_152 = arith.constant 0 : i32
      %dma_wait3A_153 = tpu.memref_slice %arg10[%dma_wait3A_151, %dma_wait3A_152] : memref<512x64xf32, #tpu.memory_space<vmem>> -> memref<128x64xf32, #tpu.memory_space<vmem>>
      %dma_wait3A_154 = tpu.memref_slice %arg8[%add3A_83] : memref<4096xi32, #tpu.memory_space<vmem>> -> memref<128xi32, #tpu.memory_space<vmem>>
      %dma_wait3A_155 = arith.constant 0 : i32
      %dma_wait3A_156 = arith.constant 0 : i32
      %dma_wait3A_157 = tpu.memref_slice %arg3[%dma_wait3A_155, %dma_wait3A_156] : memref<32768x64xf32, #tpu.memory_space<hbm>> -> memref<32768x64xf32, #tpu.memory_space<hbm>>
      tpu.wait_indirect_dma semaphore(%arg11 : memref<!tpu.dma_semaphore, #tpu.memory_space<semaphore_mem>>) src(%dma_wait3A_157 : memref<32768x64xf32, #tpu.memory_space<hbm>>) dst(%dma_wait3A_153 : memref<128x64xf32, #tpu.memory_space<vmem>>)
      %dma_wait3A_158 = arith.constant 128 : i32
      %dma_wait3A_159 = arith.constant 0 : i32
      %dma_wait3A_160 = tpu.memref_slice %arg9[%dma_wait3A_158, %dma_wait3A_159] : memref<512x64xf32, #tpu.memory_space<vmem>> -> memref<128x64xf32, #tpu.memory_space<vmem>>
      %dma_wait3A_161 = tpu.memref_slice %arg8[%add3A_98] : memref<4096xi32, #tpu.memory_space<vmem>> -> memref<128xi32, #tpu.memory_space<vmem>>
      %dma_wait3A_162 = arith.constant 0 : i32
      %dma_wait3A_163 = arith.constant 0 : i32
      %dma_wait3A_164 = tpu.memref_slice %arg2[%dma_wait3A_162, %dma_wait3A_163] : memref<32768x64xf32, #tpu.memory_space<hbm>> -> memref<32768x64xf32, #tpu.memory_space<hbm>>
      tpu.wait_indirect_dma semaphore(%arg11 : memref<!tpu.dma_semaphore, #tpu.memory_space<semaphore_mem>>) src(%dma_wait3A_164 : memref<32768x64xf32, #tpu.memory_space<hbm>>) dst(%dma_wait3A_160 : memref<128x64xf32, #tpu.memory_space<vmem>>)
      %dma_wait3A_165 = arith.constant 128 : i32
      %dma_wait3A_166 = arith.constant 0 : i32
      %dma_wait3A_167 = tpu.memref_slice %arg10[%dma_wait3A_165, %dma_wait3A_166] : memref<512x64xf32, #tpu.memory_space<vmem>> -> memref<128x64xf32, #tpu.memory_space<vmem>>
      %dma_wait3A_168 = tpu.memref_slice %arg8[%add3A_98] : memref<4096xi32, #tpu.memory_space<vmem>> -> memref<128xi32, #tpu.memory_space<vmem>>
      %dma_wait3A_169 = arith.constant 0 : i32
      %dma_wait3A_170 = arith.constant 0 : i32
      %dma_wait3A_171 = tpu.memref_slice %arg3[%dma_wait3A_169, %dma_wait3A_170] : memref<32768x64xf32, #tpu.memory_space<hbm>> -> memref<32768x64xf32, #tpu.memory_space<hbm>>
      tpu.wait_indirect_dma semaphore(%arg11 : memref<!tpu.dma_semaphore, #tpu.memory_space<semaphore_mem>>) src(%dma_wait3A_171 : memref<32768x64xf32, #tpu.memory_space<hbm>>) dst(%dma_wait3A_167 : memref<128x64xf32, #tpu.memory_space<vmem>>)
      %dma_wait3A_172 = arith.constant 256 : i32
      %dma_wait3A_173 = arith.constant 0 : i32
      %dma_wait3A_174 = tpu.memref_slice %arg9[%dma_wait3A_172, %dma_wait3A_173] : memref<512x64xf32, #tpu.memory_space<vmem>> -> memref<128x64xf32, #tpu.memory_space<vmem>>
      %dma_wait3A_175 = tpu.memref_slice %arg8[%add3A_114] : memref<4096xi32, #tpu.memory_space<vmem>> -> memref<128xi32, #tpu.memory_space<vmem>>
      %dma_wait3A_176 = arith.constant 0 : i32
      %dma_wait3A_177 = arith.constant 0 : i32
      %dma_wait3A_178 = tpu.memref_slice %arg2[%dma_wait3A_176, %dma_wait3A_177] : memref<32768x64xf32, #tpu.memory_space<hbm>> -> memref<32768x64xf32, #tpu.memory_space<hbm>>
      tpu.wait_indirect_dma semaphore(%arg11 : memref<!tpu.dma_semaphore, #tpu.memory_space<semaphore_mem>>) src(%dma_wait3A_178 : memref<32768x64xf32, #tpu.memory_space<hbm>>) dst(%dma_wait3A_174 : memref<128x64xf32, #tpu.memory_space<vmem>>)
      %dma_wait3A_179 = arith.constant 256 : i32
      %dma_wait3A_180 = arith.constant 0 : i32
      %dma_wait3A_181 = tpu.memref_slice %arg10[%dma_wait3A_179, %dma_wait3A_180] : memref<512x64xf32, #tpu.memory_space<vmem>> -> memref<128x64xf32, #tpu.memory_space<vmem>>
      %dma_wait3A_182 = tpu.memref_slice %arg8[%add3A_114] : memref<4096xi32, #tpu.memory_space<vmem>> -> memref<128xi32, #tpu.memory_space<vmem>>
      %dma_wait3A_183 = arith.constant 0 : i32
      %dma_wait3A_184 = arith.constant 0 : i32
      %dma_wait3A_185 = tpu.memref_slice %arg3[%dma_wait3A_183, %dma_wait3A_184] : memref<32768x64xf32, #tpu.memory_space<hbm>> -> memref<32768x64xf32, #tpu.memory_space<hbm>>
      tpu.wait_indirect_dma semaphore(%arg11 : memref<!tpu.dma_semaphore, #tpu.memory_space<semaphore_mem>>) src(%dma_wait3A_185 : memref<32768x64xf32, #tpu.memory_space<hbm>>) dst(%dma_wait3A_181 : memref<128x64xf32, #tpu.memory_space<vmem>>)
      %dma_wait3A_186 = arith.constant 384 : i32
      %dma_wait3A_187 = arith.constant 0 : i32
      %dma_wait3A_188 = tpu.memref_slice %arg9[%dma_wait3A_186, %dma_wait3A_187] : memref<512x64xf32, #tpu.memory_space<vmem>> -> memref<128x64xf32, #tpu.memory_space<vmem>>
      %dma_wait3A_189 = tpu.memref_slice %arg8[%add3A_130] : memref<4096xi32, #tpu.memory_space<vmem>> -> memref<128xi32, #tpu.memory_space<vmem>>
      %dma_wait3A_190 = arith.constant 0 : i32
      %dma_wait3A_191 = arith.constant 0 : i32
      %dma_wait3A_192 = tpu.memref_slice %arg2[%dma_wait3A_190, %dma_wait3A_191] : memref<32768x64xf32, #tpu.memory_space<hbm>> -> memref<32768x64xf32, #tpu.memory_space<hbm>>
      tpu.wait_indirect_dma semaphore(%arg11 : memref<!tpu.dma_semaphore, #tpu.memory_space<semaphore_mem>>) src(%dma_wait3A_192 : memref<32768x64xf32, #tpu.memory_space<hbm>>) dst(%dma_wait3A_188 : memref<128x64xf32, #tpu.memory_space<vmem>>)
      %dma_wait3A_193 = arith.constant 384 : i32
      %dma_wait3A_194 = arith.constant 0 : i32
      %dma_wait3A_195 = tpu.memref_slice %arg10[%dma_wait3A_193, %dma_wait3A_194] : memref<512x64xf32, #tpu.memory_space<vmem>> -> memref<128x64xf32, #tpu.memory_space<vmem>>
      %dma_wait3A_196 = tpu.memref_slice %arg8[%add3A_130] : memref<4096xi32, #tpu.memory_space<vmem>> -> memref<128xi32, #tpu.memory_space<vmem>>
      %dma_wait3A_197 = arith.constant 0 : i32
      %dma_wait3A_198 = arith.constant 0 : i32
      %dma_wait3A_199 = tpu.memref_slice %arg3[%dma_wait3A_197, %dma_wait3A_198] : memref<32768x64xf32, #tpu.memory_space<hbm>> -> memref<32768x64xf32, #tpu.memory_space<hbm>>
      tpu.wait_indirect_dma semaphore(%arg11 : memref<!tpu.dma_semaphore, #tpu.memory_space<semaphore_mem>>) src(%dma_wait3A_199 : memref<32768x64xf32, #tpu.memory_space<hbm>>) dst(%dma_wait3A_195 : memref<128x64xf32, #tpu.memory_space<vmem>>)
      %add3A_200 = arith.addi %multiple_of3A, %multiple_of3A_81 : i32
      "tpu.region"() ({
        %run_scoped3A = tpu.sem_alloc : memref<!tpu.dma_semaphore, #tpu.memory_space<semaphore_mem>>
        %dma_start3A_203 = arith.constant 0 : i32
        %dma_start3A_204 = tpu.memref_slice %arg5[%add3A_200, %dma_start3A_203] : memref<131072x64xf32, #tpu.memory_space<hbm>> -> memref<512x64xf32, #tpu.memory_space<hbm>>
        %dma_start3A_205 = arith.constant 0 : i32
        %dma_start3A_206 = tpu.memref_slice %arg5[%add3A_200, %dma_start3A_205] : memref<131072x64xf32, #tpu.memory_space<hbm>> -> memref<512x64xf32, #tpu.memory_space<hbm>>
        tpu.enqueue_dma source(%arg9 : memref<512x64xf32, #tpu.memory_space<vmem>>) target(%dma_start3A_206 : memref<512x64xf32, #tpu.memory_space<hbm>>) target_semaphore(%run_scoped3A : memref<!tpu.dma_semaphore, #tpu.memory_space<semaphore_mem>>)
        %dma_wait3A_207 = arith.constant 0 : i32
        %dma_wait3A_208 = tpu.memref_slice %arg5[%add3A_200, %dma_wait3A_207] : memref<131072x64xf32, #tpu.memory_space<hbm>> -> memref<512x64xf32, #tpu.memory_space<hbm>>
        %dma_wait3A_209 = arith.constant 0 : i32
        %dma_wait3A_210 = tpu.memref_slice %arg5[%add3A_200, %dma_wait3A_209] : memref<131072x64xf32, #tpu.memory_space<hbm>> -> memref<512x64xf32, #tpu.memory_space<hbm>>
        tpu.wait_dma2 semaphore(%run_scoped3A : memref<!tpu.dma_semaphore, #tpu.memory_space<semaphore_mem>>) src(%arg9 : memref<512x64xf32, #tpu.memory_space<vmem>>) dst(%dma_wait3A_210 : memref<512x64xf32, #tpu.memory_space<hbm>>)
        tpu.yield
      }) : () -> ()
      %add3A_201 = arith.addi %multiple_of3A, %multiple_of3A_81 : i32
      "tpu.region"() ({
        %run_scoped3A = tpu.sem_alloc : memref<!tpu.dma_semaphore, #tpu.memory_space<semaphore_mem>>
        %dma_start3A_203 = arith.constant 0 : i32
        %dma_start3A_204 = tpu.memref_slice %arg6[%add3A_201, %dma_start3A_203] : memref<131072x64xf32, #tpu.memory_space<hbm>> -> memref<512x64xf32, #tpu.memory_space<hbm>>
        %dma_start3A_205 = arith.constant 0 : i32
        %dma_start3A_206 = tpu.memref_slice %arg6[%add3A_201, %dma_start3A_205] : memref<131072x64xf32, #tpu.memory_space<hbm>> -> memref<512x64xf32, #tpu.memory_space<hbm>>
        tpu.enqueue_dma source(%arg10 : memref<512x64xf32, #tpu.memory_space<vmem>>) target(%dma_start3A_206 : memref<512x64xf32, #tpu.memory_space<hbm>>) target_semaphore(%run_scoped3A : memref<!tpu.dma_semaphore, #tpu.memory_space<semaphore_mem>>)
        %dma_wait3A_207 = arith.constant 0 : i32
        %dma_wait3A_208 = tpu.memref_slice %arg6[%add3A_201, %dma_wait3A_207] : memref<131072x64xf32, #tpu.memory_space<hbm>> -> memref<512x64xf32, #tpu.memory_space<hbm>>
        %dma_wait3A_209 = arith.constant 0 : i32
        %dma_wait3A_210 = tpu.memref_slice %arg6[%add3A_201, %dma_wait3A_209] : memref<131072x64xf32, #tpu.memory_space<hbm>> -> memref<512x64xf32, #tpu.memory_space<hbm>>
        tpu.wait_dma2 semaphore(%run_scoped3A : memref<!tpu.dma_semaphore, #tpu.memory_space<semaphore_mem>>) src(%arg10 : memref<512x64xf32, #tpu.memory_space<vmem>>) dst(%dma_wait3A_210 : memref<512x64xf32, #tpu.memory_space<hbm>>)
        tpu.yield
      }) : () -> ()
      %scan3A_202 = arith.constant 0 : i32
      scf.yield %scan3A_202 : i32
    }
    %scan3A_73 = arith.constant 4 : i32
    return
  }
}

#map = affine_map<(d0, d1) -> (0, 0)>
#map1 = affine_map<(d0, d1) -> (0)>
module attributes {stable_mosaic.version = 14 : i64} {
  func.func @_unpermute_body(%arg0: i32, %arg1: i32, %arg2: memref<131072x64xf32, #tpu.memory_space<hbm>>, %arg3: memref<131072xf32, #tpu.memory_space<hbm>>, %arg4: memref<131072xi32, #tpu.memory_space<hbm>>, %arg5: memref<131072x64xf32, #tpu.memory_space<hbm>>, %arg6: memref<131072xf32, #tpu.memory_space<hbm>>, %arg7: memref<4096xi32, #tpu.memory_space<vmem>>, %arg8: memref<4096xi32, #tpu.memory_space<vmem>>, %arg9: memref<4096xf32, #tpu.memory_space<vmem>>, %arg10: memref<4096xf32, #tpu.memory_space<vmem>>, %arg11: memref<512x64xf32, #tpu.memory_space<vmem>>, %arg12: memref<!tpu.dma_semaphore, #tpu.memory_space<semaphore_mem>>) attributes {dimension_semantics = [#tpu.dimension_semantics<core_parallel>, #tpu.dimension_semantics<subcore_parallel>], iteration_bounds = array<i64: 2, 16>, scalar_prefetch = 0 : i64, scratch_operands = 6 : i64, tpu.core_type = #tpu.core_type<sc_vector_subcore>, window_params = [{transform_indices = #map}, {transform_indices = #map1}, {transform_indices = #map1}, {transform_indices = #map}, {transform_indices = #map1}]} {
    %mul3A = arith.constant 2 : i32
    %mul3A_0 = arith.muli %arg1, %mul3A : i32
    %add3A = arith.addi %mul3A_0, %arg0 : i32
    %jit3A = arith.constant 2 : i32
    %div3A = arith.divsi %add3A, %jit3A : i32
    %sign3A = arith.constant 0 : i32
    %sign3A_1 = arith.cmpi sgt, %add3A, %sign3A : i32
    %sign3A_2 = arith.extui %sign3A_1 : i1 to i32
    %sign3A_3 = arith.constant 0 : i32
    %sign3A_4 = arith.cmpi slt, %add3A, %sign3A_3 : i32
    %sign3A_5 = arith.extui %sign3A_4 : i1 to i32
    %sign3A_6 = arith.subi %sign3A_2, %sign3A_5 : i32
    %sign3A_7 = arith.constant 0 : i32
    %sign3A_8 = arith.cmpi sgt, %jit3A, %sign3A_7 : i32
    %sign3A_9 = arith.extui %sign3A_8 : i1 to i32
    %sign3A_10 = arith.constant 0 : i32
    %sign3A_11 = arith.cmpi slt, %jit3A, %sign3A_10 : i32
    %sign3A_12 = arith.extui %sign3A_11 : i1 to i32
    %sign3A_13 = arith.subi %sign3A_9, %sign3A_12 : i32
    %ne3A = arith.cmpi ne, %sign3A_6, %sign3A_13 : i32
    %rem3A = arith.remsi %add3A, %jit3A : i32
    %ne3A_14 = arith.constant 0 : i32
    %ne3A_15 = arith.cmpi ne, %rem3A, %ne3A_14 : i32
    %and3A = arith.andi %ne3A, %ne3A_15 : i1
    %sub3A = arith.constant 1 : i32
    %sub3A_16 = arith.subi %div3A, %sub3A : i32
    %select_n3A = arith.select %and3A, %sub3A_16, %div3A : i32
    %jit3A_17 = arith.constant 2 : i32
    %eq3A = arith.constant 0 : i32
    %eq3A_18 = arith.cmpi eq, %jit3A_17, %eq3A : i32
    %jit3A_19 = arith.constant 1 : i32
    %select_n3A_20 = arith.select %eq3A_18, %jit3A_19, %jit3A_17 : i32
    %rem3A_21 = arith.remsi %add3A, %select_n3A_20 : i32
    %ne3A_22 = arith.constant 0 : i32
    %ne3A_23 = arith.cmpi ne, %rem3A_21, %ne3A_22 : i32
    %lt3A = arith.constant 0 : i32
    %lt3A_24 = arith.cmpi slt, %rem3A_21, %lt3A : i32
    %lt3A_25 = arith.constant 0 : i32
    %lt3A_26 = arith.cmpi slt, %select_n3A_20, %lt3A_25 : i32
    %ne3A_27 = arith.xori %lt3A_24, %lt3A_26 : i1
    %and3A_28 = arith.andi %ne3A_27, %ne3A_23 : i1
    %add3A_29 = arith.addi %rem3A_21, %select_n3A_20 : i32
    %select_n3A_30 = arith.select %and3A_28, %add3A_29, %rem3A_21 : i32
    %mul3A_31 = arith.constant 4096 : i32
    %mul3A_32 = arith.muli %select_n3A, %mul3A_31 : i32
    %multiple_of3A = tpu.assume_multiple %mul3A_32, 4096 : i32
    "tpu.region"() ({
      %run_scoped3A = tpu.sem_alloc : memref<!tpu.dma_semaphore, #tpu.memory_space<semaphore_mem>>
      %dma_start3A = tpu.memref_slice %arg4[%multiple_of3A] : memref<131072xi32, #tpu.memory_space<hbm>> -> memref<4096xi32, #tpu.memory_space<hbm>>
      %dma_start3A_49 = tpu.memref_slice %arg4[%multiple_of3A] : memref<131072xi32, #tpu.memory_space<hbm>> -> memref<4096xi32, #tpu.memory_space<hbm>>
      tpu.enqueue_dma source(%dma_start3A_49 : memref<4096xi32, #tpu.memory_space<hbm>>) target(%arg7 : memref<4096xi32, #tpu.memory_space<vmem>>) target_semaphore(%run_scoped3A : memref<!tpu.dma_semaphore, #tpu.memory_space<semaphore_mem>>)
      %dma_wait3A = tpu.memref_slice %arg4[%multiple_of3A] : memref<131072xi32, #tpu.memory_space<hbm>> -> memref<4096xi32, #tpu.memory_space<hbm>>
      %dma_wait3A_50 = tpu.memref_slice %arg4[%multiple_of3A] : memref<131072xi32, #tpu.memory_space<hbm>> -> memref<4096xi32, #tpu.memory_space<hbm>>
      tpu.wait_dma2 semaphore(%run_scoped3A : memref<!tpu.dma_semaphore, #tpu.memory_space<semaphore_mem>>) src(%dma_wait3A_50 : memref<4096xi32, #tpu.memory_space<hbm>>) dst(%arg7 : memref<4096xi32, #tpu.memory_space<vmem>>)
      tpu.yield
    }) : () -> ()
    "tpu.region"() ({
      %run_scoped3A = tpu.sem_alloc : memref<!tpu.dma_semaphore, #tpu.memory_space<semaphore_mem>>
      %dma_start3A = tpu.memref_slice %arg3[%multiple_of3A] : memref<131072xf32, #tpu.memory_space<hbm>> -> memref<4096xf32, #tpu.memory_space<hbm>>
      %dma_start3A_49 = tpu.memref_slice %arg3[%multiple_of3A] : memref<131072xf32, #tpu.memory_space<hbm>> -> memref<4096xf32, #tpu.memory_space<hbm>>
      tpu.enqueue_dma source(%dma_start3A_49 : memref<4096xf32, #tpu.memory_space<hbm>>) target(%arg9 : memref<4096xf32, #tpu.memory_space<vmem>>) target_semaphore(%run_scoped3A : memref<!tpu.dma_semaphore, #tpu.memory_space<semaphore_mem>>)
      %dma_wait3A = tpu.memref_slice %arg3[%multiple_of3A] : memref<131072xf32, #tpu.memory_space<hbm>> -> memref<4096xf32, #tpu.memory_space<hbm>>
      %dma_wait3A_50 = tpu.memref_slice %arg3[%multiple_of3A] : memref<131072xf32, #tpu.memory_space<hbm>> -> memref<4096xf32, #tpu.memory_space<hbm>>
      tpu.wait_dma2 semaphore(%run_scoped3A : memref<!tpu.dma_semaphore, #tpu.memory_space<semaphore_mem>>) src(%dma_wait3A_50 : memref<4096xf32, #tpu.memory_space<hbm>>) dst(%arg9 : memref<4096xf32, #tpu.memory_space<vmem>>)
      tpu.yield
    }) : () -> ()
    %mul3A_33 = arith.constant 2048 : i32
    %mul3A_34 = arith.muli %select_n3A_30, %mul3A_33 : i32
    %scan3A = arith.constant 0 : i32
    %scan3A_35 = arith.constant 0 : i32
    %scan3A_36 = arith.constant 128 : i32
    %scan3A_37 = arith.addi %scan3A_35, %scan3A_36 : i32
    %scan3A_38 = arith.constant 1 : i32
    %scan3A_39 = scf.for %scan3A_49 = %scan3A_35 to %scan3A_37 step %scan3A_38 iter_args(%scan3A_50 = %scan3A) -> (i32)  : i32 {
      %mul3A_51 = arith.constant 16 : i32
      %mul3A_52 = arith.muli %scan3A_49, %mul3A_51 : i32
      %add3A_53 = arith.addi %mul3A_34, %mul3A_52 : i32
      %multiple_of3A_54 = tpu.assume_multiple %add3A_53, 16 : i32
      %get3A = arith.index_cast %multiple_of3A_54 : i32 to index
      %get3A_55 = tpu.vector_load %arg7[%get3A] {strides = array<i32>} : memref<4096xi32, #tpu.memory_space<vmem>>, vector<16xi32>,
      %add3A_56 = vector.broadcast %multiple_of3A : i32 to vector<16xi32>
      %add3A_57 = arith.addi %get3A_55, %add3A_56 : vector<16xi32>
      %swap3A = arith.index_cast %multiple_of3A_54 : i32 to index
      %swap3A_58 = tpu.vector_load %arg8[%swap3A] {strides = array<i32>} : memref<4096xi32, #tpu.memory_space<vmem>>, vector<16xi32>,
      tpu.vector_store %arg8[%swap3A], %add3A_57 {strides = array<i32>} : memref<4096xi32, #tpu.memory_space<vmem>>, vector<16xi32>,
      %gather3A = tpu.vector_load_idx %arg9[%get3A_55] : memref<4096xf32, #tpu.memory_space<vmem>>[vector<16xi32>], vector<16xf32>,
      %swap3A_59 = arith.index_cast %multiple_of3A_54 : i32 to index
      %swap3A_60 = tpu.vector_load %arg10[%swap3A_59] {strides = array<i32>} : memref<4096xf32, #tpu.memory_space<vmem>>, vector<16xf32>,
      tpu.vector_store %arg10[%swap3A_59], %gather3A {strides = array<i32>} : memref<4096xf32, #tpu.memory_space<vmem>>, vector<16xf32>,
      %scan3A_61 = arith.constant 0 : i32
      scf.yield %scan3A_61 : i32
    }
    %scan3A_40 = arith.constant 128 : i32
    %add3A_41 = arith.addi %multiple_of3A, %mul3A_34 : i32
    "tpu.region"() ({
      %run_scoped3A = tpu.sem_alloc : memref<!tpu.dma_semaphore, #tpu.memory_space<semaphore_mem>>
      %dma_start3A = tpu.memref_slice %arg10[%mul3A_34] : memref<4096xf32, #tpu.memory_space<vmem>> -> memref<2048xf32, #tpu.memory_space<vmem>>
      %dma_start3A_49 = tpu.memref_slice %arg6[%add3A_41] : memref<131072xf32, #tpu.memory_space<hbm>> -> memref<2048xf32, #tpu.memory_space<hbm>>
      %dma_start3A_50 = tpu.memref_slice %arg6[%add3A_41] : memref<131072xf32, #tpu.memory_space<hbm>> -> memref<2048xf32, #tpu.memory_space<hbm>>
      %dma_start3A_51 = tpu.memref_slice %arg10[%mul3A_34] : memref<4096xf32, #tpu.memory_space<vmem>> -> memref<2048xf32, #tpu.memory_space<vmem>>
      tpu.enqueue_dma source(%dma_start3A_51 : memref<2048xf32, #tpu.memory_space<vmem>>) target(%dma_start3A_50 : memref<2048xf32, #tpu.memory_space<hbm>>) target_semaphore(%run_scoped3A : memref<!tpu.dma_semaphore, #tpu.memory_space<semaphore_mem>>)
      %dma_wait3A = tpu.memref_slice %arg10[%mul3A_34] : memref<4096xf32, #tpu.memory_space<vmem>> -> memref<2048xf32, #tpu.memory_space<vmem>>
      %dma_wait3A_52 = tpu.memref_slice %arg6[%add3A_41] : memref<131072xf32, #tpu.memory_space<hbm>> -> memref<2048xf32, #tpu.memory_space<hbm>>
      %dma_wait3A_53 = tpu.memref_slice %arg6[%add3A_41] : memref<131072xf32, #tpu.memory_space<hbm>> -> memref<2048xf32, #tpu.memory_space<hbm>>
      %dma_wait3A_54 = tpu.memref_slice %arg10[%mul3A_34] : memref<4096xf32, #tpu.memory_space<vmem>> -> memref<2048xf32, #tpu.memory_space<vmem>>
      tpu.wait_dma2 semaphore(%run_scoped3A : memref<!tpu.dma_semaphore, #tpu.memory_space<semaphore_mem>>) src(%dma_wait3A_54 : memref<2048xf32, #tpu.memory_space<vmem>>) dst(%dma_wait3A_53 : memref<2048xf32, #tpu.memory_space<hbm>>)
      tpu.yield
    }) : () -> ()
    %scan3A_42 = arith.constant 0 : i32
    %scan3A_43 = arith.constant 0 : i32
    %scan3A_44 = arith.constant 4 : i32
    %scan3A_45 = arith.addi %scan3A_43, %scan3A_44 : i32
    %scan3A_46 = arith.constant 1 : i32
    %scan3A_47 = scf.for %scan3A_49 = %scan3A_43 to %scan3A_45 step %scan3A_46 iter_args(%scan3A_50 = %scan3A_42) -> (i32)  : i32 {
      %mul3A_51 = arith.constant 4 : i32
      %mul3A_52 = arith.muli %select_n3A_30, %mul3A_51 : i32
      %add3A_53 = arith.addi %mul3A_52, %scan3A_49 : i32
      %mul3A_54 = arith.constant 512 : i32
      %mul3A_55 = arith.muli %add3A_53, %mul3A_54 : i32
      %multiple_of3A_56 = tpu.assume_multiple %mul3A_55, 512 : i32
      %add3A_57 = arith.constant 0 : i32
      %add3A_58 = arith.addi %multiple_of3A_56, %add3A_57 : i32
      %dma_start3A = arith.constant 0 : i32
      %dma_start3A_59 = arith.constant 0 : i32
      %dma_start3A_60 = tpu.memref_slice %arg11[%dma_start3A, %dma_start3A_59] : memref<512x64xf32, #tpu.memory_space<vmem>> -> memref<128x64xf32, #tpu.memory_space<vmem>>
      %dma_start3A_61 = tpu.memref_slice %arg8[%add3A_58] : memref<4096xi32, #tpu.memory_space<vmem>> -> memref<128xi32, #tpu.memory_space<vmem>>
      %dma_start3A_62 = arith.constant 0 : i32
      %dma_start3A_63 = arith.constant 0 : i32
      %dma_start3A_64 = tpu.memref_slice %arg2[%dma_start3A_62, %dma_start3A_63] : memref<131072x64xf32, #tpu.memory_space<hbm>> -> memref<131072x64xf32, #tpu.memory_space<hbm>>
      tpu.enqueue_indirect_dma source(%dma_start3A_64 : memref<131072x64xf32, #tpu.memory_space<hbm>>) target(%dma_start3A_60 : memref<128x64xf32, #tpu.memory_space<vmem>>) offsets(%dma_start3A_61 : memref<128xi32, #tpu.memory_space<vmem>>) semaphore(%arg12 : memref<!tpu.dma_semaphore, #tpu.memory_space<semaphore_mem>>)
      %add3A_65 = arith.constant 128 : i32
      %add3A_66 = arith.addi %multiple_of3A_56, %add3A_65 : i32
      %dma_start3A_67 = arith.constant 128 : i32
      %dma_start3A_68 = arith.constant 0 : i32
      %dma_start3A_69 = tpu.memref_slice %arg11[%dma_start3A_67, %dma_start3A_68] : memref<512x64xf32, #tpu.memory_space<vmem>> -> memref<128x64xf32, #tpu.memory_space<vmem>>
      %dma_start3A_70 = tpu.memref_slice %arg8[%add3A_66] : memref<4096xi32, #tpu.memory_space<vmem>> -> memref<128xi32, #tpu.memory_space<vmem>>
      %dma_start3A_71 = arith.constant 0 : i32
      %dma_start3A_72 = arith.constant 0 : i32
      %dma_start3A_73 = tpu.memref_slice %arg2[%dma_start3A_71, %dma_start3A_72] : memref<131072x64xf32, #tpu.memory_space<hbm>> -> memref<131072x64xf32, #tpu.memory_space<hbm>>
      tpu.enqueue_indirect_dma source(%dma_start3A_73 : memref<131072x64xf32, #tpu.memory_space<hbm>>) target(%dma_start3A_69 : memref<128x64xf32, #tpu.memory_space<vmem>>) offsets(%dma_start3A_70 : memref<128xi32, #tpu.memory_space<vmem>>) semaphore(%arg12 : memref<!tpu.dma_semaphore, #tpu.memory_space<semaphore_mem>>)
      %add3A_74 = arith.constant 256 : i32
      %add3A_75 = arith.addi %multiple_of3A_56, %add3A_74 : i32
      %dma_start3A_76 = arith.constant 256 : i32
      %dma_start3A_77 = arith.constant 0 : i32
      %dma_start3A_78 = tpu.memref_slice %arg11[%dma_start3A_76, %dma_start3A_77] : memref<512x64xf32, #tpu.memory_space<vmem>> -> memref<128x64xf32, #tpu.memory_space<vmem>>
      %dma_start3A_79 = tpu.memref_slice %arg8[%add3A_75] : memref<4096xi32, #tpu.memory_space<vmem>> -> memref<128xi32, #tpu.memory_space<vmem>>
      %dma_start3A_80 = arith.constant 0 : i32
      %dma_start3A_81 = arith.constant 0 : i32
      %dma_start3A_82 = tpu.memref_slice %arg2[%dma_start3A_80, %dma_start3A_81] : memref<131072x64xf32, #tpu.memory_space<hbm>> -> memref<131072x64xf32, #tpu.memory_space<hbm>>
      tpu.enqueue_indirect_dma source(%dma_start3A_82 : memref<131072x64xf32, #tpu.memory_space<hbm>>) target(%dma_start3A_78 : memref<128x64xf32, #tpu.memory_space<vmem>>) offsets(%dma_start3A_79 : memref<128xi32, #tpu.memory_space<vmem>>) semaphore(%arg12 : memref<!tpu.dma_semaphore, #tpu.memory_space<semaphore_mem>>)
      %add3A_83 = arith.constant 384 : i32
      %add3A_84 = arith.addi %multiple_of3A_56, %add3A_83 : i32
      %dma_start3A_85 = arith.constant 384 : i32
      %dma_start3A_86 = arith.constant 0 : i32
      %dma_start3A_87 = tpu.memref_slice %arg11[%dma_start3A_85, %dma_start3A_86] : memref<512x64xf32, #tpu.memory_space<vmem>> -> memref<128x64xf32, #tpu.memory_space<vmem>>
      %dma_start3A_88 = tpu.memref_slice %arg8[%add3A_84] : memref<4096xi32, #tpu.memory_space<vmem>> -> memref<128xi32, #tpu.memory_space<vmem>>
      %dma_start3A_89 = arith.constant 0 : i32
      %dma_start3A_90 = arith.constant 0 : i32
      %dma_start3A_91 = tpu.memref_slice %arg2[%dma_start3A_89, %dma_start3A_90] : memref<131072x64xf32, #tpu.memory_space<hbm>> -> memref<131072x64xf32, #tpu.memory_space<hbm>>
      tpu.enqueue_indirect_dma source(%dma_start3A_91 : memref<131072x64xf32, #tpu.memory_space<hbm>>) target(%dma_start3A_87 : memref<128x64xf32, #tpu.memory_space<vmem>>) offsets(%dma_start3A_88 : memref<128xi32, #tpu.memory_space<vmem>>) semaphore(%arg12 : memref<!tpu.dma_semaphore, #tpu.memory_space<semaphore_mem>>)
      %dma_wait3A = arith.constant 0 : i32
      %dma_wait3A_92 = arith.constant 0 : i32
      %dma_wait3A_93 = tpu.memref_slice %arg11[%dma_wait3A, %dma_wait3A_92] : memref<512x64xf32, #tpu.memory_space<vmem>> -> memref<128x64xf32, #tpu.memory_space<vmem>>
      %dma_wait3A_94 = tpu.memref_slice %arg8[%add3A_58] : memref<4096xi32, #tpu.memory_space<vmem>> -> memref<128xi32, #tpu.memory_space<vmem>>
      %dma_wait3A_95 = arith.constant 0 : i32
      %dma_wait3A_96 = arith.constant 0 : i32
      %dma_wait3A_97 = tpu.memref_slice %arg2[%dma_wait3A_95, %dma_wait3A_96] : memref<131072x64xf32, #tpu.memory_space<hbm>> -> memref<131072x64xf32, #tpu.memory_space<hbm>>
      tpu.wait_indirect_dma semaphore(%arg12 : memref<!tpu.dma_semaphore, #tpu.memory_space<semaphore_mem>>) src(%dma_wait3A_97 : memref<131072x64xf32, #tpu.memory_space<hbm>>) dst(%dma_wait3A_93 : memref<128x64xf32, #tpu.memory_space<vmem>>)
      %dma_wait3A_98 = arith.constant 128 : i32
      %dma_wait3A_99 = arith.constant 0 : i32
      %dma_wait3A_100 = tpu.memref_slice %arg11[%dma_wait3A_98, %dma_wait3A_99] : memref<512x64xf32, #tpu.memory_space<vmem>> -> memref<128x64xf32, #tpu.memory_space<vmem>>
      %dma_wait3A_101 = tpu.memref_slice %arg8[%add3A_66] : memref<4096xi32, #tpu.memory_space<vmem>> -> memref<128xi32, #tpu.memory_space<vmem>>
      %dma_wait3A_102 = arith.constant 0 : i32
      %dma_wait3A_103 = arith.constant 0 : i32
      %dma_wait3A_104 = tpu.memref_slice %arg2[%dma_wait3A_102, %dma_wait3A_103] : memref<131072x64xf32, #tpu.memory_space<hbm>> -> memref<131072x64xf32, #tpu.memory_space<hbm>>
      tpu.wait_indirect_dma semaphore(%arg12 : memref<!tpu.dma_semaphore, #tpu.memory_space<semaphore_mem>>) src(%dma_wait3A_104 : memref<131072x64xf32, #tpu.memory_space<hbm>>) dst(%dma_wait3A_100 : memref<128x64xf32, #tpu.memory_space<vmem>>)
      %dma_wait3A_105 = arith.constant 256 : i32
      %dma_wait3A_106 = arith.constant 0 : i32
      %dma_wait3A_107 = tpu.memref_slice %arg11[%dma_wait3A_105, %dma_wait3A_106] : memref<512x64xf32, #tpu.memory_space<vmem>> -> memref<128x64xf32, #tpu.memory_space<vmem>>
      %dma_wait3A_108 = tpu.memref_slice %arg8[%add3A_75] : memref<4096xi32, #tpu.memory_space<vmem>> -> memref<128xi32, #tpu.memory_space<vmem>>
      %dma_wait3A_109 = arith.constant 0 : i32
      %dma_wait3A_110 = arith.constant 0 : i32
      %dma_wait3A_111 = tpu.memref_slice %arg2[%dma_wait3A_109, %dma_wait3A_110] : memref<131072x64xf32, #tpu.memory_space<hbm>> -> memref<131072x64xf32, #tpu.memory_space<hbm>>
      tpu.wait_indirect_dma semaphore(%arg12 : memref<!tpu.dma_semaphore, #tpu.memory_space<semaphore_mem>>) src(%dma_wait3A_111 : memref<131072x64xf32, #tpu.memory_space<hbm>>) dst(%dma_wait3A_107 : memref<128x64xf32, #tpu.memory_space<vmem>>)
      %dma_wait3A_112 = arith.constant 384 : i32
      %dma_wait3A_113 = arith.constant 0 : i32
      %dma_wait3A_114 = tpu.memref_slice %arg11[%dma_wait3A_112, %dma_wait3A_113] : memref<512x64xf32, #tpu.memory_space<vmem>> -> memref<128x64xf32, #tpu.memory_space<vmem>>
      %dma_wait3A_115 = tpu.memref_slice %arg8[%add3A_84] : memref<4096xi32, #tpu.memory_space<vmem>> -> memref<128xi32, #tpu.memory_space<vmem>>
      %dma_wait3A_116 = arith.constant 0 : i32
      %dma_wait3A_117 = arith.constant 0 : i32
      %dma_wait3A_118 = tpu.memref_slice %arg2[%dma_wait3A_116, %dma_wait3A_117] : memref<131072x64xf32, #tpu.memory_space<hbm>> -> memref<131072x64xf32, #tpu.memory_space<hbm>>
      tpu.wait_indirect_dma semaphore(%arg12 : memref<!tpu.dma_semaphore, #tpu.memory_space<semaphore_mem>>) src(%dma_wait3A_118 : memref<131072x64xf32, #tpu.memory_space<hbm>>) dst(%dma_wait3A_114 : memref<128x64xf32, #tpu.memory_space<vmem>>)
      %add3A_119 = arith.addi %multiple_of3A, %multiple_of3A_56 : i32
      "tpu.region"() ({
        %run_scoped3A = tpu.sem_alloc : memref<!tpu.dma_semaphore, #tpu.memory_space<semaphore_mem>>
        %dma_start3A_121 = arith.constant 0 : i32
        %dma_start3A_122 = tpu.memref_slice %arg5[%add3A_119, %dma_start3A_121] : memref<131072x64xf32, #tpu.memory_space<hbm>> -> memref<512x64xf32, #tpu.memory_space<hbm>>
        %dma_start3A_123 = arith.constant 0 : i32
        %dma_start3A_124 = tpu.memref_slice %arg5[%add3A_119, %dma_start3A_123] : memref<131072x64xf32, #tpu.memory_space<hbm>> -> memref<512x64xf32, #tpu.memory_space<hbm>>
        tpu.enqueue_dma source(%arg11 : memref<512x64xf32, #tpu.memory_space<vmem>>) target(%dma_start3A_124 : memref<512x64xf32, #tpu.memory_space<hbm>>) target_semaphore(%run_scoped3A : memref<!tpu.dma_semaphore, #tpu.memory_space<semaphore_mem>>)
        %dma_wait3A_125 = arith.constant 0 : i32
        %dma_wait3A_126 = tpu.memref_slice %arg5[%add3A_119, %dma_wait3A_125] : memref<131072x64xf32, #tpu.memory_space<hbm>> -> memref<512x64xf32, #tpu.memory_space<hbm>>
        %dma_wait3A_127 = arith.constant 0 : i32
        %dma_wait3A_128 = tpu.memref_slice %arg5[%add3A_119, %dma_wait3A_127] : memref<131072x64xf32, #tpu.memory_space<hbm>> -> memref<512x64xf32, #tpu.memory_space<hbm>>
        tpu.wait_dma2 semaphore(%run_scoped3A : memref<!tpu.dma_semaphore, #tpu.memory_space<semaphore_mem>>) src(%arg11 : memref<512x64xf32, #tpu.memory_space<vmem>>) dst(%dma_wait3A_128 : memref<512x64xf32, #tpu.memory_space<hbm>>)
        tpu.yield
      }) : () -> ()
      %scan3A_120 = arith.constant 0 : i32
      scf.yield %scan3A_120 : i32
    }
    %scan3A_48 = arith.constant 4 : i32
    return
  }
}

module attributes {stable_mosaic.version = 14 : i64} {
  func.func @_hash_sort_body(%arg0: i32, %arg1: i32, %arg2: memref<1x4096x64xf32, #tpu.memory_space<vmem>>, %arg3: memref<1x64x32xf32, #tpu.memory_space<vmem>>, %arg4: memref<1x32x128xi32, #tpu.memory_space<vmem>>, %arg5: memref<1x1x64xi32, #tpu.memory_space<vmem>>, %arg6: memref<1x1x64xi32, #tpu.memory_space<vmem>>) attributes {dimension_semantics = [#tpu.dimension_semantics<arbitrary>, #tpu.dimension_semantics<arbitrary>], iteration_bounds = array<i64: 4, 8>, scalar_prefetch = 0 : i64, scratch_operands = 0 : i64, tpu.core_type = #tpu.core_type<tc>, window_params = [{transform_indices = @transform_0, window_bounds = array<i64: 1, 4096, 64>}, {transform_indices = @transform_1, window_bounds = array<i64: 1, 64, 32>}, {transform_indices = @transform_2, window_bounds = array<i64: 1, 32, 128>}, {transform_indices = @transform_3, window_bounds = array<i64: 1, 1, 64>}, {transform_indices = @transform_4, window_bounds = array<i64: 1, 1, 64>}]} {
    %get3A = arith.constant 0 : index
    %get3A_0 = arith.constant 0 : index
    %get3A_1 = arith.constant 0 : index
    %get3A_2 = vector.load %arg2[%get3A, %get3A_0, %get3A_1] : memref<1x4096x64xf32, #tpu.memory_space<vmem>>, vector<1x4096x64xf32>
    %get3A_3 = vector.shape_cast %get3A_2 : vector<1x4096x64xf32> to vector<4096x64xf32>
    %get3A_4 = arith.constant 0 : index
    %get3A_5 = arith.constant 0 : index
    %get3A_6 = arith.constant 0 : index
    %get3A_7 = vector.load %arg3[%get3A_4, %get3A_5, %get3A_6] : memref<1x64x32xf32, #tpu.memory_space<vmem>>, vector<1x64x32xf32>
    %get3A_8 = vector.shape_cast %get3A_7 : vector<1x64x32xf32> to vector<64x32xf32>
    %dot_general3A = arith.constant dense<0.000000e+00> : vector<4096x32xf32>
    %dot_general3A_9 = tpu.matmul %get3A_3, %get3A_8, %dot_general3A {dimension_numbers = #tpu.dot_dimension_numbers<[1], [0], [0], [1], [0, 0, 1, 1], [], []>, transpose_lhs_hint = false} : vector<4096x64xf32>, vector<64x32xf32>, vector<4096x32xf32> -> vector<4096x32xf32>
    %neg3A = arith.constant 0.000000e+00 : f32
    %neg3A_10 = vector.broadcast %neg3A : f32 to vector<4096x32xf32>
    %neg3A_11 = arith.subf %neg3A_10, %dot_general3A_9 : vector<4096x32xf32>
    %concatenate3A = tpu.concatenate %dot_general3A_9, %neg3A_11 in 1 : vector<4096x32xf32>, vector<4096x32xf32> -> vector<4096x64xf32>
    %reduce_max3A = arith.constant dense<0xFF800000> : vector<4096xf32>
    %reduce_max3A_12 = vector.multi_reduction <maximumf>, %concatenate3A, %reduce_max3A [1] : vector<4096x64xf32> to vector<4096xf32>
    %broadcast_in_dim3A = vector.shape_cast %reduce_max3A_12 : vector<4096xf32> to vector<4096x1xf32>
    %iota3A = tpu.iota {dimensions = array<i32: 1>} : vector<4096x64xi32>
    %eq3A = vector.broadcast %broadcast_in_dim3A : vector<4096x1xf32> to vector<4096x64xf32>
    %eq3A_13 = arith.cmpf oeq, %concatenate3A, %eq3A : vector<4096x64xf32>
    %jit3A = arith.constant 64 : i32
    %broadcast_in_dim3A_14 = vector.broadcast %jit3A : i32 to vector<4096x64xi32>
    %select_n3A = arith.select %eq3A_13, %iota3A, %broadcast_in_dim3A_14 : vector<4096x64xi1>, vector<4096x64xi32>
    %reduce_min3A = arith.constant dense<2147483647> : vector<4096xi32>
    %reduce_min3A_15 = vector.multi_reduction <minsi>, %select_n3A, %reduce_min3A [1] : vector<4096x64xi32> to vector<4096xi32>
    %broadcast_in_dim3A_16 = vector.shape_cast %reduce_min3A_15 : vector<4096xi32> to vector<4096x1xi32>
    %iota3A_17 = tpu.iota {dimensions = array<i32: 1>} : vector<4096x64xi32>
    %eq3A_18 = vector.broadcast %broadcast_in_dim3A_16 : vector<4096x1xi32> to vector<4096x64xi32>
    %eq3A_19 = arith.cmpi eq, %eq3A_18, %iota3A_17 : vector<4096x64xi32>
    %convert_element_type3A = arith.extui %eq3A_19 : vector<4096x64xi1> to vector<4096x64xi32>
    %convert_element_type3A_20 = arith.sitofp %convert_element_type3A : vector<4096x64xi32> to vector<4096x64xf32>
    %broadcast_in_dim3A_21 = arith.constant 0.000000e+00 : f32
    %broadcast_in_dim3A_22 = vector.broadcast %broadcast_in_dim3A_21 : f32 to vector<1x64xf32>
    %slice3A = vector.extract_strided_slice %convert_element_type3A_20 {offsets = [0, 0], sizes = [4095, 64], strides = [1, 1]} : vector<4096x64xf32> to vector<4095x64xf32>
    %concatenate3A_23 = tpu.concatenate %broadcast_in_dim3A_22, %slice3A in 0 : vector<1x64xf32>, vector<4095x64xf32> -> vector<4096x64xf32>
    %add3A = arith.addf %convert_element_type3A_20, %concatenate3A_23 : vector<4096x64xf32>
    %broadcast_in_dim3A_24 = arith.constant 0.000000e+00 : f32
    %broadcast_in_dim3A_25 = vector.broadcast %broadcast_in_dim3A_24 : f32 to vector<2x64xf32>
    %slice3A_26 = vector.extract_strided_slice %add3A {offsets = [0, 0], sizes = [4094, 64], strides = [1, 1]} : vector<4096x64xf32> to vector<4094x64xf32>
    %concatenate3A_27 = tpu.concatenate %broadcast_in_dim3A_25, %slice3A_26 in 0 : vector<2x64xf32>, vector<4094x64xf32> -> vector<4096x64xf32>
    %add3A_28 = arith.addf %add3A, %concatenate3A_27 : vector<4096x64xf32>
    %broadcast_in_dim3A_29 = arith.constant 0.000000e+00 : f32
    %broadcast_in_dim3A_30 = vector.broadcast %broadcast_in_dim3A_29 : f32 to vector<4x64xf32>
    %slice3A_31 = vector.extract_strided_slice %add3A_28 {offsets = [0, 0], sizes = [4092, 64], strides = [1, 1]} : vector<4096x64xf32> to vector<4092x64xf32>
    %concatenate3A_32 = tpu.concatenate %broadcast_in_dim3A_30, %slice3A_31 in 0 : vector<4x64xf32>, vector<4092x64xf32> -> vector<4096x64xf32>
    %add3A_33 = arith.addf %add3A_28, %concatenate3A_32 : vector<4096x64xf32>
    %broadcast_in_dim3A_34 = arith.constant 0.000000e+00 : f32
    %broadcast_in_dim3A_35 = vector.broadcast %broadcast_in_dim3A_34 : f32 to vector<8x64xf32>
    %slice3A_36 = vector.extract_strided_slice %add3A_33 {offsets = [0, 0], sizes = [4088, 64], strides = [1, 1]} : vector<4096x64xf32> to vector<4088x64xf32>
    %concatenate3A_37 = tpu.concatenate %broadcast_in_dim3A_35, %slice3A_36 in 0 : vector<8x64xf32>, vector<4088x64xf32> -> vector<4096x64xf32>
    %add3A_38 = arith.addf %add3A_33, %concatenate3A_37 : vector<4096x64xf32>
    %broadcast_in_dim3A_39 = arith.constant 0.000000e+00 : f32
    %broadcast_in_dim3A_40 = vector.broadcast %broadcast_in_dim3A_39 : f32 to vector<16x64xf32>
    %slice3A_41 = vector.extract_strided_slice %add3A_38 {offsets = [0, 0], sizes = [4080, 64], strides = [1, 1]} : vector<4096x64xf32> to vector<4080x64xf32>
    %concatenate3A_42 = tpu.concatenate %broadcast_in_dim3A_40, %slice3A_41 in 0 : vector<16x64xf32>, vector<4080x64xf32> -> vector<4096x64xf32>
    %add3A_43 = arith.addf %add3A_38, %concatenate3A_42 : vector<4096x64xf32>
    %broadcast_in_dim3A_44 = arith.constant 0.000000e+00 : f32
    %broadcast_in_dim3A_45 = vector.broadcast %broadcast_in_dim3A_44 : f32 to vector<32x64xf32>
    %slice3A_46 = vector.extract_strided_slice %add3A_43 {offsets = [0, 0], sizes = [4064, 64], strides = [1, 1]} : vector<4096x64xf32> to vector<4064x64xf32>
    %concatenate3A_47 = tpu.concatenate %broadcast_in_dim3A_45, %slice3A_46 in 0 : vector<32x64xf32>, vector<4064x64xf32> -> vector<4096x64xf32>
    %add3A_48 = arith.addf %add3A_43, %concatenate3A_47 : vector<4096x64xf32>
    %broadcast_in_dim3A_49 = arith.constant 0.000000e+00 : f32
    %broadcast_in_dim3A_50 = vector.broadcast %broadcast_in_dim3A_49 : f32 to vector<64x64xf32>
    %slice3A_51 = vector.extract_strided_slice %add3A_48 {offsets = [0, 0], sizes = [4032, 64], strides = [1, 1]} : vector<4096x64xf32> to vector<4032x64xf32>
    %concatenate3A_52 = tpu.concatenate %broadcast_in_dim3A_50, %slice3A_51 in 0 : vector<64x64xf32>, vector<4032x64xf32> -> vector<4096x64xf32>
    %add3A_53 = arith.addf %add3A_48, %concatenate3A_52 : vector<4096x64xf32>
    %broadcast_in_dim3A_54 = arith.constant 0.000000e+00 : f32
    %broadcast_in_dim3A_55 = vector.broadcast %broadcast_in_dim3A_54 : f32 to vector<128x64xf32>
    %slice3A_56 = vector.extract_strided_slice %add3A_53 {offsets = [0, 0], sizes = [3968, 64], strides = [1, 1]} : vector<4096x64xf32> to vector<3968x64xf32>
    %concatenate3A_57 = tpu.concatenate %broadcast_in_dim3A_55, %slice3A_56 in 0 : vector<128x64xf32>, vector<3968x64xf32> -> vector<4096x64xf32>
    %add3A_58 = arith.addf %add3A_53, %concatenate3A_57 : vector<4096x64xf32>
    %broadcast_in_dim3A_59 = arith.constant 0.000000e+00 : f32
    %broadcast_in_dim3A_60 = vector.broadcast %broadcast_in_dim3A_59 : f32 to vector<256x64xf32>
    %slice3A_61 = vector.extract_strided_slice %add3A_58 {offsets = [0, 0], sizes = [3840, 64], strides = [1, 1]} : vector<4096x64xf32> to vector<3840x64xf32>
    %concatenate3A_62 = tpu.concatenate %broadcast_in_dim3A_60, %slice3A_61 in 0 : vector<256x64xf32>, vector<3840x64xf32> -> vector<4096x64xf32>
    %add3A_63 = arith.addf %add3A_58, %concatenate3A_62 : vector<4096x64xf32>
    %broadcast_in_dim3A_64 = arith.constant 0.000000e+00 : f32
    %broadcast_in_dim3A_65 = vector.broadcast %broadcast_in_dim3A_64 : f32 to vector<512x64xf32>
    %slice3A_66 = vector.extract_strided_slice %add3A_63 {offsets = [0, 0], sizes = [3584, 64], strides = [1, 1]} : vector<4096x64xf32> to vector<3584x64xf32>
    %concatenate3A_67 = tpu.concatenate %broadcast_in_dim3A_65, %slice3A_66 in 0 : vector<512x64xf32>, vector<3584x64xf32> -> vector<4096x64xf32>
    %add3A_68 = arith.addf %add3A_63, %concatenate3A_67 : vector<4096x64xf32>
    %broadcast_in_dim3A_69 = arith.constant 0.000000e+00 : f32
    %broadcast_in_dim3A_70 = vector.broadcast %broadcast_in_dim3A_69 : f32 to vector<1024x64xf32>
    %slice3A_71 = vector.extract_strided_slice %add3A_68 {offsets = [0, 0], sizes = [3072, 64], strides = [1, 1]} : vector<4096x64xf32> to vector<3072x64xf32>
    %concatenate3A_72 = tpu.concatenate %broadcast_in_dim3A_70, %slice3A_71 in 0 : vector<1024x64xf32>, vector<3072x64xf32> -> vector<4096x64xf32>
    %add3A_73 = arith.addf %add3A_68, %concatenate3A_72 : vector<4096x64xf32>
    %broadcast_in_dim3A_74 = arith.constant 0.000000e+00 : f32
    %broadcast_in_dim3A_75 = vector.broadcast %broadcast_in_dim3A_74 : f32 to vector<2048x64xf32>
    %slice3A_76 = vector.extract_strided_slice %add3A_73 {offsets = [0, 0], sizes = [2048, 64], strides = [1, 1]} : vector<4096x64xf32> to vector<2048x64xf32>
    %concatenate3A_77 = tpu.concatenate %broadcast_in_dim3A_75, %slice3A_76 in 0 : vector<2048x64xf32>, vector<2048x64xf32> -> vector<4096x64xf32>
    %add3A_78 = arith.addf %add3A_73, %concatenate3A_77 : vector<4096x64xf32>
    %reduce_sum3A = arith.constant dense<0.000000e+00> : vector<64xf32>
    %reduce_sum3A_79 = vector.multi_reduction <add>, %convert_element_type3A_20, %reduce_sum3A [0] : vector<4096x64xf32> to vector<64xf32>
    %broadcast_in_dim3A_80 = vector.shape_cast %reduce_sum3A_79 : vector<64xf32> to vector<1x64xf32>
    %convert_element_type3A_81 = arith.fptosi %broadcast_in_dim3A_80 : vector<1x64xf32> to vector<1x64xi32>
    %shift_right_arithmetic3A = arith.constant 8 : i32
    %shift_right_arithmetic3A_82 = vector.broadcast %shift_right_arithmetic3A : i32 to vector<1x64xi32>
    %shift_right_arithmetic3A_83 = arith.shrsi %convert_element_type3A_81, %shift_right_arithmetic3A_82 : vector<1x64xi32>
    %convert_element_type3A_84 = arith.sitofp %shift_right_arithmetic3A_83 : vector<1x64xi32> to vector<1x64xf32>
    %and3A = arith.constant 255 : i32
    %and3A_85 = vector.broadcast %and3A : i32 to vector<1x64xi32>
    %and3A_86 = arith.andi %convert_element_type3A_81, %and3A_85 : vector<1x64xi32>
    %convert_element_type3A_87 = arith.sitofp %and3A_86 : vector<1x64xi32> to vector<1x64xf32>
    %iota3A_88 = tpu.iota {dimensions = array<i32: 0>} : vector<64x64xi32>
    %iota3A_89 = tpu.iota {dimensions = array<i32: 1>} : vector<64x64xi32>
    %lt3A = arith.cmpi slt, %iota3A_88, %iota3A_89 : vector<64x64xi32>
    %convert_element_type3A_90 = arith.extui %lt3A : vector<64x64xi1> to vector<64x64xi32>
    %convert_element_type3A_91 = arith.sitofp %convert_element_type3A_90 : vector<64x64xi32> to vector<64x64xf32>
    %dot_general3A_92 = arith.constant dense<0.000000e+00> : vector<1x64xf32>
    %dot_general3A_93 = tpu.matmul %convert_element_type3A_84, %convert_element_type3A_91, %dot_general3A_92 {dimension_numbers = #tpu.dot_dimension_numbers<[1], [0], [0], [1], [0, 0, 1, 1], [], []>, transpose_lhs_hint = false} : vector<1x64xf32>, vector<64x64xf32>, vector<1x64xf32> -> vector<1x64xf32>
    %mul3A = arith.constant 2.560000e+02 : f32
    %mul3A_94 = vector.broadcast %mul3A : f32 to vector<1x64xf32>
    %mul3A_95 = arith.mulf %dot_general3A_93, %mul3A_94 : vector<1x64xf32>
    %dot_general3A_96 = arith.constant dense<0.000000e+00> : vector<1x64xf32>
    %dot_general3A_97 = tpu.matmul %convert_element_type3A_87, %convert_element_type3A_91, %dot_general3A_96 {dimension_numbers = #tpu.dot_dimension_numbers<[1], [0], [0], [1], [0, 0, 1, 1], [], []>, transpose_lhs_hint = false} : vector<1x64xf32>, vector<64x64xf32>, vector<1x64xf32> -> vector<1x64xf32>
    %add3A_98 = arith.addf %mul3A_95, %dot_general3A_97 : vector<1x64xf32>
    %sub3A = arith.constant 1.000000e+00 : f32
    %sub3A_99 = vector.broadcast %sub3A : f32 to vector<4096x64xf32>
    %sub3A_100 = arith.subf %add3A_78, %sub3A_99 : vector<4096x64xf32>
    %add3A_101 = vector.broadcast %add3A_98 : vector<1x64xf32> to vector<4096x64xf32>
    %add3A_102 = arith.addf %sub3A_100, %add3A_101 : vector<4096x64xf32>
    %mul3A_103 = arith.mulf %convert_element_type3A_20, %add3A_102 : vector<4096x64xf32>
    %reduce_sum3A_104 = arith.constant dense<0.000000e+00> : vector<4096xf32>
    %reduce_sum3A_105 = vector.multi_reduction <add>, %mul3A_103, %reduce_sum3A_104 [1] : vector<4096x64xf32> to vector<4096xf32>
    %broadcast_in_dim3A_106 = vector.shape_cast %reduce_sum3A_105 : vector<4096xf32> to vector<4096x1xf32>
    %convert_element_type3A_107 = arith.fptosi %broadcast_in_dim3A_106 : vector<4096x1xf32> to vector<4096x1xi32>
    %reshape3A = vector.shape_cast %convert_element_type3A_107 : vector<4096x1xi32> to vector<32x128xi32>
    %swap3A = arith.constant 0 : index
    %swap3A_108 = arith.constant 0 : index
    %swap3A_109 = arith.constant 0 : index
    %swap3A_110 = vector.load %arg4[%swap3A, %swap3A_108, %swap3A_109] : memref<1x32x128xi32, #tpu.memory_space<vmem>>, vector<1x32x128xi32>
    %swap3A_111 = vector.shape_cast %swap3A_110 : vector<1x32x128xi32> to vector<32x128xi32>
    %swap3A_112 = vector.shape_cast %reshape3A : vector<32x128xi32> to vector<1x32x128xi32>
    tpu.vector_store %arg4[%swap3A, %swap3A_108, %swap3A_109], %swap3A_112 {strides = array<i32>} : memref<1x32x128xi32, #tpu.memory_space<vmem>>, vector<1x32x128xi32>,
    %convert_element_type3A_113 = arith.fptosi %add3A_98 : vector<1x64xf32> to vector<1x64xi32>
    %swap3A_114 = arith.constant 0 : index
    %swap3A_115 = arith.constant 0 : index
    %swap3A_116 = arith.constant 0 : index
    %swap3A_117 = vector.load %arg5[%swap3A_114, %swap3A_115, %swap3A_116] : memref<1x1x64xi32, #tpu.memory_space<vmem>>, vector<1x1x64xi32>
    %swap3A_118 = vector.shape_cast %swap3A_117 : vector<1x1x64xi32> to vector<1x64xi32>
    %swap3A_119 = vector.shape_cast %convert_element_type3A_113 : vector<1x64xi32> to vector<1x1x64xi32>
    tpu.vector_store %arg5[%swap3A_114, %swap3A_115, %swap3A_116], %swap3A_119 {strides = array<i32>} : memref<1x1x64xi32, #tpu.memory_space<vmem>>, vector<1x1x64xi32>,
    %swap3A_120 = arith.constant 0 : index
    %swap3A_121 = arith.constant 0 : index
    %swap3A_122 = arith.constant 0 : index
    %swap3A_123 = vector.load %arg6[%swap3A_120, %swap3A_121, %swap3A_122] : memref<1x1x64xi32, #tpu.memory_space<vmem>>, vector<1x1x64xi32>
    %swap3A_124 = vector.shape_cast %swap3A_123 : vector<1x1x64xi32> to vector<1x64xi32>
    %swap3A_125 = vector.shape_cast %convert_element_type3A_81 : vector<1x64xi32> to vector<1x1x64xi32>
    tpu.vector_store %arg6[%swap3A_120, %swap3A_121, %swap3A_122], %swap3A_125 {strides = array<i32>} : memref<1x1x64xi32, #tpu.memory_space<vmem>>, vector<1x1x64xi32>,
    return
  }
  func.func @transform_0(%arg0: i32, %arg1: i32) -> (i32, i32, i32) {
    %c0_i32 = arith.constant 0 : i32
    %c0_i32_0 = arith.constant 0 : i32
    %c0_i32_1 = arith.constant 0 : i32
    return %arg0, %c0_i32, %c0_i32_0 : i32, i32, i32
  }
  func.func @transform_1(%arg0: i32, %arg1: i32) -> (i32, i32, i32) {
    %c0_i32 = arith.constant 0 : i32
    %c0_i32_0 = arith.constant 0 : i32
    %c0_i32_1 = arith.constant 0 : i32
    return %arg1, %c0_i32, %c0_i32_0 : i32, i32, i32
  }
  func.func @transform_2(%arg0: i32, %arg1: i32) -> (i32, i32, i32) {
    %mul3A = arith.constant 8 : i32
    %mul3A_0 = arith.muli %arg0, %mul3A : i32
    %add3A = arith.addi %mul3A_0, %arg1 : i32
    %c0_i32 = arith.constant 0 : i32
    %c0_i32_1 = arith.constant 0 : i32
    %c0_i32_2 = arith.constant 0 : i32
    return %add3A, %c0_i32, %c0_i32_1 : i32, i32, i32
  }
  func.func @transform_3(%arg0: i32, %arg1: i32) -> (i32, i32, i32) {
    %mul3A = arith.constant 8 : i32
    %mul3A_0 = arith.muli %arg0, %mul3A : i32
    %add3A = arith.addi %mul3A_0, %arg1 : i32
    %c0_i32 = arith.constant 0 : i32
    %c0_i32_1 = arith.constant 0 : i32
    %c0_i32_2 = arith.constant 0 : i32
    return %add3A, %c0_i32, %c0_i32_1 : i32, i32, i32
  }
  func.func @transform_4(%arg0: i32, %arg1: i32) -> (i32, i32, i32) {
    %mul3A = arith.constant 8 : i32
    %mul3A_0 = arith.muli %arg0, %mul3A : i32
    %add3A = arith.addi %mul3A_0, %arg1 : i32
    %c0_i32 = arith.constant 0 : i32
    %c0_i32_1 = arith.constant 0 : i32
    %c0_i32_2 = arith.constant 0 : i32
    return %add3A, %c0_i32, %c0_i32_1 : i32, i32, i32
  }
}

module attributes {stable_mosaic.version = 14 : i64} {
  func.func @_attend_body(%arg0: i32, %arg1: memref<1x4096x64xf32, #tpu.memory_space<vmem>>, %arg2: memref<1x4096x64xf32, #tpu.memory_space<vmem>>, %arg3: memref<1x1x64xi32, #tpu.memory_space<vmem>>, %arg4: memref<1x1x64xi32, #tpu.memory_space<vmem>>, %arg5: memref<1x4096x64xf32, #tpu.memory_space<vmem>>, %arg6: memref<1x32x128xf32, #tpu.memory_space<vmem>>) attributes {dimension_semantics = [#tpu.dimension_semantics<arbitrary>], iteration_bounds = array<i64: 32>, scalar_prefetch = 0 : i64, scratch_operands = 0 : i64, tpu.core_type = #tpu.core_type<tc>, window_params = [{transform_indices = @transform_0, window_bounds = array<i64: 1, 4096, 64>}, {transform_indices = @transform_1, window_bounds = array<i64: 1, 4096, 64>}, {transform_indices = @transform_2, window_bounds = array<i64: 1, 1, 64>}, {transform_indices = @transform_3, window_bounds = array<i64: 1, 1, 64>}, {transform_indices = @transform_4, window_bounds = array<i64: 1, 4096, 64>}, {transform_indices = @transform_5, window_bounds = array<i64: 1, 32, 128>}]} {
    %get3A = arith.constant 0 : index
    %get3A_0 = arith.constant 0 : index
    %get3A_1 = arith.constant 0 : index
    %get3A_2 = vector.load %arg1[%get3A, %get3A_0, %get3A_1] : memref<1x4096x64xf32, #tpu.memory_space<vmem>>, vector<1x4096x64xf32>
    %get3A_3 = vector.shape_cast %get3A_2 : vector<1x4096x64xf32> to vector<4096x64xf32>
    %get3A_4 = arith.constant 0 : index
    %get3A_5 = arith.constant 0 : index
    %get3A_6 = arith.constant 0 : index
    %get3A_7 = vector.load %arg2[%get3A_4, %get3A_5, %get3A_6] : memref<1x4096x64xf32, #tpu.memory_space<vmem>>, vector<1x4096x64xf32>
    %get3A_8 = vector.shape_cast %get3A_7 : vector<1x4096x64xf32> to vector<4096x64xf32>
    %get3A_9 = arith.constant 0 : index
    %get3A_10 = arith.constant 0 : index
    %get3A_11 = arith.constant 0 : index
    %get3A_12 = vector.load %arg3[%get3A_9, %get3A_10, %get3A_11] : memref<1x1x64xi32, #tpu.memory_space<vmem>>, vector<1x1x64xi32>
    %get3A_13 = vector.shape_cast %get3A_12 : vector<1x1x64xi32> to vector<1x64xi32>
    %get3A_14 = arith.constant 0 : index
    %get3A_15 = arith.constant 0 : index
    %get3A_16 = arith.constant 0 : index
    %get3A_17 = vector.load %arg4[%get3A_14, %get3A_15, %get3A_16] : memref<1x1x64xi32, #tpu.memory_space<vmem>>, vector<1x1x64xi32>
    %get3A_18 = vector.shape_cast %get3A_17 : vector<1x1x64xi32> to vector<1x64xi32>
    %mul3A = arith.mulf %get3A_3, %get3A_3 : vector<4096x64xf32>
    %reduce_sum3A = arith.constant dense<0.000000e+00> : vector<4096xf32>
    %reduce_sum3A_19 = vector.multi_reduction <add>, %mul3A, %reduce_sum3A [1] : vector<4096x64xf32> to vector<4096xf32>
    %broadcast_in_dim3A = vector.shape_cast %reduce_sum3A_19 : vector<4096xf32> to vector<4096x1xf32>
    %sqrt3A = math.sqrt %broadcast_in_dim3A : vector<4096x1xf32>
    %max3A = arith.constant 9.99999996E-13 : f32
    %max3A_20 = vector.broadcast %max3A : f32 to vector<4096x1xf32>
    %max3A_21 = arith.maximumf %sqrt3A, %max3A_20 : vector<4096x1xf32>
    %div3A = vector.broadcast %max3A_21 : vector<4096x1xf32> to vector<4096x64xf32>
    %div3A_22 = arith.divf %get3A_3, %div3A : vector<4096x64xf32>
    %reshape3A = vector.shape_cast %get3A_3 : vector<4096x64xf32> to vector<64x64x64xf32>
    %reshape3A_23 = vector.shape_cast %div3A_22 : vector<4096x64xf32> to vector<64x64x64xf32>
    %slice3A = vector.extract_strided_slice %reshape3A_23 {offsets = [63, 0, 0], sizes = [1, 64, 64], strides = [1, 1, 1]} : vector<64x64x64xf32> to vector<1x64x64xf32>
    %slice3A_24 = vector.extract_strided_slice %reshape3A_23 {offsets = [0, 0, 0], sizes = [63, 64, 64], strides = [1, 1, 1]} : vector<64x64x64xf32> to vector<63x64x64xf32>
    %concatenate3A = tpu.concatenate %slice3A, %slice3A_24 in 0 : vector<1x64x64xf32>, vector<63x64x64xf32> -> vector<64x64x64xf32>
    %concatenate3A_25 = tpu.concatenate %reshape3A_23, %concatenate3A in 1 : vector<64x64x64xf32>, vector<64x64x64xf32> -> vector<64x128x64xf32>
    %reshape3A_26 = vector.shape_cast %get3A_8 : vector<4096x64xf32> to vector<64x64x64xf32>
    %slice3A_27 = vector.extract_strided_slice %reshape3A_26 {offsets = [63, 0, 0], sizes = [1, 64, 64], strides = [1, 1, 1]} : vector<64x64x64xf32> to vector<1x64x64xf32>
    %slice3A_28 = vector.extract_strided_slice %reshape3A_26 {offsets = [0, 0, 0], sizes = [63, 64, 64], strides = [1, 1, 1]} : vector<64x64x64xf32> to vector<63x64x64xf32>
    %concatenate3A_29 = tpu.concatenate %slice3A_27, %slice3A_28 in 0 : vector<1x64x64xf32>, vector<63x64x64xf32> -> vector<64x64x64xf32>
    %concatenate3A_30 = tpu.concatenate %reshape3A_26, %concatenate3A_29 in 1 : vector<64x64x64xf32>, vector<64x64x64xf32> -> vector<64x128x64xf32>
    %iota3A = tpu.iota {dimensions = array<i32: 0>} : vector<4096x64xi32>
    %ge3A = vector.broadcast %get3A_13 : vector<1x64xi32> to vector<4096x64xi32>
    %ge3A_31 = arith.cmpi sge, %iota3A, %ge3A : vector<4096x64xi32>
    %add3A = arith.addi %get3A_13, %get3A_18 : vector<1x64xi32>
    %lt3A = vector.broadcast %add3A : vector<1x64xi32> to vector<4096x64xi32>
    %lt3A_32 = arith.cmpi slt, %iota3A, %lt3A : vector<4096x64xi32>
    %and3A = arith.andi %ge3A_31, %lt3A_32 : vector<4096x64xi1>
    %convert_element_type3A = arith.extui %and3A : vector<4096x64xi1> to vector<4096x64xi32>
    %convert_element_type3A_33 = arith.sitofp %convert_element_type3A : vector<4096x64xi32> to vector<4096x64xf32>
    %reshape3A_34 = vector.shape_cast %convert_element_type3A_33 : vector<4096x64xf32> to vector<64x64x64xf32>
    %broadcast_in_dim3A_35 = arith.constant 0.000000e+00 : f32
    %broadcast_in_dim3A_36 = vector.broadcast %broadcast_in_dim3A_35 : f32 to vector<1x64x64xf32>
    %slice3A_37 = vector.extract_strided_slice %reshape3A_34 {offsets = [0, 0, 0], sizes = [63, 64, 64], strides = [1, 1, 1]} : vector<64x64x64xf32> to vector<63x64x64xf32>
    %concatenate3A_38 = tpu.concatenate %broadcast_in_dim3A_36, %slice3A_37 in 0 : vector<1x64x64xf32>, vector<63x64x64xf32> -> vector<64x64x64xf32>
    %concatenate3A_39 = tpu.concatenate %reshape3A_34, %concatenate3A_38 in 1 : vector<64x64x64xf32>, vector<64x64x64xf32> -> vector<64x128x64xf32>
    %dot_general3A = arith.constant dense<0.000000e+00> : vector<64x64x128xf32>
    %dot_general3A_40 = tpu.matmul %reshape3A_34, %concatenate3A_39, %dot_general3A {dimension_numbers = #tpu.dot_dimension_numbers<[2], [2], [1], [1], [0, 0, 0, 1, 1, 1], [0], [0]>, transpose_lhs_hint = false} : vector<64x64x64xf32>, vector<64x128x64xf32>, vector<64x64x128xf32> -> vector<64x64x128xf32>
    %dot_general3A_41 = arith.constant dense<0.000000e+00> : vector<64x64x128xf32>
    %dot_general3A_42 = tpu.matmul %reshape3A, %concatenate3A_25, %dot_general3A_41 {dimension_numbers = #tpu.dot_dimension_numbers<[2], [2], [1], [1], [0, 0, 0, 1, 1, 1], [0], [0]>, transpose_lhs_hint = false} : vector<64x64x64xf32>, vector<64x128x64xf32>, vector<64x64x128xf32> -> vector<64x64x128xf32>
    %mul3A_43 = arith.constant 1.250000e-01 : f32
    %mul3A_44 = vector.broadcast %mul3A_43 : f32 to vector<64x64x128xf32>
    %mul3A_45 = arith.mulf %dot_general3A_42, %mul3A_44 : vector<64x64x128xf32>
    %iota3A_46 = tpu.iota {dimensions = array<i32: 1>} : vector<64x64x128xi32>
    %iota3A_47 = tpu.iota {dimensions = array<i32: 2>} : vector<64x64x128xi32>
    %eq3A = arith.cmpi eq, %iota3A_46, %iota3A_47 : vector<64x64x128xi32>
    %jit3A = arith.constant -1.000000e+04 : f32
    %broadcast_in_dim3A_48 = vector.broadcast %jit3A : f32 to vector<64x64x128xf32>
    %select_n3A = arith.select %eq3A, %broadcast_in_dim3A_48, %mul3A_45 : vector<64x64x128xi1>, vector<64x64x128xf32>
    %lt3A_49 = arith.constant 5.000000e-01 : f32
    %lt3A_50 = vector.broadcast %lt3A_49 : f32 to vector<64x64x128xf32>
    %lt3A_51 = arith.cmpf olt, %dot_general3A_40, %lt3A_50 : vector<64x64x128xf32>
    %jit3A_52 = arith.constant -3.40282347E+38 : f32
    %broadcast_in_dim3A_53 = vector.broadcast %jit3A_52 : f32 to vector<64x64x128xf32>
    %select_n3A_54 = arith.select %lt3A_51, %broadcast_in_dim3A_53, %select_n3A : vector<64x64x128xi1>, vector<64x64x128xf32>
    %reduce_max3A = arith.constant dense<0xFF800000> : vector<64x64xf32>
    %reduce_max3A_55 = vector.multi_reduction <maximumf>, %select_n3A_54, %reduce_max3A [2] : vector<64x64x128xf32> to vector<64x64xf32>
    %broadcast_in_dim3A_56 = vector.shape_cast %reduce_max3A_55 : vector<64x64xf32> to vector<64x64x1xf32>
    %sub3A = vector.broadcast %broadcast_in_dim3A_56 : vector<64x64x1xf32> to vector<64x64x128xf32>
    %sub3A_57 = arith.subf %select_n3A_54, %sub3A : vector<64x64x128xf32>
    %exp3A = math.exp %sub3A_57 : vector<64x64x128xf32>
    %reduce_sum3A_58 = arith.constant dense<0.000000e+00> : vector<64x64xf32>
    %reduce_sum3A_59 = vector.multi_reduction <add>, %exp3A, %reduce_sum3A_58 [2] : vector<64x64x128xf32> to vector<64x64xf32>
    %broadcast_in_dim3A_60 = vector.shape_cast %reduce_sum3A_59 : vector<64x64xf32> to vector<64x64x1xf32>
    %log3A = math.log %broadcast_in_dim3A_60 : vector<64x64x1xf32>
    %add3A_61 = arith.addf %broadcast_in_dim3A_56, %log3A : vector<64x64x1xf32>
    %div3A_62 = arith.constant 1.000000e+00 : f32
    %div3A_63 = vector.broadcast %div3A_62 : f32 to vector<64x64x1xf32>
    %div3A_64 = arith.divf %div3A_63, %broadcast_in_dim3A_60 : vector<64x64x1xf32>
    %mul3A_65 = vector.broadcast %div3A_64 : vector<64x64x1xf32> to vector<64x64x128xf32>
    %mul3A_66 = arith.mulf %exp3A, %mul3A_65 : vector<64x64x128xf32>
    %dot_general3A_67 = arith.constant dense<0.000000e+00> : vector<64x64x64xf32>
    %dot_general3A_68 = tpu.matmul %mul3A_66, %concatenate3A_30, %dot_general3A_67 {dimension_numbers = #tpu.dot_dimension_numbers<[2], [1], [1], [2], [0, 0, 0, 1, 1, 2], [0], [0]>, transpose_lhs_hint = false} : vector<64x64x128xf32>, vector<64x128x64xf32>, vector<64x64x64xf32> -> vector<64x64x64xf32>
    %reshape3A_69 = vector.shape_cast %dot_general3A_68 : vector<64x64x64xf32> to vector<4096x64xf32>
    %swap3A = arith.constant 0 : index
    %swap3A_70 = arith.constant 0 : index
    %swap3A_71 = arith.constant 0 : index
    %swap3A_72 = vector.load %arg5[%swap3A, %swap3A_70, %swap3A_71] : memref<1x4096x64xf32, #tpu.memory_space<vmem>>, vector<1x4096x64xf32>
    %swap3A_73 = vector.shape_cast %swap3A_72 : vector<1x4096x64xf32> to vector<4096x64xf32>
    %swap3A_74 = vector.shape_cast %reshape3A_69 : vector<4096x64xf32> to vector<1x4096x64xf32>
    tpu.vector_store %arg5[%swap3A, %swap3A_70, %swap3A_71], %swap3A_74 {strides = array<i32>} : memref<1x4096x64xf32, #tpu.memory_space<vmem>>, vector<1x4096x64xf32>,
    %reshape3A_75 = vector.shape_cast %add3A_61 : vector<64x64x1xf32> to vector<4096x1xf32>
    %reshape3A_76 = vector.shape_cast %reshape3A_75 : vector<4096x1xf32> to vector<32x128xf32>
    %swap3A_77 = arith.constant 0 : index
    %swap3A_78 = arith.constant 0 : index
    %swap3A_79 = arith.constant 0 : index
    %swap3A_80 = vector.load %arg6[%swap3A_77, %swap3A_78, %swap3A_79] : memref<1x32x128xf32, #tpu.memory_space<vmem>>, vector<1x32x128xf32>
    %swap3A_81 = vector.shape_cast %swap3A_80 : vector<1x32x128xf32> to vector<32x128xf32>
    %swap3A_82 = vector.shape_cast %reshape3A_76 : vector<32x128xf32> to vector<1x32x128xf32>
    tpu.vector_store %arg6[%swap3A_77, %swap3A_78, %swap3A_79], %swap3A_82 {strides = array<i32>} : memref<1x32x128xf32, #tpu.memory_space<vmem>>, vector<1x32x128xf32>,
    return
  }
  func.func @transform_0(%arg0: i32) -> (i32, i32, i32) {
    %c0_i32 = arith.constant 0 : i32
    %c0_i32_0 = arith.constant 0 : i32
    %c0_i32_1 = arith.constant 0 : i32
    return %arg0, %c0_i32, %c0_i32_0 : i32, i32, i32
  }
  func.func @transform_1(%arg0: i32) -> (i32, i32, i32) {
    %c0_i32 = arith.constant 0 : i32
    %c0_i32_0 = arith.constant 0 : i32
    %c0_i32_1 = arith.constant 0 : i32
    return %arg0, %c0_i32, %c0_i32_0 : i32, i32, i32
  }
  func.func @transform_2(%arg0: i32) -> (i32, i32, i32) {
    %c0_i32 = arith.constant 0 : i32
    %c0_i32_0 = arith.constant 0 : i32
    %c0_i32_1 = arith.constant 0 : i32
    return %arg0, %c0_i32, %c0_i32_0 : i32, i32, i32
  }
  func.func @transform_3(%arg0: i32) -> (i32, i32, i32) {
    %c0_i32 = arith.constant 0 : i32
    %c0_i32_0 = arith.constant 0 : i32
    %c0_i32_1 = arith.constant 0 : i32
    return %arg0, %c0_i32, %c0_i32_0 : i32, i32, i32
  }
  func.func @transform_4(%arg0: i32) -> (i32, i32, i32) {
    %c0_i32 = arith.constant 0 : i32
    %c0_i32_0 = arith.constant 0 : i32
    %c0_i32_1 = arith.constant 0 : i32
    return %arg0, %c0_i32, %c0_i32_0 : i32, i32, i32
  }
  func.func @transform_5(%arg0: i32) -> (i32, i32, i32) {
    %c0_i32 = arith.constant 0 : i32
    %c0_i32_0 = arith.constant 0 : i32
    %c0_i32_1 = arith.constant 0 : i32
    return %arg0, %c0_i32, %c0_i32_0 : i32, i32, i32
  }
}

module attributes {stable_mosaic.version = 14 : i64} {
  func.func @_combine_body(%arg0: i32, %arg1: i32, %arg2: memref<1x8x512x64xf32, #tpu.memory_space<vmem>>, %arg3: memref<1x512x8xf32, #tpu.memory_space<vmem>>, %arg4: memref<1x512x64xf32, #tpu.memory_space<vmem>>) attributes {dimension_semantics = [#tpu.dimension_semantics<arbitrary>, #tpu.dimension_semantics<arbitrary>], iteration_bounds = array<i64: 4, 8>, scalar_prefetch = 0 : i64, scratch_operands = 0 : i64, tpu.core_type = #tpu.core_type<tc>, window_params = [{transform_indices = @transform_0, window_bounds = array<i64: 1, 8, 512, 64>}, {transform_indices = @transform_1, window_bounds = array<i64: 1, 512, 8>}, {transform_indices = @transform_2, window_bounds = array<i64: 1, 512, 64>}]} {
    %get3A = arith.constant 0 : index
    %get3A_0 = arith.constant 0 : index
    %get3A_1 = arith.constant 0 : index
    %get3A_2 = arith.constant 0 : index
    %get3A_3 = vector.load %arg2[%get3A, %get3A_0, %get3A_1, %get3A_2] : memref<1x8x512x64xf32, #tpu.memory_space<vmem>>, vector<1x8x512x64xf32>
    %get3A_4 = vector.shape_cast %get3A_3 : vector<1x8x512x64xf32> to vector<8x512x64xf32>
    %get3A_5 = arith.constant 0 : index
    %get3A_6 = arith.constant 0 : index
    %get3A_7 = arith.constant 0 : index
    %get3A_8 = vector.load %arg3[%get3A_5, %get3A_6, %get3A_7] : memref<1x512x8xf32, #tpu.memory_space<vmem>>, vector<1x512x8xf32>
    %get3A_9 = vector.shape_cast %get3A_8 : vector<1x512x8xf32> to vector<512x8xf32>
    %reduce_max3A = arith.constant dense<0xFF800000> : vector<512xf32>
    %reduce_max3A_10 = vector.multi_reduction <maximumf>, %get3A_9, %reduce_max3A [1] : vector<512x8xf32> to vector<512xf32>
    %broadcast_in_dim3A = vector.shape_cast %reduce_max3A_10 : vector<512xf32> to vector<512x1xf32>
    %sub3A = vector.broadcast %broadcast_in_dim3A : vector<512x1xf32> to vector<512x8xf32>
    %sub3A_11 = arith.subf %get3A_9, %sub3A : vector<512x8xf32>
    %exp3A = math.exp %sub3A_11 : vector<512x8xf32>
    %reduce_sum3A = arith.constant dense<0.000000e+00> : vector<512xf32>
    %reduce_sum3A_12 = vector.multi_reduction <add>, %exp3A, %reduce_sum3A [1] : vector<512x8xf32> to vector<512xf32>
    %broadcast_in_dim3A_13 = vector.shape_cast %reduce_sum3A_12 : vector<512xf32> to vector<512x1xf32>
    %div3A = vector.broadcast %broadcast_in_dim3A_13 : vector<512x1xf32> to vector<512x8xf32>
    %div3A_14 = arith.divf %exp3A, %div3A : vector<512x8xf32>
    %slice3A = vector.extract_strided_slice %get3A_4 {offsets = [0, 0, 0], sizes = [1, 512, 64], strides = [1, 1, 1]} : vector<8x512x64xf32> to vector<1x512x64xf32>
    %squeeze3A = vector.shape_cast %slice3A : vector<1x512x64xf32> to vector<512x64xf32>
    %slice3A_15 = vector.extract_strided_slice %div3A_14 {offsets = [0, 0], sizes = [512, 1], strides = [1, 1]} : vector<512x8xf32> to vector<512x1xf32>
    %mul3A = vector.broadcast %slice3A_15 : vector<512x1xf32> to vector<512x64xf32>
    %mul3A_16 = arith.mulf %squeeze3A, %mul3A : vector<512x64xf32>
    %slice3A_17 = vector.extract_strided_slice %get3A_4 {offsets = [1, 0, 0], sizes = [1, 512, 64], strides = [1, 1, 1]} : vector<8x512x64xf32> to vector<1x512x64xf32>
    %squeeze3A_18 = vector.shape_cast %slice3A_17 : vector<1x512x64xf32> to vector<512x64xf32>
    %slice3A_19 = vector.extract_strided_slice %div3A_14 {offsets = [0, 1], sizes = [512, 1], strides = [1, 1]} : vector<512x8xf32> to vector<512x1xf32>
    %mul3A_20 = vector.broadcast %slice3A_19 : vector<512x1xf32> to vector<512x64xf32>
    %mul3A_21 = arith.mulf %squeeze3A_18, %mul3A_20 : vector<512x64xf32>
    %add3A = arith.addf %mul3A_16, %mul3A_21 : vector<512x64xf32>
    %slice3A_22 = vector.extract_strided_slice %get3A_4 {offsets = [2, 0, 0], sizes = [1, 512, 64], strides = [1, 1, 1]} : vector<8x512x64xf32> to vector<1x512x64xf32>
    %squeeze3A_23 = vector.shape_cast %slice3A_22 : vector<1x512x64xf32> to vector<512x64xf32>
    %slice3A_24 = vector.extract_strided_slice %div3A_14 {offsets = [0, 2], sizes = [512, 1], strides = [1, 1]} : vector<512x8xf32> to vector<512x1xf32>
    %mul3A_25 = vector.broadcast %slice3A_24 : vector<512x1xf32> to vector<512x64xf32>
    %mul3A_26 = arith.mulf %squeeze3A_23, %mul3A_25 : vector<512x64xf32>
    %add3A_27 = arith.addf %add3A, %mul3A_26 : vector<512x64xf32>
    %slice3A_28 = vector.extract_strided_slice %get3A_4 {offsets = [3, 0, 0], sizes = [1, 512, 64], strides = [1, 1, 1]} : vector<8x512x64xf32> to vector<1x512x64xf32>
    %squeeze3A_29 = vector.shape_cast %slice3A_28 : vector<1x512x64xf32> to vector<512x64xf32>
    %slice3A_30 = vector.extract_strided_slice %div3A_14 {offsets = [0, 3], sizes = [512, 1], strides = [1, 1]} : vector<512x8xf32> to vector<512x1xf32>
    %mul3A_31 = vector.broadcast %slice3A_30 : vector<512x1xf32> to vector<512x64xf32>
    %mul3A_32 = arith.mulf %squeeze3A_29, %mul3A_31 : vector<512x64xf32>
    %add3A_33 = arith.addf %add3A_27, %mul3A_32 : vector<512x64xf32>
    %slice3A_34 = vector.extract_strided_slice %get3A_4 {offsets = [4, 0, 0], sizes = [1, 512, 64], strides = [1, 1, 1]} : vector<8x512x64xf32> to vector<1x512x64xf32>
    %squeeze3A_35 = vector.shape_cast %slice3A_34 : vector<1x512x64xf32> to vector<512x64xf32>
    %slice3A_36 = vector.extract_strided_slice %div3A_14 {offsets = [0, 4], sizes = [512, 1], strides = [1, 1]} : vector<512x8xf32> to vector<512x1xf32>
    %mul3A_37 = vector.broadcast %slice3A_36 : vector<512x1xf32> to vector<512x64xf32>
    %mul3A_38 = arith.mulf %squeeze3A_35, %mul3A_37 : vector<512x64xf32>
    %add3A_39 = arith.addf %add3A_33, %mul3A_38 : vector<512x64xf32>
    %slice3A_40 = vector.extract_strided_slice %get3A_4 {offsets = [5, 0, 0], sizes = [1, 512, 64], strides = [1, 1, 1]} : vector<8x512x64xf32> to vector<1x512x64xf32>
    %squeeze3A_41 = vector.shape_cast %slice3A_40 : vector<1x512x64xf32> to vector<512x64xf32>
    %slice3A_42 = vector.extract_strided_slice %div3A_14 {offsets = [0, 5], sizes = [512, 1], strides = [1, 1]} : vector<512x8xf32> to vector<512x1xf32>
    %mul3A_43 = vector.broadcast %slice3A_42 : vector<512x1xf32> to vector<512x64xf32>
    %mul3A_44 = arith.mulf %squeeze3A_41, %mul3A_43 : vector<512x64xf32>
    %add3A_45 = arith.addf %add3A_39, %mul3A_44 : vector<512x64xf32>
    %slice3A_46 = vector.extract_strided_slice %get3A_4 {offsets = [6, 0, 0], sizes = [1, 512, 64], strides = [1, 1, 1]} : vector<8x512x64xf32> to vector<1x512x64xf32>
    %squeeze3A_47 = vector.shape_cast %slice3A_46 : vector<1x512x64xf32> to vector<512x64xf32>
    %slice3A_48 = vector.extract_strided_slice %div3A_14 {offsets = [0, 6], sizes = [512, 1], strides = [1, 1]} : vector<512x8xf32> to vector<512x1xf32>
    %mul3A_49 = vector.broadcast %slice3A_48 : vector<512x1xf32> to vector<512x64xf32>
    %mul3A_50 = arith.mulf %squeeze3A_47, %mul3A_49 : vector<512x64xf32>
    %add3A_51 = arith.addf %add3A_45, %mul3A_50 : vector<512x64xf32>
    %slice3A_52 = vector.extract_strided_slice %get3A_4 {offsets = [7, 0, 0], sizes = [1, 512, 64], strides = [1, 1, 1]} : vector<8x512x64xf32> to vector<1x512x64xf32>
    %squeeze3A_53 = vector.shape_cast %slice3A_52 : vector<1x512x64xf32> to vector<512x64xf32>
    %slice3A_54 = vector.extract_strided_slice %div3A_14 {offsets = [0, 7], sizes = [512, 1], strides = [1, 1]} : vector<512x8xf32> to vector<512x1xf32>
    %mul3A_55 = vector.broadcast %slice3A_54 : vector<512x1xf32> to vector<512x64xf32>
    %mul3A_56 = arith.mulf %squeeze3A_53, %mul3A_55 : vector<512x64xf32>
    %add3A_57 = arith.addf %add3A_51, %mul3A_56 : vector<512x64xf32>
    %swap3A = arith.constant 0 : index
    %swap3A_58 = arith.constant 0 : index
    %swap3A_59 = arith.constant 0 : index
    %swap3A_60 = vector.load %arg4[%swap3A, %swap3A_58, %swap3A_59] : memref<1x512x64xf32, #tpu.memory_space<vmem>>, vector<1x512x64xf32>
    %swap3A_61 = vector.shape_cast %swap3A_60 : vector<1x512x64xf32> to vector<512x64xf32>
    %swap3A_62 = vector.shape_cast %add3A_57 : vector<512x64xf32> to vector<1x512x64xf32>
    tpu.vector_store %arg4[%swap3A, %swap3A_58, %swap3A_59], %swap3A_62 {strides = array<i32>} : memref<1x512x64xf32, #tpu.memory_space<vmem>>, vector<1x512x64xf32>,
    return
  }
  func.func @transform_0(%arg0: i32, %arg1: i32) -> (i32, i32, i32, i32) {
    %c0_i32 = arith.constant 0 : i32
    %c0_i32_0 = arith.constant 0 : i32
    %c0_i32_1 = arith.constant 0 : i32
    return %arg0, %c0_i32, %arg1, %c0_i32_0 : i32, i32, i32, i32
  }
  func.func @transform_1(%arg0: i32, %arg1: i32) -> (i32, i32, i32) {
    %c0_i32 = arith.constant 0 : i32
    %c0_i32_0 = arith.constant 0 : i32
    return %arg0, %arg1, %c0_i32 : i32, i32, i32
  }
  func.func @transform_2(%arg0: i32, %arg1: i32) -> (i32, i32, i32) {
    %c0_i32 = arith.constant 0 : i32
    %c0_i32_0 = arith.constant 0 : i32
    return %arg0, %arg1, %c0_i32 : i32, i32, i32
  }
}

</mosaic_0001>

<sc_bundles>
// kernel: kernel.12.cloned.1.call-start
scs
__scs_entry_jumppad:
0x0: {  	(pc) =	sbr.rel $0x88, $3  }
0x1: {  	(tag) =	ssettag $0x0;
	lr =	simm.s32 $0x1  }
0x2: {  	[smem:$0x3F9F] =	sst lr;
	_ =	strace $0xD0000000  }
0x3: {  	_ = 	snop  }
0x4: {  	_ = 	snop  }
0x5: {  	_ = 	snop  }
0x6: {  	_ = 	snop  }
0x7: {  	_ = 	snop  }
__scs_overlays_trampoline_lowered:
0x8: {  	[smem:$0x3FAE] =	sst s0  }
0x9: {  	[smem:$0x3FAF] =	sst s1  }
0xa: {  	[smem:$0x3FB0] =	sst s2  }
0xb: {  	[smem:$0x3FB1] =	sst s3  }
0xc: {  	[smem:$0x3FB2] =	sst s4  }
0xd: {  	[smem:$0x3FB3] =	sst s5  }
0xe: {  	[smem:$0x3FB4] =	sst s6  }
0xf: {  	[smem:$0x3FB5] =	sst s7  }
0x10: {  	[smem:$0x3FB6] =	sst s8  }
0x11: {  	[smem:$0x3FB7] =	sst s9;
	s0 =	simm.s32 @!p0 $0x0  }
0x12: {  	s1 =	sld [smem:$0x3F9D];
	s0 =	simm.s32 @p0 $0x1  }
0x13: {  	[smem:$0x3FB8] =	sst s0;
	s0 =	simm.s32 @!p1 $0x0  }
0x14: {  	s2 =	sld [smem:$0x3F9C];
	s0 =	simm.s32 @p1 $0x1  }
0x15: {  	[smem:$0x3FB9] =	sst s0;
	s0 =	simm.s32 @!p2 $0x0  }
0x16: {  	s3 =	sld [smem:$0x3FDB];
	s0 =	simm.s32 @p2 $0x1  }
0x17: {  	s4 =	simm.s32 $0x1BF5;
	[smem:$0x3FBB] =	sst s0  }
0x18: {  	s0 =	sld [smem:$0x3F9E];
	_ =	swait.ge [sflag:s4], $0x0  }
0x19: {  	s7 =	sld [smem:$0x3F9F]  }
0x1a: {  	s8 =	sadd.s32 $0xFFFFE003, lr  }
0x1b: {  	s9 =	sadd.s32 $0xFFFFFEF7, lr;
	s5 =	simm.s32 $0xFFFFFFFF;
	p2 =	slt.u32 s8, $0xFFFFF086  }
0x1c: {  	p1 =	slt.u32 s9, $0xF7A;
	s5 =	simm.s32 @!p2 $0x0  }
0x1d: {  	s5 =	simm.s32 @p1 $0x1;
	p0 =	seq.s32 s7, s2  }
0x1e: {  	s7 =	smul.u32 @!p0 $0xF7A, s2;
	p2 =	seq.s32 @!p0 s5, $0x0  }
0x1f: {  	s9 =	smul.u32 $0xF7A, s1;
	s8 =	simm.s32 @!p0 $0x1BF5;
	p2 =	por !p2, p0  }
0x20: {  	[sflag:s8] =	ssyncset.s32 @!p0 $0xFFFFF086;
	s6 =	sadd.s32 @!p0 s3, s7;
	s7 =	simm.s32 @!p0 $0x108  }
0x21: {  	s3 =	sadd.s32 s3, s9;
	s6 =	sadd.s32 @!p0 $0x88, s6;
	s7 =	simm.s32 @p2 $0x1082  }
0x22: {  	[simem:s7], [sflag:s8] =	dma.local @!p0 [hbm:s6], $0xF7A  }
0x23: {  	s9 =	sor.u32 $0xD0000000, s2;
	s6 =	simm.s32 $0x108;
	_ =	swait.ge @!p0 [sflag:s8], $0x0  }
0x24: {  	s3 =	sadd.s32 $0x88, s3;
	s6 =	simm.s32 @!p1 $0x1082;
	[sflag:s4] =	ssyncset.s32 $0xFFFFF086  }
0x25: {  	[simem:s6], [sflag:s4] =	dma.local [hbm:s3], $0xF7A  }
0x26: {  	[smem:$0x3F9F] =	sst s1;
	(tag) =	ssettag s2;
	_ =	strace s9  }
0x27: {  	s1 =	sld [smem:$0x3FAF]  }
0x28: {  	s2 =	sld [smem:$0x3FB0]  }
0x29: {  	s4 =	sld [smem:$0x3FB2]  }
0x2a: {  	p0 =	seq.s32 s5, $0x0;
	s5 =	sld [smem:$0x3FB3]  }
0x2b: {  	s6 =	sld [smem:$0x3FB4]  }
0x2c: {  	s7 =	sld [smem:$0x3FB5]  }
0x2d: {  	s3 =	simm.s32 $0x108;
	s8 =	sld [smem:$0x3FB6]  }
0x2e: {  	s3 =	simm.s32 @!p0 $0x1082;
	s9 =	sld [smem:$0x3FB7]  }
0x2f: {  	lr =	sadd.s32 s0, s3;
	s0 =	sld [smem:$0x3FAE]  }
0x30: {  	s3 =	sld [smem:$0x3FB1]  }
0x31: {  	[smem:$0x3FBA] =	sst s10  }
0x32: {  	s10 =	sld [smem:$0x3FB8];
	_ =	sdelay $0x3  }
0x33: {  	p0 =	seq.s32 s10, $0x1;
	s10 =	sld [smem:$0x3FBA];
	_ =	sdelay $0x3  }
0x34: {  	[smem:$0x3FBA] =	sst s10  }
0x35: {  	s10 =	sld [smem:$0x3FB9];
	_ =	sdelay $0x3  }
0x36: {  	p1 =	seq.s32 s10, $0x1;
	s10 =	sld [smem:$0x3FBA];
	_ =	sdelay $0x3  }
0x37: {  	[smem:$0x3FBA] =	sst s10  }
0x38: {  	s10 =	sld [smem:$0x3FBB]  }
0x39: {  	_ = 	snop;
	(pc) =	sbr.ind lr, $3  }
0x3a: {  	_ = 	snop  }
0x3b: {  	_ = 	snop  }
0x3c: {  	p2 =	seq.s32 s10, $0x1;
	s10 =	sld [smem:$0x3FBA]  }
0x3d: {  	_ =	shalt  }
0x3e: {  	_ =	shalt  }
0x3f: {  	_ =	shalt  }
0x40: {  	_ =	shalt  }
0x41: {  	_ =	shalt  }
0x42: {  	_ =	shalt  }
0x43: {  	_ =	shalt  }
0x44: {  	_ =	shalt  }
0x45: {  	_ =	shalt  }
0x46: {  	_ =	shalt  }
0x47: {  	_ =	shalt  }
0x48: {  	_ =	shalt  }
0x49: {  	_ =	shalt  }
0x4a: {  	_ =	shalt  }
0x4b: {  	_ =	shalt  }
0x4c: {  	_ =	shalt  }
0x4d: {  	_ =	shalt  }
0x4e: {  	_ =	shalt  }
0x4f: {  	_ =	shalt  }
0x50: {  	_ =	shalt  }
0x51: {  	_ =	shalt  }
0x52: {  	_ =	shalt  }
0x53: {  	_ =	shalt  }
0x54: {  	_ =	shalt  }
0x55: {  	_ =	shalt  }
0x56: {  	_ =	shalt  }
0x57: {  	_ =	shalt  }
0x58: {  	_ =	shalt  }
0x59: {  	_ =	shalt  }
0x5a: {  	_ =	shalt  }
0x5b: {  	_ =	shalt  }
0x5c: {  	_ =	shalt  }
0x5d: {  	_ =	shalt  }
0x5e: {  	_ =	shalt  }
0x5f: {  	_ =	shalt  }
0x60: {  	_ =	shalt  }
0x61: {  	_ =	shalt  }
0x62: {  	_ =	shalt  }
0x63: {  	_ =	shalt  }
0x64: {  	_ =	shalt  }
0x65: {  	_ =	shalt  }
0x66: {  	_ =	shalt  }
0x67: {  	_ =	shalt  }
0x68: {  	_ =	shalt  }
0x69: {  	_ =	shalt  }
0x6a: {  	_ =	shalt  }
0x6b: {  	_ =	shalt  }
0x6c: {  	_ =	shalt  }
0x6d: {  	_ =	shalt  }
0x6e: {  	_ =	shalt  }
0x6f: {  	_ =	shalt  }
0x70: {  	_ =	shalt  }
0x71: {  	_ =	shalt  }
0x72: {  	_ =	shalt  }
0x73: {  	_ =	shalt  }
0x74: {  	_ =	shalt  }
0x75: {  	_ =	shalt  }
0x76: {  	_ =	shalt  }
0x77: {  	_ =	shalt  }
0x78: {  	_ =	shalt  }
0x79: {  	_ =	shalt  }
0x7a: {  	_ =	shalt  }
0x7b: {  	_ =	shalt  }
0x7c: {  	_ =	shalt  }
0x7d: {  	_ =	shalt  }
0x7e: {  	_ =	shalt  }
0x7f: {  	_ =	shalt  }
0x80: {  	_ =	shalt  }
0x81: {  	_ =	shalt  }
0x82: {  	_ =	shalt  }
0x83: {  	_ =	shalt  }
0x84: {  	_ =	shalt  }
0x85: {  	_ =	shalt  }
0x86: {  	_ =	shalt  }
0x87: {  	_ =	shalt  }
.Lfunc_end0:
.L_simem_size_0:
called_computation_lowered:
.L_overlay_start_0:
0x88: {  	s2 =	sld [smem:$0x3FD9]  }
0x89: {  	s3 =	sld [smem:$0x3FFE];
	_ =	sdelay $0x1  }
0x8a: {  	s1 =	srdreg.scid  }
0x8b: {  	s0 =	sand.u32 $0x1, s1  }
0x8c: {  	s17 =	sshll.u32 s0, $0xA;
	s2 =	sadd.s32 s3, s2  }
0x8d: {  	s2 =	sadd.s32 s2, s17  }
0x8e: {  	[smem:$0x3FC6] =	sst s2  }
0x8f: {  	_ = 	snop  }
0x90: {  	s2 =	sld [smem:$0x3FD0];
	(tm) =	ssettm $0x1  }
0x91: {  	s18 =	sld [smem:$0x3FFB];
	_ =	sdelay $0x3  }
0x92: {  	_ =	strace s18  }
0x93: {  	s3 =	sld [smem:$0x3FFC];
	_ =	sdelay $0x3  }
0x94: {  	_ =	strace s3  }
0x95: {  	s3 =	sld [smem:$0x3FFD];
	_ =	sdelay $0x3  }
0x96: {  	_ =	strace s3  }
0x97: {  	_ =	strace $0x8FFFFFFF  }
0x98: {  	s19 =	sld [smem:$0x3FDB];
	_ =	sdelay $0x1  }
0x99: {  	s4 =	simm.s32 $_scs_section_size  }
0x9a: {  	s5 =	simm.s32 $_size__tile_overlayer_lowered;
	s6 =	simm.s32 $_tile_overlayer_lowered  }
0x9b: {  	s22 =	simm.s32 $0x1BFF;
	s21 =	sshll.u32 s6, $0x1;
	s3 =	sadd.s32 s4, s19  }
0x9c: {  	s7 =	simm.s32 $0x0;
	s20 =	sshll.u32 s5, $0x1;
	s5 =	sadd.s32 s21, s3  }
0x9d: {  	[timem:s7], [sflag:s22] =	dma.local [hbm:s5], s20  }
0x9e: {  	_ =	swait.ge [sflag:s22], s20  }
0x9f: {  	s4 =	ssub.s32 $0x0, s20;
	[sflag:s22] =	ssyncset.done $0x0  }
0xa0: {  	[sflag:s22] =	ssyncadd.s32 s4;
	_ =	sdelay $0x1  }
0xa1: {  	s23 =	simm.s32 $0x1B8B  }
0xa2: {  	_ =	swait.ge [sflag:s23], $0x1  }
0xa3: {  	[sflag:s23] =	ssyncset.done $0x0  }
0xa4: {  	s25 =	simm.s32 $0x1B8E;
	s24 =	sld [smem:$0x3FFE];
	[sflag:s23] =	ssyncadd.s32 $0xFFFFFFFF  }
0xa5: {  	s26 =	simm.s32 $execute0_lowered;
	[smem:$0x3FD2] =	sst s25  }
0xa6: {  	s5 =	sshll.u32 s26, $0x1;
	_ =	strace $0x80000046;
	[dreg:$0x1] =	wrdreg $0xFFFFFFFF  }
0xa7: {  	s28 =	simm.s32 $_size_execute0_lowered;
	s3 =	sadd.s32 s3, s5;
	[dreg:$0x0] =	wrdreg $0x0  }
0xa8: {  	s5 =	sshll.u32 s28, $0x1;
	[dreg:$0x2] =	wrdreg s3  }
0xa9: {  	[dreg:$0x3] =	wrdreg s5  }
0xaa: {  	[dreg:$0x4] =	wrdreg $0xC0  }
0xab: {  	_ =	task [dreg:s7], $0x5FFFF  }
0xac: {  	[dreg:$0x1] =	wrdreg $0xFFFFFFFF  }
0xad: {  	[dreg:$0x0] =	wrdreg $0x60  }
0xae: {  	[dreg:$0x2] =	wrdreg s2  }
0xaf: {  	[dreg:$0x3] =	wrdreg s24  }
0xb0: {  	[dreg:$0x4] =	wrdreg $0x9  }
0xb1: {  	_ =	task.clear_ibuf [dreg:s7], $0x5FFFF;
	_ =	strace $0x90000046  }
0xb2: {  	s29 =	simm.s32 $0x9;
	_ =	strace $0x80000048  }
0xb3: {  	_ =	swait.ge [sflag:s29], $0x1  }
0xb4: {  	[sflag:s29] =	ssyncadd.s32 $0xFFFFFFFF  }
0xb5: {  	_ =	strace $0x90000048  }
0xb6: {  	_ =	sfence  }
0xb7: {  	s30 =	sld [smem:$0x0];
	_ =	sdelay $0x2  }
0xb8: {  	s31 =	sshll.u32 s1, $0xD;
	s1 =	sshrl.u32 s1, $0x2  }
0xb9: {  	s3 =	sand.u32 $0x4000, s31;
	s1 =	sadd.s32 s1, s30  }
0xba: {  	s0 =	sor.u32 s3, s0;
	s1 =	sshll.u32 s1, $0x11  }
0xbb: {  	s0 =	sor.u32 s1, s0  }
0xbc: {  	s0 =	sadd.s32 $0x8F2B, s0  }
0xbd: {  	[sflag:s0] =	ssyncadd.remote.s32 $0x1  }
0xbe: {  	_ =	sfence.sel $0xFFFF  }
0xbf: {  	[dreg:$0x0] =	wrdreg $0xFFFFFFFF;
	(pc) =	sbr.abs _section_cstart, $3  }
0xc0: {  	[dreg:$0x1] =	wrdreg $0xFFFFFFFF  }
0xc1: {  	_ =	task.clear_ibuf [dreg:s7], $0x2FFFF;
	_ =	strace $0x9FFFFFFF  }
0xc2: {  	(tm) =	ssettm $0x7FFFFFFF  }
0xc3: {  	_ =	shalt  }
tec
execute0_lowered:
.L_overlay_start_1:
0x0: {  	(tag) =	ssettag $0x1  }
0x1: {  	s1 =	srdreg.scid;
	s2 =	rddreg [dreg:$0x0]  }
0x2: {  	s0 =	stileid.u32;
	s7 =	rddreg [dreg:$0x1];
	s4 =	simm.s32 $0x1  }
0x3: {  	s3 =	simm.s32 $0x0;
	s12 =	simm.s32 $0x1;
	s15 =	simm.s32 $0x80  }
0x4: {  	s16 =	simm.s32 $0x2000;
	s17 =	simm.s32 $0xA000;
	s18 =	simm.s32 $0x4000  }
0x5: {  	s19 =	simm.s32 $0xC000;
	s20 =	simm.s32 $0x6000;
	s21 =	simm.s32 $0xE000  }
0x6: {  	s22 =	simm.s32 $0x8000;
	s23 =	simm.s32 $0x10000;
	s10 =	sand.u32 $0x1, s1  }
0x7: {  	s24 =	simm.s32 $0x0;
	[smem:$0x7FF] =	sst s3;
	s1 =	sor.u32 s10, s0  }
0x8: {  	p1 =	seq.s32 s10, $0x1;
	s13 =	ssub.s32 $0x2, s10;
	p0 =	seq.s32 s1, $0x0  }
0x9: {  	s30 =	sshll.u32 s10, $0xE;
	s31 =	sshll.u32 s10, $0xB;
	p0 =	por !p0, !p1  }
0xa: {  	s1 =	rddreg [dreg:$0x2];
	s14 =	sshrl.u32 s13, $0x1;
	p0 =	por !p0, !p0  }
0xb: {  	_ =	strace $0x80000047;
	s29 =	ssub.s32 s13, s14;
	s4 =	simm.s32 @!p0 $0x0  }
0xc: {  	s13 =	simm.s32 $0x2;
	s14 =	simm.s32 $0x1000;
	s11 =	ssub.s32 s0, s4  }
0xd: {  	s10 =	smax.u32 s29, $0x1;
	s4 =	sadd.s32 $0x84A00, s7;
	s5 =	sshll.u32 s11, $0x9  }
0xe: {  	s28 =	sand.u32 $0x7, s11;
	s9 =	sand.u32 $0xE0, s11;
	p5 =	slt.s32 s11, $0x1  }
0xf: {  	s6 =	sand.u32 $0x1FFFFE00, s5;
	s5 =	simm.s32 $0x1;
	p6 =	sne.s32 s28, $0x0  }
0x10: {  	s9 =	sshrl.u32 s9, $0x5;
	s8 =	sadd.s32 s6, s7;
	p0 =	por !p5, !p6  }
0x11: {  	s6 =	sadd.s32 $0x1C4A00, s7;
	s9 =	sadd.s32 s9, s11;
	p0 =	por !p0, !p0  }
0x12: {  	s7 =	sadd.s32 $0xC4A00, s7;
	s9 =	sshrl.u32 s9, $0x3;
	s12 =	simm.s32 @!p0 $0x0  }
0x13: {  	s11 =	sshll.u32 s11, $0xF;
	s8 =	sadd.s32 $0x4A00, s8;
	s9 =	ssub.s32 s9, s12  }
0x14: {  	v0 =	vlaneseq.u32;
	s11 =	sor.u32 s30, s11;
	s12 =	sor.u32 $0x1000, s31;
	s9 =	sshll.u32 s9, $0xC  }
.LBB2_1:
0x15: {  	[tilespmem:s3], [sflag:$0x2] =	stream.linear.gather [hbm4b:s8+s3], $0x1000, $0x38;
	[tilespmem:$0x12000] =	vst v63  }
0x16: {  	_ =	swait.ge [sflag:s13], $0x1000  }
0x17: {  	[sflag:s13] =	ssyncset.done $0x0  }
0x18: {  	s25 =	simm.s32 $0x0;
	s26 =	simm.s32 $0x0;
	[sflag:s13] =	ssyncadd.s32 $0xFFFFF000  }
.LBB2_2:
0x19: {  	v1 =	vld [tilespmem:s25+$0x0];
	_ =	sdelay $0x2  }
0x1a: {  	p0 =	sne.s32 s26, $0xFF0  }
.Ltmp0:
0x1b: {  	_ = 	snop;
	(pc) =	sbr.rel @p0 .LBB2_2-.Ltmp0, $4  }
0x1c: {  	_ = 	snop  }
0x1d: {  	s28 =	sor.u32 s9, s26  }
0x1e: {  	v2 =	vor.u32 s28, v0  }
0x1f: {  	s25 =	sadd.s32 $0x10, s25;
	s26 =	sadd.s32 $0x10, s26;
	[tilespmem:v1+s14+$0x0] =	vst.idx.msk $0xffff, v2  }
0x20: {  	s25 =	sadd.s32 $0x0, s12  }
0x21: {  	[tilespmem:s16], [sflag:$0x1] =	stream.indirect.gather [hbm4b:s2+s15], $0x40, s25, s15, $0xb8;
	[tilespmem:$0x12000] =	vst v63  }
0x22: {  	_ = 	snop  }
0x23: {  	[tilespmem:s17], [sflag:$0x1] =	stream.indirect.gather [hbm4b:s4+s15], $0x40, s25, s15, $0xb8;
	[tilespmem:$0x12000] =	vst v63  }
0x24: {  	s26 =	sadd.s32 $0x80, s25  }
0x25: {  	[tilespmem:s18], [sflag:$0x1] =	stream.indirect.gather [hbm4b:s2+s15], $0x40, s26, s15, $0xb8;
	[tilespmem:$0x12000] =	vst v63  }
0x26: {  	_ = 	snop  }
0x27: {  	[tilespmem:s19], [sflag:$0x1] =	stream.indirect.gather [hbm4b:s4+s15], $0x40, s26, s15, $0xb8;
	[tilespmem:$0x12000] =	vst v63  }
0x28: {  	s31 =	sadd.s32 $0x100, s25  }
0x29: {  	[tilespmem:s20], [sflag:$0x1] =	stream.indirect.gather [hbm4b:s2+s15], $0x40, s31, s15, $0xb8;
	[tilespmem:$0x12000] =	vst v63  }
0x2a: {  	_ = 	snop  }
0x2b: {  	[tilespmem:s21], [sflag:$0x1] =	stream.indirect.gather [hbm4b:s4+s15], $0x40, s31, s15, $0xb8;
	[tilespmem:$0x12000] =	vst v63  }
0x2c: {  	s25 =	sadd.s32 $0x180, s25  }
0x2d: {  	[tilespmem:s22], [sflag:$0x1] =	stream.indirect.gather [hbm4b:s2+s15], $0x40, s25, s15, $0xb8;
	[tilespmem:$0x12000] =	vst v63  }
0x2e: {  	_ = 	snop  }
0x2f: {  	[tilespmem:s23], [sflag:$0x1] =	stream.indirect.gather [hbm4b:s4+s15], $0x40, s25, s15, $0xb8;
	[tilespmem:$0x12000] =	vst v63  }
0x30: {  	_ =	swait.ge [sflag:s5], $0x2000  }
0x31: {  	[sflag:s5] =	ssyncset.done $0x0  }
0x32: {  	[sflag:s5] =	ssyncadd.s32 $0xFFFFE000  }
0x33: {  	_ =	swait.ge [sflag:s5], $0x2000  }
0x34: {  	[sflag:s5] =	ssyncset.done $0x0  }
0x35: {  	[sflag:s5] =	ssyncadd.s32 $0xFFFFE000  }
0x36: {  	_ =	swait.ge [sflag:s5], $0x2000  }
0x37: {  	[sflag:s5] =	ssyncset.done $0x0  }
0x38: {  	[sflag:s5] =	ssyncadd.s32 $0xFFFFE000  }
0x39: {  	_ =	swait.ge [sflag:s5], $0x2000  }
0x3a: {  	[sflag:s5] =	ssyncset.done $0x0  }
0x3b: {  	[sflag:s5] =	ssyncadd.s32 $0xFFFFE000  }
0x3c: {  	_ =	swait.ge [sflag:s5], $0x2000  }
0x3d: {  	[sflag:s5] =	ssyncset.done $0x0  }
0x3e: {  	[sflag:s5] =	ssyncadd.s32 $0xFFFFE000  }
0x3f: {  	_ =	swait.ge [sflag:s5], $0x2000  }
0x40: {  	[sflag:s5] =	ssyncset.done $0x0  }
0x41: {  	[sflag:s5] =	ssyncadd.s32 $0xFFFFE000  }
0x42: {  	_ =	swait.ge [sflag:s5], $0x2000  }
0x43: {  	[sflag:s5] =	ssyncset.done $0x0  }
0x44: {  	[sflag:s5] =	ssyncadd.s32 $0xFFFFE000  }
0x45: {  	_ =	swait.ge [sflag:s5], $0x2000  }
0x46: {  	s30 =	sand.u32 $0x1FFFF000, s11;
	[sflag:s5] =	ssyncset.done $0x0  }
0x47: {  	s31 =	sadd.s32 s6, s30;
	[sflag:s5] =	ssyncadd.s32 $0xFFFFE000  }
0x48: {  	[hbm4b:s31+s3] =	stream.linear.scatter [tilespmem:s16], [sflag:$0x2], $0x8000, $0x38;
	[tilespmem:$0x12000] =	vst v63  }
0x49: {  	_ =	swait.ge [sflag:s13], $0x8000  }
0x4a: {  	[sflag:s13] =	ssyncset.done $0x0  }
0x4b: {  	s25 =	sadd.s32 s7, s30;
	[sflag:s13] =	ssyncadd.s32 $0xFFFF8000  }
0x4c: {  	[hbm4b:s25+s3] =	stream.linear.scatter [tilespmem:s17], [sflag:$0x2], $0x8000, $0x38;
	[tilespmem:$0x12000] =	vst v63  }
0x4d: {  	s29 =	simm.s32 $0x1000;
	_ =	swait.ge [sflag:s13], $0x8000  }
0x4e: {  	s28 =	simm.s32 $0x200;
	s25 =	sadd.s32 $0x1000, s11;
	[sflag:s13] =	ssyncset.done $0x0  }
.LBB2_4:
0x4f: {  	s30 =	sadd.s32 s28, s12  }
0x50: {  	[sflag:s13] =	ssyncadd.s32 $0xFFFF8000;
	s28 =	smov.u32 s29;
	s26 =	sadd.s32 $0x800, s29  }
0x51: {  	[tilespmem:s16], [sflag:$0x1] =	stream.indirect.gather [hbm4b:s2+s15], $0x40, s30, s15, $0xb8;
	[tilespmem:$0x12000] =	vst v63  }
0x52: {  	p0 =	sne.s32 s29, $0x1800  }
0x53: {  	[tilespmem:s17], [sflag:$0x1] =	stream.indirect.gather [hbm4b:s4+s15], $0x40, s30, s15, $0xb8;
	[tilespmem:$0x12000] =	vst v63  }
0x54: {  	s29 =	sadd.s32 $0x80, s30  }
0x55: {  	[tilespmem:s18], [sflag:$0x1] =	stream.indirect.gather [hbm4b:s2+s15], $0x40, s29, s15, $0xb8;
	[tilespmem:$0x12000] =	vst v63  }
0x56: {  	_ = 	snop  }
0x57: {  	[tilespmem:s19], [sflag:$0x1] =	stream.indirect.gather [hbm4b:s4+s15], $0x40, s29, s15, $0xb8;
	[tilespmem:$0x12000] =	vst v63  }
0x58: {  	s29 =	sadd.s32 $0x100, s30  }
0x59: {  	[tilespmem:s20], [sflag:$0x1] =	stream.indirect.gather [hbm4b:s2+s15], $0x40, s29, s15, $0xb8;
	[tilespmem:$0x12000] =	vst v63  }
0x5a: {  	_ = 	snop  }
0x5b: {  	[tilespmem:s21], [sflag:$0x1] =	stream.indirect.gather [hbm4b:s4+s15], $0x40, s29, s15, $0xb8;
	[tilespmem:$0x12000] =	vst v63  }
0x5c: {  	s29 =	sadd.s32 $0x180, s30  }
0x5d: {  	[tilespmem:s22], [sflag:$0x1] =	stream.indirect.gather [hbm4b:s2+s15], $0x40, s29, s15, $0xb8;
	[tilespmem:$0x12000] =	vst v63  }
0x5e: {  	_ = 	snop  }
0x5f: {  	[tilespmem:s23], [sflag:$0x1] =	stream.indirect.gather [hbm4b:s4+s15], $0x40, s29, s15, $0xb8;
	[tilespmem:$0x12000] =	vst v63  }
0x60: {  	_ =	swait.ge [sflag:s5], $0x2000  }
0x61: {  	[sflag:s5] =	ssyncset.done $0x0  }
0x62: {  	[sflag:s5] =	ssyncadd.s32 $0xFFFFE000  }
0x63: {  	_ =	swait.ge [sflag:s5], $0x2000  }
0x64: {  	[sflag:s5] =	ssyncset.done $0x0  }
0x65: {  	[sflag:s5] =	ssyncadd.s32 $0xFFFFE000  }
0x66: {  	_ =	swait.ge [sflag:s5], $0x2000  }
0x67: {  	[sflag:s5] =	ssyncset.done $0x0  }
0x68: {  	[sflag:s5] =	ssyncadd.s32 $0xFFFFE000  }
0x69: {  	_ =	swait.ge [sflag:s5], $0x2000  }
0x6a: {  	[sflag:s5] =	ssyncset.done $0x0  }
0x6b: {  	[sflag:s5] =	ssyncadd.s32 $0xFFFFE000  }
0x6c: {  	_ =	swait.ge [sflag:s5], $0x2000  }
0x6d: {  	[sflag:s5] =	ssyncset.done $0x0  }
0x6e: {  	[sflag:s5] =	ssyncadd.s32 $0xFFFFE000  }
0x6f: {  	_ =	swait.ge [sflag:s5], $0x2000  }
0x70: {  	[sflag:s5] =	ssyncset.done $0x0  }
0x71: {  	[sflag:s5] =	ssyncadd.s32 $0xFFFFE000  }
0x72: {  	_ =	swait.ge [sflag:s5], $0x2000  }
0x73: {  	[sflag:s5] =	ssyncset.done $0x0  }
0x74: {  	[sflag:s5] =	ssyncadd.s32 $0xFFFFE000  }
0x75: {  	_ =	swait.ge [sflag:s5], $0x2000  }
0x76: {  	s29 =	sand.u32 $0x1FFFF000, s25;
	[sflag:s5] =	ssyncset.done $0x0  }
0x77: {  	s30 =	sadd.s32 s6, s29;
	[sflag:s5] =	ssyncadd.s32 $0xFFFFE000  }
0x78: {  	[hbm4b:s30+s3] =	stream.linear.scatter [tilespmem:s16], [sflag:$0x2], $0x8000, $0x38;
	[tilespmem:$0x12000] =	vst v63  }
0x79: {  	_ =	swait.ge [sflag:s13], $0x8000  }
.Ltmp1:
0x7a: {  	[sflag:s13] =	ssyncset.done $0x0;
	(pc) =	sbr.rel @p0 .LBB2_4-.Ltmp1, $4  }
0x7b: {  	s29 =	sadd.s32 s7, s29;
	[sflag:s13] =	ssyncadd.s32 $0xFFFF8000  }
0x7c: {  	[hbm4b:s29+s3] =	stream.linear.scatter [tilespmem:s17], [sflag:$0x2], $0x8000, $0x38;
	[tilespmem:$0x12000] =	vst v63  }
0x7d: {  	s28 =	sshra.s32 s28, $0x2;
	_ =	swait.ge [sflag:s13], $0x8000  }
0x7e: {  	s25 =	sadd.s32 $0x1000, s25;
	s29 =	smov.u32 s26;
	[sflag:s13] =	ssyncset.done $0x0  }
0x7f: {  	s26 =	sadd.s32 s28, s12;
	[sflag:s13] =	ssyncadd.s32 $0xFFFF8000  }
0x80: {  	[tilespmem:s16], [sflag:$0x1] =	stream.indirect.gather [hbm4b:s2+s15], $0x40, s26, s15, $0xb8;
	[tilespmem:$0x12000] =	vst v63  }
0x81: {  	_ = 	snop  }
0x82: {  	[tilespmem:s17], [sflag:$0x1] =	stream.indirect.gather [hbm4b:s4+s15], $0x40, s26, s15, $0xb8;
	[tilespmem:$0x12000] =	vst v63  }
0x83: {  	s28 =	sadd.s32 $0x80, s26  }
0x84: {  	[tilespmem:s18], [sflag:$0x1] =	stream.indirect.gather [hbm4b:s2+s15], $0x40, s28, s15, $0xb8;
	[tilespmem:$0x12000] =	vst v63  }
0x85: {  	_ = 	snop  }
0x86: {  	[tilespmem:s19], [sflag:$0x1] =	stream.indirect.gather [hbm4b:s4+s15], $0x40, s28, s15, $0xb8;
	[tilespmem:$0x12000] =	vst v63  }
0x87: {  	s30 =	sadd.s32 $0x100, s26  }
0x88: {  	[tilespmem:s20], [sflag:$0x1] =	stream.indirect.gather [hbm4b:s2+s15], $0x40, s30, s15, $0xb8;
	[tilespmem:$0x12000] =	vst v63  }
0x89: {  	_ = 	snop  }
0x8a: {  	[tilespmem:s21], [sflag:$0x1] =	stream.indirect.gather [hbm4b:s4+s15], $0x40, s30, s15, $0xb8;
	[tilespmem:$0x12000] =	vst v63  }
0x8b: {  	s26 =	sadd.s32 $0x180, s26  }
0x8c: {  	[tilespmem:s22], [sflag:$0x1] =	stream.indirect.gather [hbm4b:s2+s15], $0x40, s26, s15, $0xb8;
	[tilespmem:$0x12000] =	vst v63  }
0x8d: {  	_ = 	snop  }
0x8e: {  	[tilespmem:s23], [sflag:$0x1] =	stream.indirect.gather [hbm4b:s4+s15], $0x40, s26, s15, $0xb8;
	[tilespmem:$0x12000] =	vst v63  }
0x8f: {  	_ =	swait.ge [sflag:s5], $0x2000  }
0x90: {  	[sflag:s5] =	ssyncset.done $0x0  }
0x91: {  	[sflag:s5] =	ssyncadd.s32 $0xFFFFE000  }
0x92: {  	_ =	swait.ge [sflag:s5], $0x2000  }
0x93: {  	[sflag:s5] =	ssyncset.done $0x0  }
0x94: {  	[sflag:s5] =	ssyncadd.s32 $0xFFFFE000  }
0x95: {  	_ =	swait.ge [sflag:s5], $0x2000  }
0x96: {  	[sflag:s5] =	ssyncset.done $0x0  }
0x97: {  	[sflag:s5] =	ssyncadd.s32 $0xFFFFE000  }
0x98: {  	_ =	swait.ge [sflag:s5], $0x2000  }
0x99: {  	[sflag:s5] =	ssyncset.done $0x0  }
0x9a: {  	[sflag:s5] =	ssyncadd.s32 $0xFFFFE000  }
0x9b: {  	_ =	swait.ge [sflag:s5], $0x2000  }
0x9c: {  	[sflag:s5] =	ssyncset.done $0x0  }
0x9d: {  	[sflag:s5] =	ssyncadd.s32 $0xFFFFE000  }
0x9e: {  	_ =	swait.ge [sflag:s5], $0x2000  }
0x9f: {  	[sflag:s5] =	ssyncset.done $0x0  }
0xa0: {  	[sflag:s5] =	ssyncadd.s32 $0xFFFFE000  }
0xa1: {  	_ =	swait.ge [sflag:s5], $0x2000  }
0xa2: {  	[sflag:s5] =	ssyncset.done $0x0  }
0xa3: {  	[sflag:s5] =	ssyncadd.s32 $0xFFFFE000  }
0xa4: {  	_ =	swait.ge [sflag:s5], $0x2000  }
0xa5: {  	s25 =	sand.u32 $0x1FFFF000, s25;
	[sflag:s5] =	ssyncset.done $0x0  }
0xa6: {  	s31 =	sadd.s32 s6, s25;
	[sflag:s5] =	ssyncadd.s32 $0xFFFFE000  }
0xa7: {  	[hbm4b:s31+s3] =	stream.linear.scatter [tilespmem:s16], [sflag:$0x2], $0x8000, $0x38;
	[tilespmem:$0x12000] =	vst v63  }
0xa8: {  	s24 =	sadd.s32 $0x1, s24;
	_ =	swait.ge [sflag:s13], $0x8000  }
0xa9: {  	p0 =	sne.s32 s24, s10;
	[sflag:s13] =	ssyncset.done $0x0  }
.Ltmp2:
0xaa: {  	s25 =	sadd.s32 s7, s25;
	[sflag:s13] =	ssyncadd.s32 $0xFFFF8000;
	(pc) =	sbr.rel @p0 .LBB2_1-.Ltmp2, $4  }
0xab: {  	[hbm4b:s25+s3] =	stream.linear.scatter [tilespmem:s17], [sflag:$0x2], $0x8000, $0x38;
	[tilespmem:$0x12000] =	vst v63  }
0xac: {  	_ =	swait.ge [sflag:s13], $0x8000  }
0xad: {  	[sflag:s13] =	ssyncset.done $0x0  }
0xae: {  	[sflag:s13] =	ssyncadd.s32 $0xFFFF8000  }
0xaf: {  	_ =	sfence.sel $0x180000  }
0xb0: {  	[bflag:$0x0] =	sbarrier.arrive $0xFFFF  }
0xb1: {  	p0 =	sne.s32 s0, $0x0;
	_ =	strace $0x90000047  }
0xb2: {  	s0 =	sadd.s32 @!p0 $0x100000, s1;
	[bflag:$0x2] =	sbarrier.arrive $0xFFFF  }
0xb3: {  	[sflag:s0] =	ssyncadd.tile.s32 @!p0 $0x1;
	_ =	shalt  }
.Lfunc_end2:
_tile_overlayer_lowered:
.L_overlay_start_2:
0xb4: {  	(tag) =	ssettag $0x2  }
0xb5: {  	s0 =	rddreg [dreg:$0x0];
	s2 =	stileid.u32  }
0xb6: {  	s1 =	rddreg [dreg:$0x1];
	p0 =	sne.s32 s2, $0x0  }
0xb7: {  	s3 =	rddreg [dreg:$0x2];
	[bflag:$0x3] =	sbarrier.arrive $0xFFFF;
	s2 =	simm.s32 @!p0 $0x1C02  }
0xb8: {  	[timem:s3], [sflag:s2] =	dma.local @!p0 [hbm:s0], s1  }
0xb9: {  	s0 =	simm.s32 @!p0 $0x2  }
0xba: {  	_ =	swait.ge @!p0 [sflag:s0], s1  }
0xbb: {  	s1 =	ssub.s32 @!p0 $0x0, s1;
	[sflag:s0] =	ssyncset.done @!p0 $0x0  }
0xbc: {  	[sflag:s0] =	ssyncadd.s32 @!p0 s1  }
0xbd: {  	[bflag:$0x3] =	sbarrier.arrive $0xFFFF  }
0xbe: {  	_ =	shalt  }

// kernel: kernel.15.cloned.1.call-start
scs
__scs_entry_jumppad:
0x0: {  	(pc) =	sbr.rel $0x88, $3  }
0x1: {  	(tag) =	ssettag $0x0;
	lr =	simm.s32 $0x1  }
0x2: {  	[smem:$0x3F9F] =	sst lr;
	_ =	strace $0xD0000000  }
0x3: {  	_ = 	snop  }
0x4: {  	_ = 	snop  }
0x5: {  	_ = 	snop  }
0x6: {  	_ = 	snop  }
0x7: {  	_ = 	snop  }
__scs_overlays_trampoline_lowered:
0x8: {  	[smem:$0x3FAE] =	sst s0  }
0x9: {  	[smem:$0x3FAF] =	sst s1  }
0xa: {  	[smem:$0x3FB0] =	sst s2  }
0xb: {  	[smem:$0x3FB1] =	sst s3  }
0xc: {  	[smem:$0x3FB2] =	sst s4  }
0xd: {  	[smem:$0x3FB3] =	sst s5  }
0xe: {  	[smem:$0x3FB4] =	sst s6  }
0xf: {  	[smem:$0x3FB5] =	sst s7  }
0x10: {  	[smem:$0x3FB6] =	sst s8  }
0x11: {  	[smem:$0x3FB7] =	sst s9;
	s0 =	simm.s32 @!p0 $0x0  }
0x12: {  	s1 =	sld [smem:$0x3F9D];
	s0 =	simm.s32 @p0 $0x1  }
0x13: {  	[smem:$0x3FB8] =	sst s0;
	s0 =	simm.s32 @!p1 $0x0  }
0x14: {  	s2 =	sld [smem:$0x3F9C];
	s0 =	simm.s32 @p1 $0x1  }
0x15: {  	[smem:$0x3FB9] =	sst s0;
	s0 =	simm.s32 @!p2 $0x0  }
0x16: {  	s3 =	sld [smem:$0x3FDB];
	s0 =	simm.s32 @p2 $0x1  }
0x17: {  	s4 =	simm.s32 $0x1BF5;
	[smem:$0x3FBB] =	sst s0  }
0x18: {  	s0 =	sld [smem:$0x3F9E];
	_ =	swait.ge [sflag:s4], $0x0  }
0x19: {  	s7 =	sld [smem:$0x3F9F]  }
0x1a: {  	s8 =	sadd.s32 $0xFFFFE003, lr  }
0x1b: {  	s9 =	sadd.s32 $0xFFFFFEF7, lr;
	s5 =	simm.s32 $0xFFFFFFFF;
	p2 =	slt.u32 s8, $0xFFFFF086  }
0x1c: {  	p1 =	slt.u32 s9, $0xF7A;
	s5 =	simm.s32 @!p2 $0x0  }
0x1d: {  	s5 =	simm.s32 @p1 $0x1;
	p0 =	seq.s32 s7, s2  }
0x1e: {  	s7 =	smul.u32 @!p0 $0xF7A, s2;
	p2 =	seq.s32 @!p0 s5, $0x0  }
0x1f: {  	s9 =	smul.u32 $0xF7A, s1;
	s8 =	simm.s32 @!p0 $0x1BF5;
	p2 =	por !p2, p0  }
0x20: {  	[sflag:s8] =	ssyncset.s32 @!p0 $0xFFFFF086;
	s6 =	sadd.s32 @!p0 s3, s7;
	s7 =	simm.s32 @!p0 $0x108  }
0x21: {  	s3 =	sadd.s32 s3, s9;
	s6 =	sadd.s32 @!p0 $0x88, s6;
	s7 =	simm.s32 @p2 $0x1082  }
0x22: {  	[simem:s7], [sflag:s8] =	dma.local @!p0 [hbm:s6], $0xF7A  }
0x23: {  	s9 =	sor.u32 $0xD0000000, s2;
	s6 =	simm.s32 $0x108;
	_ =	swait.ge @!p0 [sflag:s8], $0x0  }
0x24: {  	s3 =	sadd.s32 $0x88, s3;
	s6 =	simm.s32 @!p1 $0x1082;
	[sflag:s4] =	ssyncset.s32 $0xFFFFF086  }
0x25: {  	[simem:s6], [sflag:s4] =	dma.local [hbm:s3], $0xF7A  }
0x26: {  	[smem:$0x3F9F] =	sst s1;
	(tag) =	ssettag s2;
	_ =	strace s9  }
0x27: {  	s1 =	sld [smem:$0x3FAF]  }
0x28: {  	s2 =	sld [smem:$0x3FB0]  }
0x29: {  	s4 =	sld [smem:$0x3FB2]  }
0x2a: {  	p0 =	seq.s32 s5, $0x0;
	s5 =	sld [smem:$0x3FB3]  }
0x2b: {  	s6 =	sld [smem:$0x3FB4]  }
0x2c: {  	s7 =	sld [smem:$0x3FB5]  }
0x2d: {  	s3 =	simm.s32 $0x108;
	s8 =	sld [smem:$0x3FB6]  }
0x2e: {  	s3 =	simm.s32 @!p0 $0x1082;
	s9 =	sld [smem:$0x3FB7]  }
0x2f: {  	lr =	sadd.s32 s0, s3;
	s0 =	sld [smem:$0x3FAE]  }
0x30: {  	s3 =	sld [smem:$0x3FB1]  }
0x31: {  	[smem:$0x3FBA] =	sst s10  }
0x32: {  	s10 =	sld [smem:$0x3FB8];
	_ =	sdelay $0x3  }
0x33: {  	p0 =	seq.s32 s10, $0x1;
	s10 =	sld [smem:$0x3FBA];
	_ =	sdelay $0x3  }
0x34: {  	[smem:$0x3FBA] =	sst s10  }
0x35: {  	s10 =	sld [smem:$0x3FB9];
	_ =	sdelay $0x3  }
0x36: {  	p1 =	seq.s32 s10, $0x1;
	s10 =	sld [smem:$0x3FBA];
	_ =	sdelay $0x3  }
0x37: {  	[smem:$0x3FBA] =	sst s10  }
0x38: {  	s10 =	sld [smem:$0x3FBB]  }
0x39: {  	_ = 	snop;
	(pc) =	sbr.ind lr, $3  }
0x3a: {  	_ = 	snop  }
0x3b: {  	_ = 	snop  }
0x3c: {  	p2 =	seq.s32 s10, $0x1;
	s10 =	sld [smem:$0x3FBA]  }
0x3d: {  	_ =	shalt  }
0x3e: {  	_ =	shalt  }
0x3f: {  	_ =	shalt  }
0x40: {  	_ =	shalt  }
0x41: {  	_ =	shalt  }
0x42: {  	_ =	shalt  }
0x43: {  	_ =	shalt  }
0x44: {  	_ =	shalt  }
0x45: {  	_ =	shalt  }
0x46: {  	_ =	shalt  }
0x47: {  	_ =	shalt  }
0x48: {  	_ =	shalt  }
0x49: {  	_ =	shalt  }
0x4a: {  	_ =	shalt  }
0x4b: {  	_ =	shalt  }
0x4c: {  	_ =	shalt  }
0x4d: {  	_ =	shalt  }
0x4e: {  	_ =	shalt  }
0x4f: {  	_ =	shalt  }
0x50: {  	_ =	shalt  }
0x51: {  	_ =	shalt  }
0x52: {  	_ =	shalt  }
0x53: {  	_ =	shalt  }
0x54: {  	_ =	shalt  }
0x55: {  	_ =	shalt  }
0x56: {  	_ =	shalt  }
0x57: {  	_ =	shalt  }
0x58: {  	_ =	shalt  }
0x59: {  	_ =	shalt  }
0x5a: {  	_ =	shalt  }
0x5b: {  	_ =	shalt  }
0x5c: {  	_ =	shalt  }
0x5d: {  	_ =	shalt  }
0x5e: {  	_ =	shalt  }
0x5f: {  	_ =	shalt  }
0x60: {  	_ =	shalt  }
0x61: {  	_ =	shalt  }
0x62: {  	_ =	shalt  }
0x63: {  	_ =	shalt  }
0x64: {  	_ =	shalt  }
0x65: {  	_ =	shalt  }
0x66: {  	_ =	shalt  }
0x67: {  	_ =	shalt  }
0x68: {  	_ =	shalt  }
0x69: {  	_ =	shalt  }
0x6a: {  	_ =	shalt  }
0x6b: {  	_ =	shalt  }
0x6c: {  	_ =	shalt  }
0x6d: {  	_ =	shalt  }
0x6e: {  	_ =	shalt  }
0x6f: {  	_ =	shalt  }
0x70: {  	_ =	shalt  }
0x71: {  	_ =	shalt  }
0x72: {  	_ =	shalt  }
0x73: {  	_ =	shalt  }
0x74: {  	_ =	shalt  }
0x75: {  	_ =	shalt  }
0x76: {  	_ =	shalt  }
0x77: {  	_ =	shalt  }
0x78: {  	_ =	shalt  }
0x79: {  	_ =	shalt  }
0x7a: {  	_ =	shalt  }
0x7b: {  	_ =	shalt  }
0x7c: {  	_ =	shalt  }
0x7d: {  	_ =	shalt  }
0x7e: {  	_ =	shalt  }
0x7f: {  	_ =	shalt  }
0x80: {  	_ =	shalt  }
0x81: {  	_ =	shalt  }
0x82: {  	_ =	shalt  }
0x83: {  	_ =	shalt  }
0x84: {  	_ =	shalt  }
0x85: {  	_ =	shalt  }
0x86: {  	_ =	shalt  }
0x87: {  	_ =	shalt  }
.Lfunc_end0:
.L_simem_size_0:
called_computation.1_lowered:
.L_overlay_start_0:
0x88: {  	s2 =	sld [smem:$0x3FD9]  }
0x89: {  	s3 =	sld [smem:$0x3FFE];
	_ =	sdelay $0x1  }
0x8a: {  	s1 =	srdreg.scid  }
0x8b: {  	s0 =	sand.u32 $0x1, s1  }
0x8c: {  	s17 =	sshll.u32 s0, $0xA;
	s2 =	sadd.s32 s3, s2  }
0x8d: {  	s2 =	sadd.s32 s2, s17  }
0x8e: {  	[smem:$0x3FC6] =	sst s2  }
0x8f: {  	_ = 	snop  }
0x90: {  	(tm) =	ssettm $0x1  }
0x91: {  	s18 =	sld [smem:$0x3FFB];
	_ =	sdelay $0x3  }
0x92: {  	_ =	strace s18  }
0x93: {  	s2 =	sld [smem:$0x3FFC];
	_ =	sdelay $0x3  }
0x94: {  	_ =	strace s2  }
0x95: {  	s2 =	sld [smem:$0x3FFD];
	_ =	sdelay $0x3  }
0x96: {  	_ =	strace s2  }
0x97: {  	_ =	strace $0x8FFFFFFF  }
0x98: {  	s19 =	sld [smem:$0x3FDB];
	_ =	sdelay $0x1  }
0x99: {  	s20 =	simm.s32 $_scs_section_size  }
0x9a: {  	s4 =	simm.s32 $_size__tile_overlayer_lowered;
	s5 =	simm.s32 $_tile_overlayer_lowered  }
0x9b: {  	s6 =	simm.s32 $0x1BFF;
	s21 =	sshll.u32 s5, $0x1;
	s3 =	sadd.s32 s20, s19  }
0x9c: {  	s22 =	simm.s32 $0x0;
	s4 =	sshll.u32 s4, $0x1;
	s5 =	sadd.s32 s21, s3  }
0x9d: {  	[timem:s22], [sflag:s6] =	dma.local [hbm:s5], s4  }
0x9e: {  	_ =	swait.ge [sflag:s6], s4  }
0x9f: {  	s4 =	ssub.s32 $0x0, s4;
	[sflag:s6] =	ssyncset.done $0x0  }
0xa0: {  	[sflag:s6] =	ssyncadd.s32 s4;
	_ =	sdelay $0x1  }
0xa1: {  	s23 =	simm.s32 $0x1B8B  }
0xa2: {  	_ =	swait.ge [sflag:s23], $0x1  }
0xa3: {  	[sflag:s23] =	ssyncset.done $0x0  }
0xa4: {  	[sflag:s23] =	ssyncadd.s32 $0xFFFFFFFF  }
0xa5: {  	s4 =	sld [smem:$0x0]  }
0xa6: {  	s5 =	sand.u32 $0xFFFFFFFE, s1  }
0xa7: {  	p0 =	sne.s32 s1, s5  }
0xa8: {  	s5 =	sshll.u32 @p0 s5, $0xE  }
0xa9: {  	s5 =	sadd.s32 @p0 $0x11B8D, s5;
	s6 =	sshll.u32 @p0 s4, $0x11  }
0xaa: {  	s5 =	sor.u32 @p0 s6, s5  }
0xab: {  	[sflag:s5] =	ssyncadd.remote.s32 @p0 $0x1;
	_ =	sdelay $0x1  }
0xac: {  	s5 =	simm.s32 @p0 $0x1B8D  }
0xad: {  	_ =	swait.eq @p0 [sflag:s5], $0x1  }
0xae: {  	[sflag:s5] =	ssyncadd.s32 @p0 $0xFFFFFFFF  }
0xaf: {  	s6 =	sshll.u32 @!p0 s1, $0xE  }
0xb0: {  	s6 =	sor.u32 @!p0 $0x4000, s6;
	s5 =	simm.s32 @!p0 $0x1B8D  }
0xb1: {  	s4 =	sshll.u32 @!p0 s4, $0x11;
	s6 =	sadd.s32 @!p0 $0x11B8D, s6;
	_ =	swait.eq @!p0 [sflag:s5], $0x1  }
0xb2: {  	s4 =	sor.u32 @!p0 s4, s6;
	[sflag:s5] =	ssyncadd.s32 @!p0 $0xFFFFFFFF  }
0xb3: {  	s25 =	simm.s32 $0x1B8E;
	s24 =	sld [smem:$0x3FFE];
	[sflag:s4] =	ssyncadd.remote.s32 @!p0 $0x1  }
0xb4: {  	s26 =	simm.s32 $execute0_lowered;
	[smem:$0x3FD2] =	sst s25  }
0xb5: {  	s5 =	sshll.u32 s26, $0x1;
	_ =	strace $0x8000004C;
	[dreg:$0x1] =	wrdreg $0xFFFFFFFF  }
0xb6: {  	s28 =	simm.s32 $_size_execute0_lowered;
	s3 =	sadd.s32 s3, s5;
	[dreg:$0x0] =	wrdreg $0x0  }
0xb7: {  	s5 =	sshll.u32 s28, $0x1;
	[dreg:$0x2] =	wrdreg s3  }
0xb8: {  	[dreg:$0x3] =	wrdreg s5  }
0xb9: {  	[dreg:$0x4] =	wrdreg $0xC0  }
0xba: {  	_ =	task [dreg:s22], $0x5FFFF  }
0xbb: {  	[dreg:$0x1] =	wrdreg $0xFFFFFFFF  }
0xbc: {  	[dreg:$0x0] =	wrdreg $0x60  }
0xbd: {  	[dreg:$0x2] =	wrdreg s24  }
0xbe: {  	[dreg:$0x3] =	wrdreg $0x9  }
0xbf: {  	_ =	task.clear_ibuf [dreg:s22], $0x4FFFF;
	_ =	strace $0x9000004C  }
0xc0: {  	s29 =	simm.s32 $0x9;
	_ =	strace $0x8000004E  }
0xc1: {  	_ =	swait.ge [sflag:s29], $0x1  }
0xc2: {  	[sflag:s29] =	ssyncadd.s32 $0xFFFFFFFF  }
0xc3: {  	_ =	strace $0x9000004E  }
0xc4: {  	_ =	sfence  }
0xc5: {  	s30 =	sld [smem:$0x0];
	_ =	sdelay $0x2  }
0xc6: {  	s31 =	sshll.u32 s1, $0xD;
	s1 =	sshrl.u32 s1, $0x2  }
0xc7: {  	s4 =	sand.u32 $0x4000, s31;
	s1 =	sadd.s32 s1, s30  }
0xc8: {  	s0 =	sor.u32 s4, s0;
	s1 =	sshll.u32 s1, $0x11  }
0xc9: {  	s0 =	sor.u32 s1, s0  }
0xca: {  	s0 =	sadd.s32 $0x8F2B, s0  }
0xcb: {  	[sflag:s0] =	ssyncadd.remote.s32 $0x1  }
0xcc: {  	_ =	sfence.sel $0xFFFF  }
0xcd: {  	[dreg:$0x0] =	wrdreg $0xFFFFFFFF;
	(pc) =	sbr.abs _section_cstart, $3  }
0xce: {  	[dreg:$0x1] =	wrdreg $0xFFFFFFFF  }
0xcf: {  	_ =	task.clear_ibuf [dreg:s22], $0x2FFFF;
	_ =	strace $0x9FFFFFFF  }
0xd0: {  	(tm) =	ssettm $0x7FFFFFFF  }
0xd1: {  	_ =	shalt  }
tec
execute0_lowered:
.L_overlay_start_1:
0x0: {  	(tag) =	ssettag $0x1  }
0x1: {  	s0 =	srdreg.scid;
	s3 =	stileid.u32  }
0x2: {  	s5 =	rddreg [dreg:$0x0];
	s2 =	simm.s32 $0x0;
	s4 =	simm.s32 $0x1  }
0x3: {  	s31 =	simm.s32 $0x2;
	s0 =	sand.u32 $0x1, s0;
	[smem:$0x7FF] =	sst s2  }
0x4: {  	s10 =	sadd.s32 $0xC4A00, s5;
	s1 =	sor.u32 s0, s3;
	p1 =	seq.s32 s0, $0x1  }
0x5: {  	_ =	strace $0x8000004D;
	s7 =	sshll.u32 s0, $0xB;
	s0 =	ssub.s32 $0x2, s0  }
0x6: {  	p0 =	seq.s32 s1, $0x0;
	s1 =	simm.s32 $0x1;
	s16 =	sshrl.u32 s0, $0x1  }
0x7: {  	s11 =	sor.u32 $0x3000, s7;
	s19 =	sor.u32 $0x1080, s7;
	s21 =	sor.u32 $0x1100, s7  }
0x8: {  	s22 =	sor.u32 $0x1180, s7;
	s15 =	sor.u32 $0x1200, s7;
	s28 =	sor.u32 $0x1680, s7  }
0x9: {  	s29 =	sor.u32 $0x1700, s7;
	p0 =	por !p0, !p1;
	[dreg:$0x6] =	wrdreg s19  }
0xa: {  	s30 =	sor.u32 $0x1780, s7;
	[dreg:$0x7] =	wrdreg s21;
	p0 =	por !p0, !p0  }
0xb: {  	s0 =	ssub.s32 s0, s16;
	[dreg:$0x8] =	wrdreg s22;
	s1 =	simm.s32 @!p0 $0x0  }
0xc: {  	s16 =	sor.u32 $0x1280, s7;
	s13 =	smov.u32 s11;
	s1 =	ssub.s32 s3, s1  }
0xd: {  	v3 =	vmov s11;
	s11 =	simm.s32 $0x0;
	s0 =	smax.u32 s0, $0x1;
	s6 =	sshll.u32 s1, $0xC  }
0xe: {  	[dreg:$0x5] =	wrdreg s0;
	s3 =	sadd.s32 $0x4C4A00, s5;
	s8 =	sor.u32 s7, s6  }
0xf: {  	s1 =	sshrl.u32 s6, $0x3;
	v0 =	vmov s6;
	s6 =	simm.s32 $0x6000;
	s9 =	sshrl.u32 s8, $0x3  }
0x10: {  	s1 =	sadd.s32 s1, s5;
	s20 =	sshll.u32 s8, $0x3;
	s5 =	sadd.s32 s9, s5  }
0x11: {  	s17 =	sadd.s32 $0x4A00, s1;
	s1 =	sadd.s32 $0xCE00, s1;
	s9 =	sor.u32 $0x1000, s7  }
0x12: {  	s23 =	sand.u32 $0x1FFFC000, s20;
	s24 =	sor.u32 $0x1000, s20;
	s25 =	sor.u32 $0x2000, s20  }
0x13: {  	s0 =	sor.u32 $0x3000, s20;
	s20 =	sor.u32 $0x1400, s7;
	[dreg:$0x2] =	wrdreg s17  }
0x14: {  	[dreg:$0x3] =	wrdreg s1;
	s18 =	sadd.s32 $0x10E00, s5;
	s14 =	sadd.s32 s10, s23  }
0x15: {  	s17 =	sor.u32 $0x1300, s7;
	s1 =	sand.u32 $0x1FFFD000, s24;
	s26 =	sand.u32 $0x1FFFE000, s25  }
0x16: {  	v1 =	vmov s7;
	s0 =	sand.u32 $0x1FFFF000, s0;
	s23 =	sor.u32 $0x1480, s7;
	s24 =	sor.u32 $0x1500, s7  }
0x17: {  	s25 =	sor.u32 $0x1580, s7;
	s5 =	simm.s32 $0x4000;
	[dreg:$0x4] =	wrdreg s18  }
0x18: {  	s18 =	sor.u32 $0x1380, s7;
	s19 =	sadd.s32 s10, s1;
	s21 =	sadd.s32 s10, s26  }
0x19: {  	s22 =	sadd.s32 s10, s0;
	s26 =	sor.u32 $0x1600, s7;
	s1 =	simm.s32 $0x2000  }
0x1a: {  	v2 =	vmov s9;
	s0 =	simm.s32 $0x80;
	s7 =	simm.s32 $0x8000;
	s10 =	simm.s32 $0xA000  }
.LBB2_1:
0x1b: {  	s8 =	rddreg [dreg:$0x2]  }
0x1c: {  	[tilespmem:s2], [sflag:$0x2] =	stream.linear.gather [hbm4b:s8+s2], $0x1000, $0x38;
	[tilespmem:$0xC000] =	vst v63  }
0x1d: {  	_ =	swait.ge [sflag:s31], $0x1000  }
0x1e: {  	[sflag:s31] =	ssyncset.done $0x0  }
0x1f: {  	s12 =	rddreg [dreg:$0x3];
	[sflag:s31] =	ssyncadd.s32 $0xFFFFF000  }
0x20: {  	[tilespmem:s1], [sflag:$0x2] =	stream.linear.gather [hbm4b:s12+s2], $0x1000, $0x38;
	[tilespmem:$0xC000] =	vst v63  }
0x21: {  	_ =	swait.ge [sflag:s31], $0x1000  }
0x22: {  	[sflag:s31] =	ssyncset.done $0x0  }
0x23: {  	s8 =	simm.s32 $0x40;
	s12 =	simm.s32 $0x0;
	[sflag:s31] =	ssyncadd.s32 $0xFFFFF000  }
.LBB2_2:
0x24: {  	p0 =	sne.s32 s8, $0x1FC0;
	v4 =	vld.idx.msk [tilespmem:v1+s12+$0x0 ss:$0x1], $0xffff;
	_ =	sdelay $0x5  }
0x25: {  	v5 =	vadd.s32 v0, v4  }
0x26: {  	[tilespmem:v2+s12+$0x0 ss:$0x1] =	vst.idx.msk $0xffff, v5  }
0x27: {  	v4 =	vld.idx.msk [tilespmem:v4+s1+$0x0], $0xffff;
	_ =	sdelay $0x1  }
.Ltmp0:
0x28: {  	(pc) =	sbr.rel @p0 .LBB2_2-.Ltmp0, $2  }
0x29: {  	_ =	sdelay $0x2  }
0x2a: {  	[tilespmem:v3+s12+$0x0 ss:$0x1] =	vst.idx.msk $0xffff, v4;
	s12 =	sshra.s32 s8, $0x2;
	s8 =	sadd.s32 $0x40, s8  }
0x2b: {  	_ =	sdelay $0x3  }
0x2c: {  	v4 =	vld.idx.msk [tilespmem:v1+s12+$0x0 ss:$0x1], $0xffff;
	_ =	sdelay $0x5  }
0x2d: {  	v5 =	vadd.s32 v0, v4  }
0x2e: {  	[tilespmem:v2+s12+$0x0 ss:$0x1] =	vst.idx.msk $0xffff, v5  }
0x2f: {  	v4 =	vld.idx.msk [tilespmem:v4+s1+$0x0], $0xffff;
	_ =	sdelay $0x4  }
0x30: {  	s8 =	rddreg [dreg:$0x4];
	[tilespmem:v3+s12+$0x0 ss:$0x1] =	vst.idx.msk $0xffff, v4  }
0x31: {  	[hbm4b:s8+s2] =	stream.linear.scatter [tilespmem:s13], [sflag:$0x2], $0x800, $0x38;
	[tilespmem:$0xC000] =	vst v63  }
0x32: {  	_ =	swait.ge [sflag:s31], $0x800  }
0x33: {  	[sflag:s31] =	ssyncset.done $0x0  }
0x34: {  	[sflag:s31] =	ssyncadd.s32 $0xFFFFF800  }
0x35: {  	[tilespmem:s5], [sflag:$0x1] =	stream.indirect.gather [hbm4b:s3+s0], $0x40, s9, s0, $0xb8;
	[tilespmem:$0xC000] =	vst v63  }
0x36: {  	s12 =	rddreg [dreg:$0x6]  }
0x37: {  	[tilespmem:s6], [sflag:$0x1] =	stream.indirect.gather [hbm4b:s3+s0], $0x40, s12, s0, $0xb8;
	[tilespmem:$0xC000] =	vst v63  }
0x38: {  	s12 =	rddreg [dreg:$0x7]  }
0x39: {  	[tilespmem:s7], [sflag:$0x1] =	stream.indirect.gather [hbm4b:s3+s0], $0x40, s12, s0, $0xb8;
	[tilespmem:$0xC000] =	vst v63  }
0x3a: {  	s12 =	rddreg [dreg:$0x8]  }
0x3b: {  	[tilespmem:s10], [sflag:$0x1] =	stream.indirect.gather [hbm4b:s3+s0], $0x40, s12, s0, $0xb8;
	[tilespmem:$0xC000] =	vst v63  }
0x3c: {  	_ =	swait.ge [sflag:s4], $0x2000  }
0x3d: {  	[sflag:s4] =	ssyncset.done $0x0  }
0x3e: {  	[sflag:s4] =	ssyncadd.s32 $0xFFFFE000  }
0x3f: {  	_ =	swait.ge [sflag:s4], $0x2000  }
0x40: {  	[sflag:s4] =	ssyncset.done $0x0  }
0x41: {  	[sflag:s4] =	ssyncadd.s32 $0xFFFFE000  }
0x42: {  	_ =	swait.ge [sflag:s4], $0x2000  }
0x43: {  	[sflag:s4] =	ssyncset.done $0x0  }
0x44: {  	[sflag:s4] =	ssyncadd.s32 $0xFFFFE000  }
0x45: {  	_ =	swait.ge [sflag:s4], $0x2000  }
0x46: {  	[sflag:s4] =	ssyncset.done $0x0  }
0x47: {  	[sflag:s4] =	ssyncadd.s32 $0xFFFFE000  }
0x48: {  	[hbm4b:s14+s2] =	stream.linear.scatter [tilespmem:s5], [sflag:$0x2], $0x8000, $0x38;
	[tilespmem:$0xC000] =	vst v63  }
0x49: {  	_ =	swait.ge [sflag:s31], $0x8000  }
0x4a: {  	[sflag:s31] =	ssyncset.done $0x0  }
0x4b: {  	[sflag:s31] =	ssyncadd.s32 $0xFFFF8000  }
0x4c: {  	[tilespmem:s5], [sflag:$0x1] =	stream.indirect.gather [hbm4b:s3+s0], $0x40, s15, s0, $0xb8;
	[tilespmem:$0xC000] =	vst v63  }
0x4d: {  	_ = 	snop  }
0x4e: {  	[tilespmem:s6], [sflag:$0x1] =	stream.indirect.gather [hbm4b:s3+s0], $0x40, s16, s0, $0xb8;
	[tilespmem:$0xC000] =	vst v63  }
0x4f: {  	_ = 	snop  }
0x50: {  	[tilespmem:s7], [sflag:$0x1] =	stream.indirect.gather [hbm4b:s3+s0], $0x40, s17, s0, $0xb8;
	[tilespmem:$0xC000] =	vst v63  }
0x51: {  	_ = 	snop  }
0x52: {  	[tilespmem:s10], [sflag:$0x1] =	stream.indirect.gather [hbm4b:s3+s0], $0x40, s18, s0, $0xb8;
	[tilespmem:$0xC000] =	vst v63  }
0x53: {  	_ =	swait.ge [sflag:s4], $0x2000  }
0x54: {  	[sflag:s4] =	ssyncset.done $0x0  }
0x55: {  	[sflag:s4] =	ssyncadd.s32 $0xFFFFE000  }
0x56: {  	_ =	swait.ge [sflag:s4], $0x2000  }
0x57: {  	[sflag:s4] =	ssyncset.done $0x0  }
0x58: {  	[sflag:s4] =	ssyncadd.s32 $0xFFFFE000  }
0x59: {  	_ =	swait.ge [sflag:s4], $0x2000  }
0x5a: {  	[sflag:s4] =	ssyncset.done $0x0  }
0x5b: {  	[sflag:s4] =	ssyncadd.s32 $0xFFFFE000  }
0x5c: {  	_ =	swait.ge [sflag:s4], $0x2000  }
0x5d: {  	[sflag:s4] =	ssyncset.done $0x0  }
0x5e: {  	[sflag:s4] =	ssyncadd.s32 $0xFFFFE000  }
0x5f: {  	[hbm4b:s19+s2] =	stream.linear.scatter [tilespmem:s5], [sflag:$0x2], $0x8000, $0x38;
	[tilespmem:$0xC000] =	vst v63  }
0x60: {  	_ =	swait.ge [sflag:s31], $0x8000  }
0x61: {  	[sflag:s31] =	ssyncset.done $0x0  }
0x62: {  	[sflag:s31] =	ssyncadd.s32 $0xFFFF8000  }
0x63: {  	[tilespmem:s5], [sflag:$0x1] =	stream.indirect.gather [hbm4b:s3+s0], $0x40, s20, s0, $0xb8;
	[tilespmem:$0xC000] =	vst v63  }
0x64: {  	_ = 	snop  }
0x65: {  	[tilespmem:s6], [sflag:$0x1] =	stream.indirect.gather [hbm4b:s3+s0], $0x40, s23, s0, $0xb8;
	[tilespmem:$0xC000] =	vst v63  }
0x66: {  	_ = 	snop  }
0x67: {  	[tilespmem:s7], [sflag:$0x1] =	stream.indirect.gather [hbm4b:s3+s0], $0x40, s24, s0, $0xb8;
	[tilespmem:$0xC000] =	vst v63  }
0x68: {  	_ = 	snop  }
0x69: {  	[tilespmem:s10], [sflag:$0x1] =	stream.indirect.gather [hbm4b:s3+s0], $0x40, s25, s0, $0xb8;
	[tilespmem:$0xC000] =	vst v63  }
0x6a: {  	_ =	swait.ge [sflag:s4], $0x2000  }
0x6b: {  	[sflag:s4] =	ssyncset.done $0x0  }
0x6c: {  	[sflag:s4] =	ssyncadd.s32 $0xFFFFE000  }
0x6d: {  	_ =	swait.ge [sflag:s4], $0x2000  }
0x6e: {  	[sflag:s4] =	ssyncset.done $0x0  }
0x6f: {  	[sflag:s4] =	ssyncadd.s32 $0xFFFFE000  }
0x70: {  	_ =	swait.ge [sflag:s4], $0x2000  }
0x71: {  	[sflag:s4] =	ssyncset.done $0x0  }
0x72: {  	[sflag:s4] =	ssyncadd.s32 $0xFFFFE000  }
0x73: {  	_ =	swait.ge [sflag:s4], $0x2000  }
0x74: {  	[sflag:s4] =	ssyncset.done $0x0  }
0x75: {  	[sflag:s4] =	ssyncadd.s32 $0xFFFFE000  }
0x76: {  	[hbm4b:s21+s2] =	stream.linear.scatter [tilespmem:s5], [sflag:$0x2], $0x8000, $0x38;
	[tilespmem:$0xC000] =	vst v63  }
0x77: {  	_ =	swait.ge [sflag:s31], $0x8000  }
0x78: {  	[sflag:s31] =	ssyncset.done $0x0  }
0x79: {  	[sflag:s31] =	ssyncadd.s32 $0xFFFF8000  }
0x7a: {  	[tilespmem:s5], [sflag:$0x1] =	stream.indirect.gather [hbm4b:s3+s0], $0x40, s26, s0, $0xb8;
	[tilespmem:$0xC000] =	vst v63  }
0x7b: {  	_ = 	snop  }
0x7c: {  	[tilespmem:s6], [sflag:$0x1] =	stream.indirect.gather [hbm4b:s3+s0], $0x40, s28, s0, $0xb8;
	[tilespmem:$0xC000] =	vst v63  }
0x7d: {  	_ = 	snop  }
0x7e: {  	[tilespmem:s7], [sflag:$0x1] =	stream.indirect.gather [hbm4b:s3+s0], $0x40, s29, s0, $0xb8;
	[tilespmem:$0xC000] =	vst v63  }
0x7f: {  	_ = 	snop  }
0x80: {  	[tilespmem:s10], [sflag:$0x1] =	stream.indirect.gather [hbm4b:s3+s0], $0x40, s30, s0, $0xb8;
	[tilespmem:$0xC000] =	vst v63  }
0x81: {  	_ =	swait.ge [sflag:s4], $0x2000  }
0x82: {  	[sflag:s4] =	ssyncset.done $0x0  }
0x83: {  	[sflag:s4] =	ssyncadd.s32 $0xFFFFE000  }
0x84: {  	_ =	swait.ge [sflag:s4], $0x2000  }
0x85: {  	[sflag:s4] =	ssyncset.done $0x0  }
0x86: {  	[sflag:s4] =	ssyncadd.s32 $0xFFFFE000  }
0x87: {  	_ =	swait.ge [sflag:s4], $0x2000  }
0x88: {  	[sflag:s4] =	ssyncset.done $0x0  }
0x89: {  	[sflag:s4] =	ssyncadd.s32 $0xFFFFE000  }
0x8a: {  	_ =	swait.ge [sflag:s4], $0x2000  }
0x8b: {  	[sflag:s4] =	ssyncset.done $0x0  }
0x8c: {  	[sflag:s4] =	ssyncadd.s32 $0xFFFFE000  }
0x8d: {  	[hbm4b:s22+s2] =	stream.linear.scatter [tilespmem:s5], [sflag:$0x2], $0x8000, $0x38;
	[tilespmem:$0xC000] =	vst v63  }
0x8e: {  	_ =	swait.ge [sflag:s31], $0x8000  }
0x8f: {  	s11 =	sadd.s32 $0x1, s11;
	s12 =	rddreg [dreg:$0x5]  }
0x90: {  	p0 =	sne.s32 s11, s12  }
.Ltmp1:
0x91: {  	_ = 	snop;
	(pc) =	sbr.rel @p0 .LBB2_1-.Ltmp1, $3  }
0x92: {  	_ =	sdelay $0x1  }
0x93: {  	[sflag:s31] =	ssyncset.done $0x0  }
0x94: {  	[sflag:s31] =	ssyncadd.s32 $0xFFFF8000  }
0x95: {  	_ =	sfence.sel $0x180000  }
0x96: {  	[bflag:$0x0] =	sbarrier.arrive $0xFFFF  }
0x97: {  	_ =	strace $0x9000004D  }
0x98: {  	s0 =	stileid.u32;
	[bflag:$0x2] =	sbarrier.arrive $0xFFFF  }
0x99: {  	p0 =	sne.s32 s0, $0x0;
	s0 =	rddreg [dreg:$0x1]  }
0x9a: {  	s0 =	sadd.s32 @!p0 $0x100000, s0  }
0x9b: {  	[sflag:s0] =	ssyncadd.tile.s32 @!p0 $0x1;
	_ =	shalt  }
.Lfunc_end2:
_tile_overlayer_lowered:
.L_overlay_start_2:
0x9c: {  	(tag) =	ssettag $0x2  }
0x9d: {  	s0 =	rddreg [dreg:$0x0];
	s2 =	stileid.u32  }
0x9e: {  	s1 =	rddreg [dreg:$0x1];
	p0 =	sne.s32 s2, $0x0  }
0x9f: {  	s3 =	rddreg [dreg:$0x2];
	[bflag:$0x3] =	sbarrier.arrive $0xFFFF;
	s2 =	simm.s32 @!p0 $0x1C02  }
0xa0: {  	[timem:s3], [sflag:s2] =	dma.local @!p0 [hbm:s0], s1  }
0xa1: {  	s0 =	simm.s32 @!p0 $0x2  }
0xa2: {  	_ =	swait.ge @!p0 [sflag:s0], s1  }
0xa3: {  	s1 =	ssub.s32 @!p0 $0x0, s1;
	[sflag:s0] =	ssyncset.done @!p0 $0x0  }
0xa4: {  	[sflag:s0] =	ssyncadd.s32 @!p0 s1  }
0xa5: {  	[bflag:$0x3] =	sbarrier.arrive $0xFFFF  }
0xa6: {  	_ =	shalt  }

// kernel: kernel.18.cloned.1.call-start
scs
__scs_entry_jumppad:
0x0: {  	(pc) =	sbr.rel $0x88, $3  }
0x1: {  	(tag) =	ssettag $0x0;
	lr =	simm.s32 $0x1  }
0x2: {  	[smem:$0x3F9F] =	sst lr;
	_ =	strace $0xD0000000  }
0x3: {  	_ = 	snop  }
0x4: {  	_ = 	snop  }
0x5: {  	_ = 	snop  }
0x6: {  	_ = 	snop  }
0x7: {  	_ = 	snop  }
__scs_overlays_trampoline_lowered:
0x8: {  	[smem:$0x3FAE] =	sst s0  }
0x9: {  	[smem:$0x3FAF] =	sst s1  }
0xa: {  	[smem:$0x3FB0] =	sst s2  }
0xb: {  	[smem:$0x3FB1] =	sst s3  }
0xc: {  	[smem:$0x3FB2] =	sst s4  }
0xd: {  	[smem:$0x3FB3] =	sst s5  }
0xe: {  	[smem:$0x3FB4] =	sst s6  }
0xf: {  	[smem:$0x3FB5] =	sst s7  }
0x10: {  	[smem:$0x3FB6] =	sst s8  }
0x11: {  	[smem:$0x3FB7] =	sst s9;
	s0 =	simm.s32 @!p0 $0x0  }
0x12: {  	s1 =	sld [smem:$0x3F9D];
	s0 =	simm.s32 @p0 $0x1  }
0x13: {  	[smem:$0x3FB8] =	sst s0;
	s0 =	simm.s32 @!p1 $0x0  }
0x14: {  	s2 =	sld [smem:$0x3F9C];
	s0 =	simm.s32 @p1 $0x1  }
0x15: {  	[smem:$0x3FB9] =	sst s0;
	s0 =	simm.s32 @!p2 $0x0  }
0x16: {  	s3 =	sld [smem:$0x3FDB];
	s0 =	simm.s32 @p2 $0x1  }
0x17: {  	s4 =	simm.s32 $0x1BF5;
	[smem:$0x3FBB] =	sst s0  }
0x18: {  	s0 =	sld [smem:$0x3F9E];
	_ =	swait.ge [sflag:s4], $0x0  }
0x19: {  	s7 =	sld [smem:$0x3F9F]  }
0x1a: {  	s8 =	sadd.s32 $0xFFFFE003, lr  }
0x1b: {  	s9 =	sadd.s32 $0xFFFFFEF7, lr;
	s5 =	simm.s32 $0xFFFFFFFF;
	p2 =	slt.u32 s8, $0xFFFFF086  }
0x1c: {  	p1 =	slt.u32 s9, $0xF7A;
	s5 =	simm.s32 @!p2 $0x0  }
0x1d: {  	s5 =	simm.s32 @p1 $0x1;
	p0 =	seq.s32 s7, s2  }
0x1e: {  	s7 =	smul.u32 @!p0 $0xF7A, s2;
	p2 =	seq.s32 @!p0 s5, $0x0  }
0x1f: {  	s9 =	smul.u32 $0xF7A, s1;
	s8 =	simm.s32 @!p0 $0x1BF5;
	p2 =	por !p2, p0  }
0x20: {  	[sflag:s8] =	ssyncset.s32 @!p0 $0xFFFFF086;
	s6 =	sadd.s32 @!p0 s3, s7;
	s7 =	simm.s32 @!p0 $0x108  }
0x21: {  	s3 =	sadd.s32 s3, s9;
	s6 =	sadd.s32 @!p0 $0x88, s6;
	s7 =	simm.s32 @p2 $0x1082  }
0x22: {  	[simem:s7], [sflag:s8] =	dma.local @!p0 [hbm:s6], $0xF7A  }
0x23: {  	s9 =	sor.u32 $0xD0000000, s2;
	s6 =	simm.s32 $0x108;
	_ =	swait.ge @!p0 [sflag:s8], $0x0  }
0x24: {  	s3 =	sadd.s32 $0x88, s3;
	s6 =	simm.s32 @!p1 $0x1082;
	[sflag:s4] =	ssyncset.s32 $0xFFFFF086  }
0x25: {  	[simem:s6], [sflag:s4] =	dma.local [hbm:s3], $0xF7A  }
0x26: {  	[smem:$0x3F9F] =	sst s1;
	(tag) =	ssettag s2;
	_ =	strace s9  }
0x27: {  	s1 =	sld [smem:$0x3FAF]  }
0x28: {  	s2 =	sld [smem:$0x3FB0]  }
0x29: {  	s4 =	sld [smem:$0x3FB2]  }
0x2a: {  	p0 =	seq.s32 s5, $0x0;
	s5 =	sld [smem:$0x3FB3]  }
0x2b: {  	s6 =	sld [smem:$0x3FB4]  }
0x2c: {  	s7 =	sld [smem:$0x3FB5]  }
0x2d: {  	s3 =	simm.s32 $0x108;
	s8 =	sld [smem:$0x3FB6]  }
0x2e: {  	s3 =	simm.s32 @!p0 $0x1082;
	s9 =	sld [smem:$0x3FB7]  }
0x2f: {  	lr =	sadd.s32 s0, s3;
	s0 =	sld [smem:$0x3FAE]  }
0x30: {  	s3 =	sld [smem:$0x3FB1]  }
0x31: {  	[smem:$0x3FBA] =	sst s10  }
0x32: {  	s10 =	sld [smem:$0x3FB8];
	_ =	sdelay $0x3  }
0x33: {  	p0 =	seq.s32 s10, $0x1;
	s10 =	sld [smem:$0x3FBA];
	_ =	sdelay $0x3  }
0x34: {  	[smem:$0x3FBA] =	sst s10  }
0x35: {  	s10 =	sld [smem:$0x3FB9];
	_ =	sdelay $0x3  }
0x36: {  	p1 =	seq.s32 s10, $0x1;
	s10 =	sld [smem:$0x3FBA];
	_ =	sdelay $0x3  }
0x37: {  	[smem:$0x3FBA] =	sst s10  }
0x38: {  	s10 =	sld [smem:$0x3FBB]  }
0x39: {  	_ = 	snop;
	(pc) =	sbr.ind lr, $3  }
0x3a: {  	_ = 	snop  }
0x3b: {  	_ = 	snop  }
0x3c: {  	p2 =	seq.s32 s10, $0x1;
	s10 =	sld [smem:$0x3FBA]  }
0x3d: {  	_ =	shalt  }
0x3e: {  	_ =	shalt  }
0x3f: {  	_ =	shalt  }
0x40: {  	_ =	shalt  }
0x41: {  	_ =	shalt  }
0x42: {  	_ =	shalt  }
0x43: {  	_ =	shalt  }
0x44: {  	_ =	shalt  }
0x45: {  	_ =	shalt  }
0x46: {  	_ =	shalt  }
0x47: {  	_ =	shalt  }
0x48: {  	_ =	shalt  }
0x49: {  	_ =	shalt  }
0x4a: {  	_ =	shalt  }
0x4b: {  	_ =	shalt  }
0x4c: {  	_ =	shalt  }
0x4d: {  	_ =	shalt  }
0x4e: {  	_ =	shalt  }
0x4f: {  	_ =	shalt  }
0x50: {  	_ =	shalt  }
0x51: {  	_ =	shalt  }
0x52: {  	_ =	shalt  }
0x53: {  	_ =	shalt  }
0x54: {  	_ =	shalt  }
0x55: {  	_ =	shalt  }
0x56: {  	_ =	shalt  }
0x57: {  	_ =	shalt  }
0x58: {  	_ =	shalt  }
0x59: {  	_ =	shalt  }
0x5a: {  	_ =	shalt  }
0x5b: {  	_ =	shalt  }
0x5c: {  	_ =	shalt  }
0x5d: {  	_ =	shalt  }
0x5e: {  	_ =	shalt  }
0x5f: {  	_ =	shalt  }
0x60: {  	_ =	shalt  }
0x61: {  	_ =	shalt  }
0x62: {  	_ =	shalt  }
0x63: {  	_ =	shalt  }
0x64: {  	_ =	shalt  }
0x65: {  	_ =	shalt  }
0x66: {  	_ =	shalt  }
0x67: {  	_ =	shalt  }
0x68: {  	_ =	shalt  }
0x69: {  	_ =	shalt  }
0x6a: {  	_ =	shalt  }
0x6b: {  	_ =	shalt  }
0x6c: {  	_ =	shalt  }
0x6d: {  	_ =	shalt  }
0x6e: {  	_ =	shalt  }
0x6f: {  	_ =	shalt  }
0x70: {  	_ =	shalt  }
0x71: {  	_ =	shalt  }
0x72: {  	_ =	shalt  }
0x73: {  	_ =	shalt  }
0x74: {  	_ =	shalt  }
0x75: {  	_ =	shalt  }
0x76: {  	_ =	shalt  }
0x77: {  	_ =	shalt  }
0x78: {  	_ =	shalt  }
0x79: {  	_ =	shalt  }
0x7a: {  	_ =	shalt  }
0x7b: {  	_ =	shalt  }
0x7c: {  	_ =	shalt  }
0x7d: {  	_ =	shalt  }
0x7e: {  	_ =	shalt  }
0x7f: {  	_ =	shalt  }
0x80: {  	_ =	shalt  }
0x81: {  	_ =	shalt  }
0x82: {  	_ =	shalt  }
0x83: {  	_ =	shalt  }
0x84: {  	_ =	shalt  }
0x85: {  	_ =	shalt  }
0x86: {  	_ =	shalt  }
0x87: {  	_ =	shalt  }
.Lfunc_end0:
.L_simem_size_0:
called_computation.2_lowered:
.L_overlay_start_0:
0x88: {  	s2 =	sld [smem:$0x3FD9]  }
0x89: {  	s3 =	sld [smem:$0x3FFE];
	_ =	sdelay $0x1  }
0x8a: {  	s1 =	srdreg.scid  }
0x8b: {  	s0 =	sand.u32 $0x1, s1  }
0x8c: {  	s17 =	sshll.u32 s0, $0xA;
	s2 =	sadd.s32 s3, s2  }
0x8d: {  	s2 =	sadd.s32 s2, s17  }
0x8e: {  	[smem:$0x3FC6] =	sst s2  }
0x8f: {  	_ = 	snop  }
0x90: {  	s18 =	sld [smem:$0x3FD0];
	(tm) =	ssettm $0x1  }
0x91: {  	s19 =	sld [smem:$0x3FFB];
	_ =	sdelay $0x3  }
0x92: {  	_ =	strace s19  }
0x93: {  	s2 =	sld [smem:$0x3FFC];
	_ =	sdelay $0x3  }
0x94: {  	_ =	strace s2  }
0x95: {  	s2 =	sld [smem:$0x3FFD];
	_ =	sdelay $0x3  }
0x96: {  	_ =	strace s2  }
0x97: {  	_ =	strace $0x8FFFFFFF  }
0x98: {  	s20 =	sld [smem:$0x3FDB];
	_ =	sdelay $0x1  }
0x99: {  	s4 =	simm.s32 $_scs_section_size  }
0x9a: {  	s5 =	simm.s32 $_size__tile_overlayer_lowered;
	s6 =	simm.s32 $_tile_overlayer_lowered  }
0x9b: {  	s7 =	simm.s32 $0x1BFF;
	s21 =	sshll.u32 s6, $0x1;
	s4 =	sadd.s32 s4, s20  }
0x9c: {  	s22 =	simm.s32 $0x0;
	s5 =	sshll.u32 s5, $0x1;
	s6 =	sadd.s32 s21, s4  }
0x9d: {  	[timem:s22], [sflag:s7] =	dma.local [hbm:s6], s5  }
0x9e: {  	_ =	swait.ge [sflag:s7], s5  }
0x9f: {  	s5 =	ssub.s32 $0x0, s5;
	[sflag:s7] =	ssyncset.done $0x0  }
0xa0: {  	[sflag:s7] =	ssyncadd.s32 s5;
	_ =	sdelay $0x1  }
0xa1: {  	s23 =	simm.s32 $0x1B8B  }
0xa2: {  	_ =	swait.ge [sflag:s23], $0x1  }
0xa3: {  	[sflag:s23] =	ssyncset.done $0x0  }
0xa4: {  	[sflag:s23] =	ssyncadd.s32 $0xFFFFFFFF  }
0xa5: {  	s5 =	sld [smem:$0x0]  }
0xa6: {  	s6 =	sand.u32 $0xFFFFFFFE, s1  }
0xa7: {  	p0 =	sne.s32 s1, s6  }
0xa8: {  	s6 =	sshll.u32 @p0 s6, $0xE  }
0xa9: {  	s6 =	sadd.s32 @p0 $0x11B8D, s6;
	s7 =	sshll.u32 @p0 s5, $0x11  }
0xaa: {  	s6 =	sor.u32 @p0 s7, s6  }
0xab: {  	[sflag:s6] =	ssyncadd.remote.s32 @p0 $0x1;
	_ =	sdelay $0x1  }
0xac: {  	s6 =	simm.s32 @p0 $0x1B8D  }
0xad: {  	_ =	swait.eq @p0 [sflag:s6], $0x1  }
0xae: {  	[sflag:s6] =	ssyncadd.s32 @p0 $0xFFFFFFFF  }
0xaf: {  	s7 =	sshll.u32 @!p0 s1, $0xE  }
0xb0: {  	s7 =	sor.u32 @!p0 $0x4000, s7;
	s6 =	simm.s32 @!p0 $0x1B8D  }
0xb1: {  	s5 =	sshll.u32 @!p0 s5, $0x11;
	s7 =	sadd.s32 @!p0 $0x11B8D, s7;
	_ =	swait.eq @!p0 [sflag:s6], $0x1  }
0xb2: {  	s5 =	sor.u32 @!p0 s5, s7;
	[sflag:s6] =	ssyncadd.s32 @!p0 $0xFFFFFFFF  }
0xb3: {  	s25 =	simm.s32 $0x1B8E;
	s24 =	sld [smem:$0x3FFE];
	[sflag:s5] =	ssyncadd.remote.s32 @!p0 $0x1  }
0xb4: {  	s26 =	simm.s32 $execute0_lowered;
	[smem:$0x3FD2] =	sst s25  }
0xb5: {  	s6 =	sshll.u32 s26, $0x1;
	_ =	strace $0x80000049;
	[dreg:$0x1] =	wrdreg $0xFFFFFFFF  }
0xb6: {  	s28 =	simm.s32 $_size_execute0_lowered;
	s4 =	sadd.s32 s4, s6;
	[dreg:$0x0] =	wrdreg $0x0  }
0xb7: {  	s6 =	sshll.u32 s28, $0x1;
	[dreg:$0x2] =	wrdreg s4  }
0xb8: {  	[dreg:$0x3] =	wrdreg s6  }
0xb9: {  	[dreg:$0x4] =	wrdreg $0xC0  }
0xba: {  	_ =	task [dreg:s22], $0x5FFFF  }
0xbb: {  	[dreg:$0x1] =	wrdreg $0xFFFFFFFF  }
0xbc: {  	[dreg:$0x0] =	wrdreg $0x60  }
0xbd: {  	[dreg:$0x2] =	wrdreg s18  }
0xbe: {  	[dreg:$0x3] =	wrdreg s24  }
0xbf: {  	[dreg:$0x4] =	wrdreg $0xA  }
0xc0: {  	_ =	task.clear_ibuf [dreg:s22], $0x5FFFF;
	_ =	strace $0x90000049  }
0xc1: {  	s29 =	simm.s32 $0xA;
	_ =	strace $0x8000004B  }
0xc2: {  	_ =	swait.ge [sflag:s29], $0x1  }
0xc3: {  	[sflag:s29] =	ssyncadd.s32 $0xFFFFFFFF  }
0xc4: {  	_ =	strace $0x9000004B  }
0xc5: {  	_ =	sfence  }
0xc6: {  	s30 =	sld [smem:$0x0];
	_ =	sdelay $0x2  }
0xc7: {  	s31 =	sshll.u32 s1, $0xD;
	s1 =	sshrl.u32 s1, $0x2  }
0xc8: {  	s4 =	sand.u32 $0x4000, s31;
	s1 =	sadd.s32 s1, s30  }
0xc9: {  	s0 =	sor.u32 s4, s0;
	s1 =	sshll.u32 s1, $0x11  }
0xca: {  	s0 =	sor.u32 s1, s0  }
0xcb: {  	s0 =	sadd.s32 $0x8F2B, s0  }
0xcc: {  	[sflag:s0] =	ssyncadd.remote.s32 $0x1  }
0xcd: {  	_ =	sfence.sel $0xFFFF  }
0xce: {  	[dreg:$0x0] =	wrdreg $0xFFFFFFFF;
	(pc) =	sbr.abs _section_cstart, $3  }
0xcf: {  	[dreg:$0x1] =	wrdreg $0xFFFFFFFF  }
0xd0: {  	_ =	task.clear_ibuf [dreg:s22], $0x2FFFF;
	_ =	strace $0x9FFFFFFF  }
0xd1: {  	(tm) =	ssettm $0x7FFFFFFF  }
tec
execute0_lowered:
.L_overlay_start_1:
0x0: {  	(tag) =	ssettag $0x1  }
0x1: {  	s1 =	srdreg.scid  }
0x2: {  	s0 =	stileid.u32;
	s2 =	rddreg [dreg:$0x0]  }
0x3: {  	s7 =	rddreg [dreg:$0x1];
	s3 =	simm.s32 $0x0;
	s5 =	simm.s32 $0x1  }
0x4: {  	s15 =	simm.s32 $0x80;
	s16 =	simm.s32 $0x2000;
	s17 =	simm.s32 $0xA000  }
0x5: {  	s18 =	simm.s32 $0x4000;
	s19 =	simm.s32 $0xC000;
	s20 =	simm.s32 $0x6000  }
0x6: {  	s21 =	simm.s32 $0xE000;
	s22 =	simm.s32 $0x8000;
	s23 =	simm.s32 $0x10000  }
0x7: {  	s24 =	simm.s32 $0x0;
	s10 =	sand.u32 $0x1, s1;
	[smem:$0x7FF] =	sst s3  }
0x8: {  	s4 =	sadd.s32 $0x84A00, s7;
	s1 =	sor.u32 s10, s0;
	p1 =	seq.s32 s10, $0x1  }
0x9: {  	s13 =	ssub.s32 $0x2, s10;
	s30 =	sshll.u32 s10, $0xE;
	p0 =	seq.s32 s1, $0x0  }
0xa: {  	s31 =	sshll.u32 s10, $0xB;
	s29 =	sshrl.u32 s13, $0x1;
	p0 =	por !p0, !p1  }
0xb: {  	s1 =	rddreg [dreg:$0x2];
	s13 =	ssub.s32 s13, s29;
	p0 =	por !p0, !p0  }
0xc: {  	_ =	strace $0x8000004A;
	s10 =	smax.u32 s13, $0x1;
	s5 =	simm.s32 @!p0 $0x0  }
0xd: {  	s13 =	simm.s32 $0x2;
	s11 =	ssub.s32 s0, s5;
	s5 =	simm.s32 $0x1  }
0xe: {  	s6 =	sshll.u32 s11, $0x9;
	s8 =	sand.u32 $0x7, s11;
	s9 =	sand.u32 $0xE0, s11  }
0xf: {  	p5 =	slt.s32 s11, $0x1;
	p6 =	sne.s32 s8, $0x0;
	s6 =	sand.u32 $0x1FFFFE00, s6  }
0x10: {  	s28 =	sshrl.u32 s9, $0x5;
	s9 =	simm.s32 $0x1;
	p0 =	por !p5, !p6  }
0x11: {  	s8 =	sadd.s32 s28, s11;
	s12 =	sadd.s32 s6, s7;
	p0 =	por !p0, !p0  }
0x12: {  	s6 =	sadd.s32 $0x3C4A00, s7;
	s8 =	sshrl.u32 s8, $0x3;
	s9 =	simm.s32 @!p0 $0x0  }
0x13: {  	s7 =	sadd.s32 $0x2C4A00, s7;
	s11 =	sshll.u32 s11, $0xF;
	s8 =	ssub.s32 s8, s9  }
0x14: {  	s11 =	sor.u32 s30, s11;
	s14 =	sshll.u32 s8, $0xC;
	s8 =	sadd.s32 $0x8A00, s12  }
0x15: {  	v0 =	vlaneseq.u32;
	s12 =	sor.u32 $0x1000, s31;
	s9 =	sadd.s32 $0x4000, s14;
	s14 =	simm.s32 $0x1000  }
.LBB2_1:
0x16: {  	[tilespmem:s3], [sflag:$0x2] =	stream.linear.gather [hbm4b:s8+s3], $0x1000, $0x38;
	[tilespmem:$0x12000] =	vst v63  }
0x17: {  	_ =	swait.ge [sflag:s13], $0x1000  }
0x18: {  	[sflag:s13] =	ssyncset.done $0x0  }
0x19: {  	s25 =	simm.s32 $0x0;
	s26 =	simm.s32 $0x0;
	[sflag:s13] =	ssyncadd.s32 $0xFFFFF000  }
.LBB2_2:
0x1a: {  	v1 =	vld [tilespmem:s25+$0x0];
	_ =	sdelay $0x2  }
0x1b: {  	p0 =	sne.s32 s26, $0xFF0  }
.Ltmp0:
0x1c: {  	_ = 	snop;
	(pc) =	sbr.rel @p0 .LBB2_2-.Ltmp0, $4  }
0x1d: {  	_ = 	snop  }
0x1e: {  	s28 =	sor.u32 s9, s26  }
0x1f: {  	v2 =	vor.u32 s28, v0  }
0x20: {  	s25 =	sadd.s32 $0x10, s25;
	s26 =	sadd.s32 $0x10, s26;
	[tilespmem:v1+s14+$0x0] =	vst.idx.msk $0xffff, v2  }
0x21: {  	s25 =	sadd.s32 $0x0, s12  }
0x22: {  	[tilespmem:s16], [sflag:$0x1] =	stream.indirect.gather [hbm4b:s2+s15], $0x40, s25, s15, $0xb8;
	[tilespmem:$0x12000] =	vst v63  }
0x23: {  	_ = 	snop  }
0x24: {  	[tilespmem:s17], [sflag:$0x1] =	stream.indirect.gather [hbm4b:s4+s15], $0x40, s25, s15, $0xb8;
	[tilespmem:$0x12000] =	vst v63  }
0x25: {  	s26 =	sadd.s32 $0x80, s25  }
0x26: {  	[tilespmem:s18], [sflag:$0x1] =	stream.indirect.gather [hbm4b:s2+s15], $0x40, s26, s15, $0xb8;
	[tilespmem:$0x12000] =	vst v63  }
0x27: {  	_ = 	snop  }
0x28: {  	[tilespmem:s19], [sflag:$0x1] =	stream.indirect.gather [hbm4b:s4+s15], $0x40, s26, s15, $0xb8;
	[tilespmem:$0x12000] =	vst v63  }
0x29: {  	s31 =	sadd.s32 $0x100, s25  }
0x2a: {  	[tilespmem:s20], [sflag:$0x1] =	stream.indirect.gather [hbm4b:s2+s15], $0x40, s31, s15, $0xb8;
	[tilespmem:$0x12000] =	vst v63  }
0x2b: {  	_ = 	snop  }
0x2c: {  	[tilespmem:s21], [sflag:$0x1] =	stream.indirect.gather [hbm4b:s4+s15], $0x40, s31, s15, $0xb8;
	[tilespmem:$0x12000] =	vst v63  }
0x2d: {  	s25 =	sadd.s32 $0x180, s25  }
0x2e: {  	[tilespmem:s22], [sflag:$0x1] =	stream.indirect.gather [hbm4b:s2+s15], $0x40, s25, s15, $0xb8;
	[tilespmem:$0x12000] =	vst v63  }
0x2f: {  	_ = 	snop  }
0x30: {  	[tilespmem:s23], [sflag:$0x1] =	stream.indirect.gather [hbm4b:s4+s15], $0x40, s25, s15, $0xb8;
	[tilespmem:$0x12000] =	vst v63  }
0x31: {  	_ =	swait.ge [sflag:s5], $0x2000  }
0x32: {  	[sflag:s5] =	ssyncset.done $0x0  }
0x33: {  	[sflag:s5] =	ssyncadd.s32 $0xFFFFE000  }
0x34: {  	_ =	swait.ge [sflag:s5], $0x2000  }
0x35: {  	[sflag:s5] =	ssyncset.done $0x0  }
0x36: {  	[sflag:s5] =	ssyncadd.s32 $0xFFFFE000  }
0x37: {  	_ =	swait.ge [sflag:s5], $0x2000  }
0x38: {  	[sflag:s5] =	ssyncset.done $0x0  }
0x39: {  	[sflag:s5] =	ssyncadd.s32 $0xFFFFE000  }
0x3a: {  	_ =	swait.ge [sflag:s5], $0x2000  }
0x3b: {  	[sflag:s5] =	ssyncset.done $0x0  }
0x3c: {  	[sflag:s5] =	ssyncadd.s32 $0xFFFFE000  }
0x3d: {  	_ =	swait.ge [sflag:s5], $0x2000  }
0x3e: {  	[sflag:s5] =	ssyncset.done $0x0  }
0x3f: {  	[sflag:s5] =	ssyncadd.s32 $0xFFFFE000  }
0x40: {  	_ =	swait.ge [sflag:s5], $0x2000  }
0x41: {  	[sflag:s5] =	ssyncset.done $0x0  }
0x42: {  	[sflag:s5] =	ssyncadd.s32 $0xFFFFE000  }
0x43: {  	_ =	swait.ge [sflag:s5], $0x2000  }
0x44: {  	[sflag:s5] =	ssyncset.done $0x0  }
0x45: {  	[sflag:s5] =	ssyncadd.s32 $0xFFFFE000  }
0x46: {  	_ =	swait.ge [sflag:s5], $0x2000  }
0x47: {  	s30 =	sand.u32 $0x1FFFF000, s11;
	[sflag:s5] =	ssyncset.done $0x0  }
0x48: {  	s31 =	sadd.s32 s6, s30;
	[sflag:s5] =	ssyncadd.s32 $0xFFFFE000  }
0x49: {  	[hbm4b:s31+s3] =	stream.linear.scatter [tilespmem:s16], [sflag:$0x2], $0x8000, $0x38;
	[tilespmem:$0x12000] =	vst v63  }
0x4a: {  	_ =	swait.ge [sflag:s13], $0x8000  }
0x4b: {  	[sflag:s13] =	ssyncset.done $0x0  }
0x4c: {  	s25 =	sadd.s32 s7, s30;
	[sflag:s13] =	ssyncadd.s32 $0xFFFF8000  }
0x4d: {  	[hbm4b:s25+s3] =	stream.linear.scatter [tilespmem:s17], [sflag:$0x2], $0x8000, $0x38;
	[tilespmem:$0x12000] =	vst v63  }
0x4e: {  	s29 =	simm.s32 $0x1000;
	_ =	swait.ge [sflag:s13], $0x8000  }
0x4f: {  	s28 =	simm.s32 $0x200;
	s25 =	sadd.s32 $0x1000, s11;
	[sflag:s13] =	ssyncset.done $0x0  }
.LBB2_4:
0x50: {  	s30 =	sadd.s32 s28, s12  }
0x51: {  	[sflag:s13] =	ssyncadd.s32 $0xFFFF8000;
	s28 =	smov.u32 s29;
	s26 =	sadd.s32 $0x800, s29  }
0x52: {  	[tilespmem:s16], [sflag:$0x1] =	stream.indirect.gather [hbm4b:s2+s15], $0x40, s30, s15, $0xb8;
	[tilespmem:$0x12000] =	vst v63  }
0x53: {  	p0 =	sne.s32 s29, $0x1800  }
0x54: {  	[tilespmem:s17], [sflag:$0x1] =	stream.indirect.gather [hbm4b:s4+s15], $0x40, s30, s15, $0xb8;
	[tilespmem:$0x12000] =	vst v63  }
0x55: {  	s29 =	sadd.s32 $0x80, s30  }
0x56: {  	[tilespmem:s18], [sflag:$0x1] =	stream.indirect.gather [hbm4b:s2+s15], $0x40, s29, s15, $0xb8;
	[tilespmem:$0x12000] =	vst v63  }
0x57: {  	_ = 	snop  }
0x58: {  	[tilespmem:s19], [sflag:$0x1] =	stream.indirect.gather [hbm4b:s4+s15], $0x40, s29, s15, $0xb8;
	[tilespmem:$0x12000] =	vst v63  }
0x59: {  	s29 =	sadd.s32 $0x100, s30  }
0x5a: {  	[tilespmem:s20], [sflag:$0x1] =	stream.indirect.gather [hbm4b:s2+s15], $0x40, s29, s15, $0xb8;
	[tilespmem:$0x12000] =	vst v63  }
0x5b: {  	_ = 	snop  }
0x5c: {  	[tilespmem:s21], [sflag:$0x1] =	stream.indirect.gather [hbm4b:s4+s15], $0x40, s29, s15, $0xb8;
	[tilespmem:$0x12000] =	vst v63  }
0x5d: {  	s29 =	sadd.s32 $0x180, s30  }
0x5e: {  	[tilespmem:s22], [sflag:$0x1] =	stream.indirect.gather [hbm4b:s2+s15], $0x40, s29, s15, $0xb8;
	[tilespmem:$0x12000] =	vst v63  }
0x5f: {  	_ = 	snop  }
0x60: {  	[tilespmem:s23], [sflag:$0x1] =	stream.indirect.gather [hbm4b:s4+s15], $0x40, s29, s15, $0xb8;
	[tilespmem:$0x12000] =	vst v63  }
0x61: {  	_ =	swait.ge [sflag:s5], $0x2000  }
0x62: {  	[sflag:s5] =	ssyncset.done $0x0  }
0x63: {  	[sflag:s5] =	ssyncadd.s32 $0xFFFFE000  }
0x64: {  	_ =	swait.ge [sflag:s5], $0x2000  }
0x65: {  	[sflag:s5] =	ssyncset.done $0x0  }
0x66: {  	[sflag:s5] =	ssyncadd.s32 $0xFFFFE000  }
0x67: {  	_ =	swait.ge [sflag:s5], $0x2000  }
0x68: {  	[sflag:s5] =	ssyncset.done $0x0  }
0x69: {  	[sflag:s5] =	ssyncadd.s32 $0xFFFFE000  }
0x6a: {  	_ =	swait.ge [sflag:s5], $0x2000  }
0x6b: {  	[sflag:s5] =	ssyncset.done $0x0  }
0x6c: {  	[sflag:s5] =	ssyncadd.s32 $0xFFFFE000  }
0x6d: {  	_ =	swait.ge [sflag:s5], $0x2000  }
0x6e: {  	[sflag:s5] =	ssyncset.done $0x0  }
0x6f: {  	[sflag:s5] =	ssyncadd.s32 $0xFFFFE000  }
0x70: {  	_ =	swait.ge [sflag:s5], $0x2000  }
0x71: {  	[sflag:s5] =	ssyncset.done $0x0  }
0x72: {  	[sflag:s5] =	ssyncadd.s32 $0xFFFFE000  }
0x73: {  	_ =	swait.ge [sflag:s5], $0x2000  }
0x74: {  	[sflag:s5] =	ssyncset.done $0x0  }
0x75: {  	[sflag:s5] =	ssyncadd.s32 $0xFFFFE000  }
0x76: {  	_ =	swait.ge [sflag:s5], $0x2000  }
0x77: {  	s29 =	sand.u32 $0x1FFFF000, s25;
	[sflag:s5] =	ssyncset.done $0x0  }
0x78: {  	s30 =	sadd.s32 s6, s29;
	[sflag:s5] =	ssyncadd.s32 $0xFFFFE000  }
0x79: {  	[hbm4b:s30+s3] =	stream.linear.scatter [tilespmem:s16], [sflag:$0x2], $0x8000, $0x38;
	[tilespmem:$0x12000] =	vst v63  }
0x7a: {  	_ =	swait.ge [sflag:s13], $0x8000  }
.Ltmp1:
0x7b: {  	[sflag:s13] =	ssyncset.done $0x0;
	(pc) =	sbr.rel @p0 .LBB2_4-.Ltmp1, $4  }
0x7c: {  	s29 =	sadd.s32 s7, s29;
	[sflag:s13] =	ssyncadd.s32 $0xFFFF8000  }
0x7d: {  	[hbm4b:s29+s3] =	stream.linear.scatter [tilespmem:s17], [sflag:$0x2], $0x8000, $0x38;
	[tilespmem:$0x12000] =	vst v63  }
0x7e: {  	s28 =	sshra.s32 s28, $0x2;
	_ =	swait.ge [sflag:s13], $0x8000  }
0x7f: {  	s25 =	sadd.s32 $0x1000, s25;
	s29 =	smov.u32 s26;
	[sflag:s13] =	ssyncset.done $0x0  }
0x80: {  	s26 =	sadd.s32 s28, s12;
	[sflag:s13] =	ssyncadd.s32 $0xFFFF8000  }
0x81: {  	[tilespmem:s16], [sflag:$0x1] =	stream.indirect.gather [hbm4b:s2+s15], $0x40, s26, s15, $0xb8;
	[tilespmem:$0x12000] =	vst v63  }
0x82: {  	_ = 	snop  }
0x83: {  	[tilespmem:s17], [sflag:$0x1] =	stream.indirect.gather [hbm4b:s4+s15], $0x40, s26, s15, $0xb8;
	[tilespmem:$0x12000] =	vst v63  }
0x84: {  	s28 =	sadd.s32 $0x80, s26  }
0x85: {  	[tilespmem:s18], [sflag:$0x1] =	stream.indirect.gather [hbm4b:s2+s15], $0x40, s28, s15, $0xb8;
	[tilespmem:$0x12000] =	vst v63  }
0x86: {  	_ = 	snop  }
0x87: {  	[tilespmem:s19], [sflag:$0x1] =	stream.indirect.gather [hbm4b:s4+s15], $0x40, s28, s15, $0xb8;
	[tilespmem:$0x12000] =	vst v63  }
0x88: {  	s30 =	sadd.s32 $0x100, s26  }
0x89: {  	[tilespmem:s20], [sflag:$0x1] =	stream.indirect.gather [hbm4b:s2+s15], $0x40, s30, s15, $0xb8;
	[tilespmem:$0x12000] =	vst v63  }
0x8a: {  	_ = 	snop  }
0x8b: {  	[tilespmem:s21], [sflag:$0x1] =	stream.indirect.gather [hbm4b:s4+s15], $0x40, s30, s15, $0xb8;
	[tilespmem:$0x12000] =	vst v63  }
0x8c: {  	s26 =	sadd.s32 $0x180, s26  }
0x8d: {  	[tilespmem:s22], [sflag:$0x1] =	stream.indirect.gather [hbm4b:s2+s15], $0x40, s26, s15, $0xb8;
	[tilespmem:$0x12000] =	vst v63  }
0x8e: {  	_ = 	snop  }
0x8f: {  	[tilespmem:s23], [sflag:$0x1] =	stream.indirect.gather [hbm4b:s4+s15], $0x40, s26, s15, $0xb8;
	[tilespmem:$0x12000] =	vst v63  }
0x90: {  	_ =	swait.ge [sflag:s5], $0x2000  }
0x91: {  	[sflag:s5] =	ssyncset.done $0x0  }
0x92: {  	[sflag:s5] =	ssyncadd.s32 $0xFFFFE000  }
0x93: {  	_ =	swait.ge [sflag:s5], $0x2000  }
0x94: {  	[sflag:s5] =	ssyncset.done $0x0  }
0x95: {  	[sflag:s5] =	ssyncadd.s32 $0xFFFFE000  }
0x96: {  	_ =	swait.ge [sflag:s5], $0x2000  }
0x97: {  	[sflag:s5] =	ssyncset.done $0x0  }
0x98: {  	[sflag:s5] =	ssyncadd.s32 $0xFFFFE000  }
0x99: {  	_ =	swait.ge [sflag:s5], $0x2000  }
0x9a: {  	[sflag:s5] =	ssyncset.done $0x0  }
0x9b: {  	[sflag:s5] =	ssyncadd.s32 $0xFFFFE000  }
0x9c: {  	_ =	swait.ge [sflag:s5], $0x2000  }
0x9d: {  	[sflag:s5] =	ssyncset.done $0x0  }
0x9e: {  	[sflag:s5] =	ssyncadd.s32 $0xFFFFE000  }
0x9f: {  	_ =	swait.ge [sflag:s5], $0x2000  }
0xa0: {  	[sflag:s5] =	ssyncset.done $0x0  }
0xa1: {  	[sflag:s5] =	ssyncadd.s32 $0xFFFFE000  }
0xa2: {  	_ =	swait.ge [sflag:s5], $0x2000  }
0xa3: {  	[sflag:s5] =	ssyncset.done $0x0  }
0xa4: {  	[sflag:s5] =	ssyncadd.s32 $0xFFFFE000  }
0xa5: {  	_ =	swait.ge [sflag:s5], $0x2000  }
0xa6: {  	s25 =	sand.u32 $0x1FFFF000, s25;
	[sflag:s5] =	ssyncset.done $0x0  }
0xa7: {  	s31 =	sadd.s32 s6, s25;
	[sflag:s5] =	ssyncadd.s32 $0xFFFFE000  }
0xa8: {  	[hbm4b:s31+s3] =	stream.linear.scatter [tilespmem:s16], [sflag:$0x2], $0x8000, $0x38;
	[tilespmem:$0x12000] =	vst v63  }
0xa9: {  	s24 =	sadd.s32 $0x1, s24;
	_ =	swait.ge [sflag:s13], $0x8000  }
0xaa: {  	p0 =	sne.s32 s24, s10;
	[sflag:s13] =	ssyncset.done $0x0  }
.Ltmp2:
0xab: {  	s25 =	sadd.s32 s7, s25;
	[sflag:s13] =	ssyncadd.s32 $0xFFFF8000;
	(pc) =	sbr.rel @p0 .LBB2_1-.Ltmp2, $4  }
0xac: {  	[hbm4b:s25+s3] =	stream.linear.scatter [tilespmem:s17], [sflag:$0x2], $0x8000, $0x38;
	[tilespmem:$0x12000] =	vst v63  }
0xad: {  	_ =	swait.ge [sflag:s13], $0x8000  }
0xae: {  	[sflag:s13] =	ssyncset.done $0x0  }
0xaf: {  	[sflag:s13] =	ssyncadd.s32 $0xFFFF8000  }
0xb0: {  	_ =	sfence.sel $0x180000  }
0xb1: {  	[bflag:$0x0] =	sbarrier.arrive $0xFFFF  }
0xb2: {  	p0 =	sne.s32 s0, $0x0;
	_ =	strace $0x9000004A  }
0xb3: {  	s0 =	sadd.s32 @!p0 $0x100000, s1;
	[bflag:$0x2] =	sbarrier.arrive $0xFFFF  }
0xb4: {  	[sflag:s0] =	ssyncadd.tile.s32 @!p0 $0x1;
	_ =	shalt  }
.Lfunc_end2:
_tile_overlayer_lowered:
.L_overlay_start_2:
0xb5: {  	(tag) =	ssettag $0x2  }
0xb6: {  	s0 =	rddreg [dreg:$0x0];
	s2 =	stileid.u32  }
0xb7: {  	s1 =	rddreg [dreg:$0x1];
	p0 =	sne.s32 s2, $0x0  }
0xb8: {  	s3 =	rddreg [dreg:$0x2];
	[bflag:$0x3] =	sbarrier.arrive $0xFFFF;
	s2 =	simm.s32 @!p0 $0x1C02  }
0xb9: {  	[timem:s3], [sflag:s2] =	dma.local @!p0 [hbm:s0], s1  }
0xba: {  	s0 =	simm.s32 @!p0 $0x2  }
0xbb: {  	_ =	swait.ge @!p0 [sflag:s0], s1  }
0xbc: {  	s1 =	ssub.s32 @!p0 $0x0, s1;
	[sflag:s0] =	ssyncset.done @!p0 $0x0  }
0xbd: {  	[sflag:s0] =	ssyncadd.s32 @!p0 s1  }
0xbe: {  	[bflag:$0x3] =	sbarrier.arrive $0xFFFF  }
0xbf: {  	_ =	shalt  }

// kernel: kernel.21.cloned.1.call-start
scs
__scs_entry_jumppad:
0x0: {  	(pc) =	sbr.rel $0x88, $3  }
0x1: {  	(tag) =	ssettag $0x0;
	lr =	simm.s32 $0x1  }
0x2: {  	[smem:$0x3F9F] =	sst lr;
	_ =	strace $0xD0000000  }
0x3: {  	_ = 	snop  }
0x4: {  	_ = 	snop  }
0x5: {  	_ = 	snop  }
0x6: {  	_ = 	snop  }
0x7: {  	_ = 	snop  }
__scs_overlays_trampoline_lowered:
0x8: {  	[smem:$0x3FAE] =	sst s0  }
0x9: {  	[smem:$0x3FAF] =	sst s1  }
0xa: {  	[smem:$0x3FB0] =	sst s2  }
0xb: {  	[smem:$0x3FB1] =	sst s3  }
0xc: {  	[smem:$0x3FB2] =	sst s4  }
0xd: {  	[smem:$0x3FB3] =	sst s5  }
0xe: {  	[smem:$0x3FB4] =	sst s6  }
0xf: {  	[smem:$0x3FB5] =	sst s7  }
0x10: {  	[smem:$0x3FB6] =	sst s8  }
0x11: {  	[smem:$0x3FB7] =	sst s9;
	s0 =	simm.s32 @!p0 $0x0  }
0x12: {  	s1 =	sld [smem:$0x3F9D];
	s0 =	simm.s32 @p0 $0x1  }
0x13: {  	[smem:$0x3FB8] =	sst s0;
	s0 =	simm.s32 @!p1 $0x0  }
0x14: {  	s2 =	sld [smem:$0x3F9C];
	s0 =	simm.s32 @p1 $0x1  }
0x15: {  	[smem:$0x3FB9] =	sst s0;
	s0 =	simm.s32 @!p2 $0x0  }
0x16: {  	s3 =	sld [smem:$0x3FDB];
	s0 =	simm.s32 @p2 $0x1  }
0x17: {  	s4 =	simm.s32 $0x1BF5;
	[smem:$0x3FBB] =	sst s0  }
0x18: {  	s0 =	sld [smem:$0x3F9E];
	_ =	swait.ge [sflag:s4], $0x0  }
0x19: {  	s7 =	sld [smem:$0x3F9F]  }
0x1a: {  	s8 =	sadd.s32 $0xFFFFE003, lr  }
0x1b: {  	s9 =	sadd.s32 $0xFFFFFEF7, lr;
	s5 =	simm.s32 $0xFFFFFFFF;
	p2 =	slt.u32 s8, $0xFFFFF086  }
0x1c: {  	p1 =	slt.u32 s9, $0xF7A;
	s5 =	simm.s32 @!p2 $0x0  }
0x1d: {  	s5 =	simm.s32 @p1 $0x1;
	p0 =	seq.s32 s7, s2  }
0x1e: {  	s7 =	smul.u32 @!p0 $0xF7A, s2;
	p2 =	seq.s32 @!p0 s5, $0x0  }
0x1f: {  	s9 =	smul.u32 $0xF7A, s1;
	s8 =	simm.s32 @!p0 $0x1BF5;
	p2 =	por !p2, p0  }
0x20: {  	[sflag:s8] =	ssyncset.s32 @!p0 $0xFFFFF086;
	s6 =	sadd.s32 @!p0 s3, s7;
	s7 =	simm.s32 @!p0 $0x108  }
0x21: {  	s3 =	sadd.s32 s3, s9;
	s6 =	sadd.s32 @!p0 $0x88, s6;
	s7 =	simm.s32 @p2 $0x1082  }
0x22: {  	[simem:s7], [sflag:s8] =	dma.local @!p0 [hbm:s6], $0xF7A  }
0x23: {  	s9 =	sor.u32 $0xD0000000, s2;
	s6 =	simm.s32 $0x108;
	_ =	swait.ge @!p0 [sflag:s8], $0x0  }
0x24: {  	s3 =	sadd.s32 $0x88, s3;
	s6 =	simm.s32 @!p1 $0x1082;
	[sflag:s4] =	ssyncset.s32 $0xFFFFF086  }
0x25: {  	[simem:s6], [sflag:s4] =	dma.local [hbm:s3], $0xF7A  }
0x26: {  	[smem:$0x3F9F] =	sst s1;
	(tag) =	ssettag s2;
	_ =	strace s9  }
0x27: {  	s1 =	sld [smem:$0x3FAF]  }
0x28: {  	s2 =	sld [smem:$0x3FB0]  }
0x29: {  	s4 =	sld [smem:$0x3FB2]  }
0x2a: {  	p0 =	seq.s32 s5, $0x0;
	s5 =	sld [smem:$0x3FB3]  }
0x2b: {  	s6 =	sld [smem:$0x3FB4]  }
0x2c: {  	s7 =	sld [smem:$0x3FB5]  }
0x2d: {  	s3 =	simm.s32 $0x108;
	s8 =	sld [smem:$0x3FB6]  }
0x2e: {  	s3 =	simm.s32 @!p0 $0x1082;
	s9 =	sld [smem:$0x3FB7]  }
0x2f: {  	lr =	sadd.s32 s0, s3;
	s0 =	sld [smem:$0x3FAE]  }
0x30: {  	s3 =	sld [smem:$0x3FB1]  }
0x31: {  	[smem:$0x3FBA] =	sst s10  }
0x32: {  	s10 =	sld [smem:$0x3FB8];
	_ =	sdelay $0x3  }
0x33: {  	p0 =	seq.s32 s10, $0x1;
	s10 =	sld [smem:$0x3FBA];
	_ =	sdelay $0x3  }
0x34: {  	[smem:$0x3FBA] =	sst s10  }
0x35: {  	s10 =	sld [smem:$0x3FB9];
	_ =	sdelay $0x3  }
0x36: {  	p1 =	seq.s32 s10, $0x1;
	s10 =	sld [smem:$0x3FBA];
	_ =	sdelay $0x3  }
0x37: {  	[smem:$0x3FBA] =	sst s10  }
0x38: {  	s10 =	sld [smem:$0x3FBB]  }
0x39: {  	_ = 	snop;
	(pc) =	sbr.ind lr, $3  }
0x3a: {  	_ = 	snop  }
0x3b: {  	_ = 	snop  }
0x3c: {  	p2 =	seq.s32 s10, $0x1;
	s10 =	sld [smem:$0x3FBA]  }
0x3d: {  	_ =	shalt  }
0x3e: {  	_ =	shalt  }
0x3f: {  	_ =	shalt  }
0x40: {  	_ =	shalt  }
0x41: {  	_ =	shalt  }
0x42: {  	_ =	shalt  }
0x43: {  	_ =	shalt  }
0x44: {  	_ =	shalt  }
0x45: {  	_ =	shalt  }
0x46: {  	_ =	shalt  }
0x47: {  	_ =	shalt  }
0x48: {  	_ =	shalt  }
0x49: {  	_ =	shalt  }
0x4a: {  	_ =	shalt  }
0x4b: {  	_ =	shalt  }
0x4c: {  	_ =	shalt  }
0x4d: {  	_ =	shalt  }
0x4e: {  	_ =	shalt  }
0x4f: {  	_ =	shalt  }
0x50: {  	_ =	shalt  }
0x51: {  	_ =	shalt  }
0x52: {  	_ =	shalt  }
0x53: {  	_ =	shalt  }
0x54: {  	_ =	shalt  }
0x55: {  	_ =	shalt  }
0x56: {  	_ =	shalt  }
0x57: {  	_ =	shalt  }
0x58: {  	_ =	shalt  }
0x59: {  	_ =	shalt  }
0x5a: {  	_ =	shalt  }
0x5b: {  	_ =	shalt  }
0x5c: {  	_ =	shalt  }
0x5d: {  	_ =	shalt  }
0x5e: {  	_ =	shalt  }
0x5f: {  	_ =	shalt  }
0x60: {  	_ =	shalt  }
0x61: {  	_ =	shalt  }
0x62: {  	_ =	shalt  }
0x63: {  	_ =	shalt  }
0x64: {  	_ =	shalt  }
0x65: {  	_ =	shalt  }
0x66: {  	_ =	shalt  }
0x67: {  	_ =	shalt  }
0x68: {  	_ =	shalt  }
0x69: {  	_ =	shalt  }
0x6a: {  	_ =	shalt  }
0x6b: {  	_ =	shalt  }
0x6c: {  	_ =	shalt  }
0x6d: {  	_ =	shalt  }
0x6e: {  	_ =	shalt  }
0x6f: {  	_ =	shalt  }
0x70: {  	_ =	shalt  }
0x71: {  	_ =	shalt  }
0x72: {  	_ =	shalt  }
0x73: {  	_ =	shalt  }
0x74: {  	_ =	shalt  }
0x75: {  	_ =	shalt  }
0x76: {  	_ =	shalt  }
0x77: {  	_ =	shalt  }
0x78: {  	_ =	shalt  }
0x79: {  	_ =	shalt  }
0x7a: {  	_ =	shalt  }
0x7b: {  	_ =	shalt  }
0x7c: {  	_ =	shalt  }
0x7d: {  	_ =	shalt  }
0x7e: {  	_ =	shalt  }
0x7f: {  	_ =	shalt  }
0x80: {  	_ =	shalt  }
0x81: {  	_ =	shalt  }
0x82: {  	_ =	shalt  }
0x83: {  	_ =	shalt  }
0x84: {  	_ =	shalt  }
0x85: {  	_ =	shalt  }
0x86: {  	_ =	shalt  }
0x87: {  	_ =	shalt  }
.Lfunc_end0:
.L_simem_size_0:
called_computation.3_lowered:
.L_overlay_start_0:
0x88: {  	s2 =	sld [smem:$0x3FD9]  }
0x89: {  	s3 =	sld [smem:$0x3FFE];
	_ =	sdelay $0x1  }
0x8a: {  	s1 =	srdreg.scid  }
0x8b: {  	s0 =	sand.u32 $0x1, s1  }
0x8c: {  	s17 =	sshll.u32 s0, $0xA;
	s2 =	sadd.s32 s3, s2  }
0x8d: {  	s2 =	sadd.s32 s2, s17  }
0x8e: {  	[smem:$0x3FC6] =	sst s2  }
0x8f: {  	_ = 	snop  }
0x90: {  	s18 =	sld [smem:$0x3FD0];
	(tm) =	ssettm $0x1  }
0x91: {  	s19 =	sld [smem:$0x3FFB];
	_ =	sdelay $0x3  }
0x92: {  	_ =	strace s19  }
0x93: {  	s2 =	sld [smem:$0x3FFC];
	_ =	sdelay $0x3  }
0x94: {  	_ =	strace s2  }
0x95: {  	s2 =	sld [smem:$0x3FFD];
	_ =	sdelay $0x3  }
0x96: {  	_ =	strace s2  }
0x97: {  	_ =	strace $0x8FFFFFFF  }
0x98: {  	s20 =	sld [smem:$0x3FDB];
	_ =	sdelay $0x1  }
0x99: {  	s4 =	simm.s32 $_scs_section_size  }
0x9a: {  	s5 =	simm.s32 $_size__tile_overlayer_lowered;
	s6 =	simm.s32 $_tile_overlayer_lowered  }
0x9b: {  	s7 =	simm.s32 $0x1BFF;
	s21 =	sshll.u32 s6, $0x1;
	s4 =	sadd.s32 s4, s20  }
0x9c: {  	s22 =	simm.s32 $0x0;
	s5 =	sshll.u32 s5, $0x1;
	s6 =	sadd.s32 s21, s4  }
0x9d: {  	[timem:s22], [sflag:s7] =	dma.local [hbm:s6], s5  }
0x9e: {  	_ =	swait.ge [sflag:s7], s5  }
0x9f: {  	s5 =	ssub.s32 $0x0, s5;
	[sflag:s7] =	ssyncset.done $0x0  }
0xa0: {  	[sflag:s7] =	ssyncadd.s32 s5;
	_ =	sdelay $0x1  }
0xa1: {  	s23 =	simm.s32 $0x1B8B  }
0xa2: {  	_ =	swait.ge [sflag:s23], $0x1  }
0xa3: {  	[sflag:s23] =	ssyncset.done $0x0  }
0xa4: {  	[sflag:s23] =	ssyncadd.s32 $0xFFFFFFFF  }
0xa5: {  	s5 =	sld [smem:$0x0]  }
0xa6: {  	s6 =	sand.u32 $0xFFFFFFFE, s1  }
0xa7: {  	p0 =	sne.s32 s1, s6  }
0xa8: {  	s6 =	sshll.u32 @p0 s6, $0xE  }
0xa9: {  	s6 =	sadd.s32 @p0 $0x11B8D, s6;
	s7 =	sshll.u32 @p0 s5, $0x11  }
0xaa: {  	s6 =	sor.u32 @p0 s7, s6  }
0xab: {  	[sflag:s6] =	ssyncadd.remote.s32 @p0 $0x1;
	_ =	sdelay $0x1  }
0xac: {  	s6 =	simm.s32 @p0 $0x1B8D  }
0xad: {  	_ =	swait.eq @p0 [sflag:s6], $0x1  }
0xae: {  	[sflag:s6] =	ssyncadd.s32 @p0 $0xFFFFFFFF  }
0xaf: {  	s7 =	sshll.u32 @!p0 s1, $0xE  }
0xb0: {  	s7 =	sor.u32 @!p0 $0x4000, s7;
	s6 =	simm.s32 @!p0 $0x1B8D  }
0xb1: {  	s5 =	sshll.u32 @!p0 s5, $0x11;
	s7 =	sadd.s32 @!p0 $0x11B8D, s7;
	_ =	swait.eq @!p0 [sflag:s6], $0x1  }
0xb2: {  	s5 =	sor.u32 @!p0 s5, s7;
	[sflag:s6] =	ssyncadd.s32 @!p0 $0xFFFFFFFF  }
0xb3: {  	s25 =	simm.s32 $0x1B8E;
	s24 =	sld [smem:$0x3FFE];
	[sflag:s5] =	ssyncadd.remote.s32 @!p0 $0x1  }
0xb4: {  	s26 =	simm.s32 $execute0_lowered;
	[smem:$0x3FD2] =	sst s25  }
0xb5: {  	s6 =	sshll.u32 s26, $0x1;
	_ =	strace $0x8000004F;
	[dreg:$0x1] =	wrdreg $0xFFFFFFFF  }
0xb6: {  	s28 =	simm.s32 $_size_execute0_lowered;
	s4 =	sadd.s32 s4, s6;
	[dreg:$0x0] =	wrdreg $0x0  }
0xb7: {  	s6 =	sshll.u32 s28, $0x1;
	[dreg:$0x2] =	wrdreg s4  }
0xb8: {  	[dreg:$0x3] =	wrdreg s6  }
0xb9: {  	[dreg:$0x4] =	wrdreg $0xC0  }
0xba: {  	_ =	task [dreg:s22], $0x5FFFF  }
0xbb: {  	[dreg:$0x1] =	wrdreg $0xFFFFFFFF  }
0xbc: {  	[dreg:$0x0] =	wrdreg $0x60  }
0xbd: {  	[dreg:$0x2] =	wrdreg s24  }
0xbe: {  	[dreg:$0x3] =	wrdreg s18  }
0xbf: {  	[dreg:$0x4] =	wrdreg $0xA  }
0xc0: {  	_ =	task.clear_ibuf [dreg:s22], $0x5FFFF;
	_ =	strace $0x9000004F  }
0xc1: {  	s29 =	simm.s32 $0xA;
	_ =	strace $0x80000051  }
0xc2: {  	_ =	swait.ge [sflag:s29], $0x1  }
0xc3: {  	[sflag:s29] =	ssyncadd.s32 $0xFFFFFFFF  }
0xc4: {  	_ =	strace $0x90000051  }
0xc5: {  	_ =	sfence  }
0xc6: {  	s30 =	sld [smem:$0x0];
	_ =	sdelay $0x2  }
0xc7: {  	s31 =	sshll.u32 s1, $0xD;
	s1 =	sshrl.u32 s1, $0x2  }
0xc8: {  	s4 =	sand.u32 $0x4000, s31;
	s1 =	sadd.s32 s1, s30  }
0xc9: {  	s0 =	sor.u32 s4, s0;
	s1 =	sshll.u32 s1, $0x11  }
0xca: {  	s0 =	sor.u32 s1, s0  }
0xcb: {  	s0 =	sadd.s32 $0x8F2B, s0  }
0xcc: {  	[sflag:s0] =	ssyncadd.remote.s32 $0x1  }
0xcd: {  	_ =	sfence.sel $0xFFFF  }
0xce: {  	[dreg:$0x0] =	wrdreg $0xFFFFFFFF;
	(pc) =	sbr.abs _section_cstart, $3  }
0xcf: {  	[dreg:$0x1] =	wrdreg $0xFFFFFFFF  }
0xd0: {  	_ =	task.clear_ibuf [dreg:s22], $0x2FFFF;
	_ =	strace $0x9FFFFFFF  }
0xd1: {  	(tm) =	ssettm $0x7FFFFFFF  }
tec
execute0_lowered:
.L_overlay_start_1:
0x0: {  	(tag) =	ssettag $0x1  }
0x1: {  	s0 =	srdreg.scid  }
0x2: {  	s4 =	stileid.u32;
	s1 =	rddreg [dreg:$0x0]  }
0x3: {  	s5 =	rddreg [dreg:$0x1];
	s3 =	simm.s32 $0x1;
	s0 =	sand.u32 $0x1, s0  }
0x4: {  	s31 =	simm.s32 $0x2;
	s12 =	sadd.s32 $0x1C4A00, s1;
	s2 =	sor.u32 s0, s4  }
0x5: {  	p1 =	seq.s32 s0, $0x1;
	s7 =	sshll.u32 s0, $0xB;
	s0 =	ssub.s32 $0x2, s0  }
0x6: {  	p0 =	seq.s32 s2, $0x0;
	s2 =	simm.s32 $0x0;
	s26 =	sshrl.u32 s0, $0x1  }
0x7: {  	s19 =	sor.u32 $0x1080, s7;
	s21 =	sor.u32 $0x1100, s7;
	s22 =	sor.u32 $0x1180, s7  }
0x8: {  	s15 =	sor.u32 $0x1200, s7;
	s16 =	sor.u32 $0x1280, s7;
	s17 =	sor.u32 $0x1300, s7  }
0x9: {  	s18 =	sor.u32 $0x1380, s7;
	s28 =	sor.u32 $0x1680, s7;
	s29 =	sor.u32 $0x1700, s7  }
0xa: {  	s30 =	sor.u32 $0x1780, s7;
	p0 =	por !p0, !p1;
	[smem:$0x7FF] =	sst s2  }
0xb: {  	p0 =	por !p0, !p0;
	_ =	strace $0x80000050;
	[dreg:$0x7] =	wrdreg s19  }
0xc: {  	s0 =	ssub.s32 s0, s26;
	[dreg:$0x8] =	wrdreg s21;
	s3 =	simm.s32 @!p0 $0x0  }
0xd: {  	s0 =	smax.u32 s0, $0x1;
	[dreg:$0x9] =	wrdreg s22;
	s4 =	ssub.s32 s4, s3  }
0xe: {  	[dreg:$0x6] =	wrdreg s0;
	s3 =	sadd.s32 $0x5C4A00, s1;
	s6 =	sshll.u32 s4, $0xC  }
0xf: {  	s4 =	simm.s32 $0x1;
	s8 =	sshrl.u32 s6, $0x3;
	s10 =	sor.u32 s7, s6  }
0x10: {  	v0 =	vmov s6;
	s6 =	simm.s32 $0x6000;
	s9 =	sadd.s32 s8, s1;
	s11 =	sshrl.u32 s10, $0x3  }
0x11: {  	s5 =	sadd.s32 s5, s8;
	s20 =	sshll.u32 s10, $0x3;
	s10 =	simm.s32 $0xA000  }
0x12: {  	s1 =	sadd.s32 s11, s1;
	s9 =	sadd.s32 $0x8A00, s9;
	[dreg:$0x4] =	wrdreg s5  }
0x13: {  	s11 =	sor.u32 $0x3000, s7;
	s23 =	sand.u32 $0x1FFFC000, s20;
	s24 =	sor.u32 $0x1000, s20  }
0x14: {  	s25 =	sor.u32 $0x2000, s20;
	s0 =	sor.u32 $0x3000, s20;
	s20 =	sor.u32 $0x1400, s7  }
0x15: {  	s5 =	simm.s32 $0x4000;
	[dreg:$0x3] =	wrdreg s9;
	s1 =	sadd.s32 $0x14E00, s1  }
0x16: {  	s9 =	sor.u32 $0x1000, s7;
	s14 =	sadd.s32 s12, s23;
	s26 =	sand.u32 $0x1FFFE000, s25  }
0x17: {  	v1 =	vmov s7;
	s0 =	sand.u32 $0x1FFFF000, s0;
	s23 =	sor.u32 $0x1480, s7;
	s25 =	sor.u32 $0x1580, s7  }
0x18: {  	s13 =	smov.u32 s11;
	v3 =	vmov s11;
	s11 =	simm.s32 $0x0;
	[dreg:$0x5] =	wrdreg s1  }
0x19: {  	s1 =	sand.u32 $0x1FFFD000, s24;
	s21 =	sadd.s32 s12, s26;
	s22 =	sadd.s32 s12, s0  }
0x1a: {  	s24 =	sor.u32 $0x1500, s7;
	s26 =	sor.u32 $0x1600, s7;
	s0 =	simm.s32 $0x80  }
0x1b: {  	v2 =	vmov s9;
	s7 =	simm.s32 $0x8000;
	s19 =	sadd.s32 s12, s1;
	s1 =	simm.s32 $0x2000  }
.LBB2_1:
0x1c: {  	s8 =	rddreg [dreg:$0x3]  }
0x1d: {  	[tilespmem:s2], [sflag:$0x2] =	stream.linear.gather [hbm4b:s8+s2], $0x1000, $0x38;
	[tilespmem:$0xC000] =	vst v63  }
0x1e: {  	_ =	swait.ge [sflag:s31], $0x1000  }
0x1f: {  	[sflag:s31] =	ssyncset.done $0x0  }
0x20: {  	s12 =	rddreg [dreg:$0x4];
	[sflag:s31] =	ssyncadd.s32 $0xFFFFF000  }
0x21: {  	[tilespmem:s1], [sflag:$0x2] =	stream.linear.gather [hbm4b:s12+s2], $0x1000, $0x38;
	[tilespmem:$0xC000] =	vst v63  }
0x22: {  	_ =	swait.ge [sflag:s31], $0x1000  }
0x23: {  	[sflag:s31] =	ssyncset.done $0x0  }
0x24: {  	s8 =	simm.s32 $0x40;
	s12 =	simm.s32 $0x0;
	[sflag:s31] =	ssyncadd.s32 $0xFFFFF000  }
.LBB2_2:
0x25: {  	p0 =	sne.s32 s8, $0x1FC0;
	v4 =	vld.idx.msk [tilespmem:v1+s12+$0x0 ss:$0x1], $0xffff;
	_ =	sdelay $0x5  }
0x26: {  	v5 =	vadd.s32 v0, v4  }
0x27: {  	[tilespmem:v2+s12+$0x0 ss:$0x1] =	vst.idx.msk $0xffff, v5  }
0x28: {  	v4 =	vld.idx.msk [tilespmem:v4+s1+$0x0], $0xffff;
	_ =	sdelay $0x1  }
.Ltmp0:
0x29: {  	(pc) =	sbr.rel @p0 .LBB2_2-.Ltmp0, $2  }
0x2a: {  	_ =	sdelay $0x2  }
0x2b: {  	[tilespmem:v3+s12+$0x0 ss:$0x1] =	vst.idx.msk $0xffff, v4;
	s12 =	sshra.s32 s8, $0x2;
	s8 =	sadd.s32 $0x40, s8  }
0x2c: {  	_ =	sdelay $0x3  }
0x2d: {  	v4 =	vld.idx.msk [tilespmem:v1+s12+$0x0 ss:$0x1], $0xffff;
	_ =	sdelay $0x5  }
0x2e: {  	v5 =	vadd.s32 v0, v4  }
0x2f: {  	[tilespmem:v2+s12+$0x0 ss:$0x1] =	vst.idx.msk $0xffff, v5  }
0x30: {  	v4 =	vld.idx.msk [tilespmem:v4+s1+$0x0], $0xffff;
	_ =	sdelay $0x4  }
0x31: {  	s8 =	rddreg [dreg:$0x5];
	[tilespmem:v3+s12+$0x0 ss:$0x1] =	vst.idx.msk $0xffff, v4  }
0x32: {  	[hbm4b:s8+s2] =	stream.linear.scatter [tilespmem:s13], [sflag:$0x2], $0x800, $0x38;
	[tilespmem:$0xC000] =	vst v63  }
0x33: {  	_ =	swait.ge [sflag:s31], $0x800  }
0x34: {  	[sflag:s31] =	ssyncset.done $0x0  }
0x35: {  	[sflag:s31] =	ssyncadd.s32 $0xFFFFF800  }
0x36: {  	[tilespmem:s5], [sflag:$0x1] =	stream.indirect.gather [hbm4b:s3+s0], $0x40, s9, s0, $0xb8;
	[tilespmem:$0xC000] =	vst v63  }
0x37: {  	s12 =	rddreg [dreg:$0x7]  }
0x38: {  	[tilespmem:s6], [sflag:$0x1] =	stream.indirect.gather [hbm4b:s3+s0], $0x40, s12, s0, $0xb8;
	[tilespmem:$0xC000] =	vst v63  }
0x39: {  	s12 =	rddreg [dreg:$0x8]  }
0x3a: {  	[tilespmem:s7], [sflag:$0x1] =	stream.indirect.gather [hbm4b:s3+s0], $0x40, s12, s0, $0xb8;
	[tilespmem:$0xC000] =	vst v63  }
0x3b: {  	s12 =	rddreg [dreg:$0x9]  }
0x3c: {  	[tilespmem:s10], [sflag:$0x1] =	stream.indirect.gather [hbm4b:s3+s0], $0x40, s12, s0, $0xb8;
	[tilespmem:$0xC000] =	vst v63  }
0x3d: {  	_ =	swait.ge [sflag:s4], $0x2000  }
0x3e: {  	[sflag:s4] =	ssyncset.done $0x0  }
0x3f: {  	[sflag:s4] =	ssyncadd.s32 $0xFFFFE000  }
0x40: {  	_ =	swait.ge [sflag:s4], $0x2000  }
0x41: {  	[sflag:s4] =	ssyncset.done $0x0  }
0x42: {  	[sflag:s4] =	ssyncadd.s32 $0xFFFFE000  }
0x43: {  	_ =	swait.ge [sflag:s4], $0x2000  }
0x44: {  	[sflag:s4] =	ssyncset.done $0x0  }
0x45: {  	[sflag:s4] =	ssyncadd.s32 $0xFFFFE000  }
0x46: {  	_ =	swait.ge [sflag:s4], $0x2000  }
0x47: {  	[sflag:s4] =	ssyncset.done $0x0  }
0x48: {  	[sflag:s4] =	ssyncadd.s32 $0xFFFFE000  }
0x49: {  	[hbm4b:s14+s2] =	stream.linear.scatter [tilespmem:s5], [sflag:$0x2], $0x8000, $0x38;
	[tilespmem:$0xC000] =	vst v63  }
0x4a: {  	_ =	swait.ge [sflag:s31], $0x8000  }
0x4b: {  	[sflag:s31] =	ssyncset.done $0x0  }
0x4c: {  	[sflag:s31] =	ssyncadd.s32 $0xFFFF8000  }
0x4d: {  	[tilespmem:s5], [sflag:$0x1] =	stream.indirect.gather [hbm4b:s3+s0], $0x40, s15, s0, $0xb8;
	[tilespmem:$0xC000] =	vst v63  }
0x4e: {  	_ = 	snop  }
0x4f: {  	[tilespmem:s6], [sflag:$0x1] =	stream.indirect.gather [hbm4b:s3+s0], $0x40, s16, s0, $0xb8;
	[tilespmem:$0xC000] =	vst v63  }
0x50: {  	_ = 	snop  }
0x51: {  	[tilespmem:s7], [sflag:$0x1] =	stream.indirect.gather [hbm4b:s3+s0], $0x40, s17, s0, $0xb8;
	[tilespmem:$0xC000] =	vst v63  }
0x52: {  	_ = 	snop  }
0x53: {  	[tilespmem:s10], [sflag:$0x1] =	stream.indirect.gather [hbm4b:s3+s0], $0x40, s18, s0, $0xb8;
	[tilespmem:$0xC000] =	vst v63  }
0x54: {  	_ =	swait.ge [sflag:s4], $0x2000  }
0x55: {  	[sflag:s4] =	ssyncset.done $0x0  }
0x56: {  	[sflag:s4] =	ssyncadd.s32 $0xFFFFE000  }
0x57: {  	_ =	swait.ge [sflag:s4], $0x2000  }
0x58: {  	[sflag:s4] =	ssyncset.done $0x0  }
0x59: {  	[sflag:s4] =	ssyncadd.s32 $0xFFFFE000  }
0x5a: {  	_ =	swait.ge [sflag:s4], $0x2000  }
0x5b: {  	[sflag:s4] =	ssyncset.done $0x0  }
0x5c: {  	[sflag:s4] =	ssyncadd.s32 $0xFFFFE000  }
0x5d: {  	_ =	swait.ge [sflag:s4], $0x2000  }
0x5e: {  	[sflag:s4] =	ssyncset.done $0x0  }
0x5f: {  	[sflag:s4] =	ssyncadd.s32 $0xFFFFE000  }
0x60: {  	[hbm4b:s19+s2] =	stream.linear.scatter [tilespmem:s5], [sflag:$0x2], $0x8000, $0x38;
	[tilespmem:$0xC000] =	vst v63  }
0x61: {  	_ =	swait.ge [sflag:s31], $0x8000  }
0x62: {  	[sflag:s31] =	ssyncset.done $0x0  }
0x63: {  	[sflag:s31] =	ssyncadd.s32 $0xFFFF8000  }
0x64: {  	[tilespmem:s5], [sflag:$0x1] =	stream.indirect.gather [hbm4b:s3+s0], $0x40, s20, s0, $0xb8;
	[tilespmem:$0xC000] =	vst v63  }
0x65: {  	_ = 	snop  }
0x66: {  	[tilespmem:s6], [sflag:$0x1] =	stream.indirect.gather [hbm4b:s3+s0], $0x40, s23, s0, $0xb8;
	[tilespmem:$0xC000] =	vst v63  }
0x67: {  	_ = 	snop  }
0x68: {  	[tilespmem:s7], [sflag:$0x1] =	stream.indirect.gather [hbm4b:s3+s0], $0x40, s24, s0, $0xb8;
	[tilespmem:$0xC000] =	vst v63  }
0x69: {  	_ = 	snop  }
0x6a: {  	[tilespmem:s10], [sflag:$0x1] =	stream.indirect.gather [hbm4b:s3+s0], $0x40, s25, s0, $0xb8;
	[tilespmem:$0xC000] =	vst v63  }
0x6b: {  	_ =	swait.ge [sflag:s4], $0x2000  }
0x6c: {  	[sflag:s4] =	ssyncset.done $0x0  }
0x6d: {  	[sflag:s4] =	ssyncadd.s32 $0xFFFFE000  }
0x6e: {  	_ =	swait.ge [sflag:s4], $0x2000  }
0x6f: {  	[sflag:s4] =	ssyncset.done $0x0  }
0x70: {  	[sflag:s4] =	ssyncadd.s32 $0xFFFFE000  }
0x71: {  	_ =	swait.ge [sflag:s4], $0x2000  }
0x72: {  	[sflag:s4] =	ssyncset.done $0x0  }
0x73: {  	[sflag:s4] =	ssyncadd.s32 $0xFFFFE000  }
0x74: {  	_ =	swait.ge [sflag:s4], $0x2000  }
0x75: {  	[sflag:s4] =	ssyncset.done $0x0  }
0x76: {  	[sflag:s4] =	ssyncadd.s32 $0xFFFFE000  }
0x77: {  	[hbm4b:s21+s2] =	stream.linear.scatter [tilespmem:s5], [sflag:$0x2], $0x8000, $0x38;
	[tilespmem:$0xC000] =	vst v63  }
0x78: {  	_ =	swait.ge [sflag:s31], $0x8000  }
0x79: {  	[sflag:s31] =	ssyncset.done $0x0  }
0x7a: {  	[sflag:s31] =	ssyncadd.s32 $0xFFFF8000  }
0x7b: {  	[tilespmem:s5], [sflag:$0x1] =	stream.indirect.gather [hbm4b:s3+s0], $0x40, s26, s0, $0xb8;
	[tilespmem:$0xC000] =	vst v63  }
0x7c: {  	_ = 	snop  }
0x7d: {  	[tilespmem:s6], [sflag:$0x1] =	stream.indirect.gather [hbm4b:s3+s0], $0x40, s28, s0, $0xb8;
	[tilespmem:$0xC000] =	vst v63  }
0x7e: {  	_ = 	snop  }
0x7f: {  	[tilespmem:s7], [sflag:$0x1] =	stream.indirect.gather [hbm4b:s3+s0], $0x40, s29, s0, $0xb8;
	[tilespmem:$0xC000] =	vst v63  }
0x80: {  	_ = 	snop  }
0x81: {  	[tilespmem:s10], [sflag:$0x1] =	stream.indirect.gather [hbm4b:s3+s0], $0x40, s30, s0, $0xb8;
	[tilespmem:$0xC000] =	vst v63  }
0x82: {  	_ =	swait.ge [sflag:s4], $0x2000  }
0x83: {  	[sflag:s4] =	ssyncset.done $0x0  }
0x84: {  	[sflag:s4] =	ssyncadd.s32 $0xFFFFE000  }
0x85: {  	_ =	swait.ge [sflag:s4], $0x2000  }
0x86: {  	[sflag:s4] =	ssyncset.done $0x0  }
0x87: {  	[sflag:s4] =	ssyncadd.s32 $0xFFFFE000  }
0x88: {  	_ =	swait.ge [sflag:s4], $0x2000  }
0x89: {  	[sflag:s4] =	ssyncset.done $0x0  }
0x8a: {  	[sflag:s4] =	ssyncadd.s32 $0xFFFFE000  }
0x8b: {  	_ =	swait.ge [sflag:s4], $0x2000  }
0x8c: {  	[sflag:s4] =	ssyncset.done $0x0  }
0x8d: {  	[sflag:s4] =	ssyncadd.s32 $0xFFFFE000  }
0x8e: {  	[hbm4b:s22+s2] =	stream.linear.scatter [tilespmem:s5], [sflag:$0x2], $0x8000, $0x38;
	[tilespmem:$0xC000] =	vst v63  }
0x8f: {  	_ =	swait.ge [sflag:s31], $0x8000  }
0x90: {  	s11 =	sadd.s32 $0x1, s11;
	s12 =	rddreg [dreg:$0x6]  }
0x91: {  	p0 =	sne.s32 s11, s12  }
.Ltmp1:
0x92: {  	_ = 	snop;
	(pc) =	sbr.rel @p0 .LBB2_1-.Ltmp1, $3  }
0x93: {  	_ =	sdelay $0x1  }
0x94: {  	[sflag:s31] =	ssyncset.done $0x0  }
0x95: {  	[sflag:s31] =	ssyncadd.s32 $0xFFFF8000  }
0x96: {  	_ =	sfence.sel $0x180000  }
0x97: {  	[bflag:$0x0] =	sbarrier.arrive $0xFFFF  }
0x98: {  	_ =	strace $0x90000050  }
0x99: {  	s0 =	stileid.u32;
	[bflag:$0x2] =	sbarrier.arrive $0xFFFF  }
0x9a: {  	p0 =	sne.s32 s0, $0x0;
	s0 =	rddreg [dreg:$0x2]  }
0x9b: {  	s0 =	sadd.s32 @!p0 $0x100000, s0  }
0x9c: {  	[sflag:s0] =	ssyncadd.tile.s32 @!p0 $0x1;
	_ =	shalt  }
.Lfunc_end2:
_tile_overlayer_lowered:
.L_overlay_start_2:
0x9d: {  	(tag) =	ssettag $0x2  }
0x9e: {  	s0 =	rddreg [dreg:$0x0];
	s2 =	stileid.u32  }
0x9f: {  	s1 =	rddreg [dreg:$0x1];
	p0 =	sne.s32 s2, $0x0  }
0xa0: {  	s3 =	rddreg [dreg:$0x2];
	[bflag:$0x3] =	sbarrier.arrive $0xFFFF;
	s2 =	simm.s32 @!p0 $0x1C02  }
0xa1: {  	[timem:s3], [sflag:s2] =	dma.local @!p0 [hbm:s0], s1  }
0xa2: {  	s0 =	simm.s32 @!p0 $0x2  }
0xa3: {  	_ =	swait.ge @!p0 [sflag:s0], s1  }
0xa4: {  	s1 =	ssub.s32 @!p0 $0x0, s1;
	[sflag:s0] =	ssyncset.done @!p0 $0x0  }
0xa5: {  	[sflag:s0] =	ssyncadd.s32 @!p0 s1  }
0xa6: {  	[bflag:$0x3] =	sbarrier.arrive $0xFFFF  }
0xa7: {  	_ =	shalt  }

</sc_bundles>
